<compile_context>
chip_gen: v7x
topology: tpu7x:2x2x1
jax: 0.10.2.dev20260603
libtpu: 0.0.44.dev20260713+nightly
codegen_flags: <defaults>
</compile_context>

<pallas_src>
import functools

import jax
import jax.numpy as jnp
from jax import lax
from jax.experimental import pallas as pl
from jax.experimental.pallas import tpu as pltpu
from jax.experimental.pallas import tpu_sc as plsc

BATCH = 16384
N_FIELDS = 26
TABLE = 1_000_000

_info = plsc.get_sparse_core_info()
_NC, _NS, _L = _info.num_cores, _info.num_subcores, _info.num_lanes
_NW = _NC * _NS
_BPW = BATCH // _NW
_IDX_PER_W = _BPW * N_FIELDS

_CH2 = 3912
_NCH = 16
_TCH = _CH2 * _NCH
_TLAST = TABLE - (_NS - 1) * _TCH
_NFULL_LAST = _TLAST // _CH2
_REM = _TLAST - _NFULL_LAST * _CH2

_K = 4
_SUB_IDX = _IDX_PER_W // _K
_CPS = (_BPW // _L) // _K


def _make_kernel():
    mesh = plsc.VectorSubcoreMesh(core_axis_name="c", subcore_axis_name="s")

    @functools.partial(
        pl.kernel,
        mesh=mesh,
        compiler_params=pltpu.CompilerParams(needs_layout_passes=False),
        out_type=jax.ShapeDtypeStruct((BATCH,), jnp.float32),
        scratch_types=[
            pltpu.VMEM((_IDX_PER_W,), jnp.int32),
            pltpu.VMEM((_IDX_PER_W,), jnp.float32),
            pltpu.VMEM((_BPW,), jnp.float32),
            pltpu.VMEM((_L,), jnp.float32),
            pltpu.VMEM((_CH2,), jnp.float32),
            pltpu.VMEM((_CH2,), jnp.float32),
            pltpu.VMEM_SHARED((TABLE,), jnp.float32),
        ] + [pltpu.SemaphoreType.DMA] * (_K + 4),
    )
    def body(x_hbm, table_hbm, bias_hbm, out_hbm,
             idxf_v, val_v, out_v, bias_v, stage0_v, stage1_v, table_sh,
             *sems):
        sid = lax.axis_index("s")
        wid = sid * _NC + lax.axis_index("c")
        base = wid * _BPW

        idx_cp = pltpu.async_copy(
            x_hbm.at[pl.ds(base * N_FIELDS, _IDX_PER_W)], idxf_v, sems[_K])
        pltpu.sync_copy(bias_hbm, bias_v)

        bufs = (stage0_v, stage1_v)
        in_sems = (sems[_K + 1], sems[_K + 2])
        out_sems = (sems[_K + 3], sems[_K])

        def stage_slice(n_chunks):
            tb = sid * _TCH
            in_h = [None, None]
            out_h = [None, None]
            in_h[0] = pltpu.async_copy(
                table_hbm.at[pl.ds(tb, _CH2)], bufs[0], in_sems[0])
            for j in range(n_chunks):
                b = j & 1
                nb = b ^ 1
                if j + 1 < n_chunks:
                    if out_h[nb] is not None:
                        out_h[nb].wait()
                    in_h[nb] = pltpu.async_copy(
                        table_hbm.at[pl.ds(tb + (j + 1) * _CH2, _CH2)],
                        bufs[nb], in_sems[nb])
                in_h[b].wait()
                out_h[b] = pltpu.async_copy(
                    bufs[b], table_sh.at[pl.ds(tb + j * _CH2, _CH2)],
                    out_sems[b])
            for h in out_h:
                if h is not None:
                    h.wait()

        idx_cp.wait()

        @pl.when(sid < _NS - 1)
        def _():
            stage_slice(_NCH)

        @pl.when(sid == _NS - 1)
        def _():
            stage_slice(_NFULL_LAST)
            o = sid * _TCH + _NFULL_LAST * _CH2
            pltpu.sync_copy(table_hbm.at[pl.ds(o, _REM)],
                            stage0_v.at[pl.ds(0, _REM)])
            pltpu.sync_copy(stage0_v.at[pl.ds(0, _REM)],
                            table_sh.at[pl.ds(o, _REM)])

        plsc.subcore_barrier()

        cps = [
            pltpu.async_copy(
                table_sh.at[idxf_v.at[pl.ds(i * _SUB_IDX, _SUB_IDX)]],
                val_v.at[pl.ds(i * _SUB_IDX, _SUB_IDX)],
                sems[i],
            )
            for i in range(_K)
        ]

        bv = bias_v[...]
        p0 = lax.iota(jnp.int32, _L) * N_FIELDS

        def chunk(k, _):
            pk = p0 + k * (_L * N_FIELDS)

            def field(f, acc):
                return acc + plsc.load_gather(val_v, [pk + f])

            acc = lax.fori_loop(0, N_FIELDS, field, bv, unroll=True)
            out_v[pl.ds(k * _L, _L)] = acc
            return _

        for i in range(_K):
            cps[i].wait()
            lax.fori_loop(i * _CPS, (i + 1) * _CPS, chunk, 0)

        pltpu.sync_copy(out_v, out_hbm.at[pl.ds(base, _BPW)])

    return body


_sc_kernel = _make_kernel()


def kernel(x, fc_weight, bias):
    xf = x.astype(jnp.int32).reshape(BATCH * N_FIELDS)
    tf = fc_weight.reshape(fc_weight.shape[0])
    bias16 = jnp.broadcast_to(bias.astype(jnp.float32), (_L,))
    out = _sc_kernel(xf, tf, bias16)
    return out.reshape(BATCH, 1)

# --- scband reference (transcript-rebuilt; emitter-appended) ---
"""Pipeline reference for scband-linear-features-17514876633703 (READ-ONLY COPY).

The authoritative reference and input builder live on the scoring server;
editing this copy changes nothing except your own understanding.
"""

import jax, jax.numpy as jnp
import numpy as np

FIELD_DIM = 1000000
OUTPUT_DIM = 1
BATCH = 16384
N_FIELDS = 26


def setup_inputs(seed: int = 0) -> dict:
    key = jax.random.key(seed)
    k_idx, k_w = jax.random.split(key)
    x = jax.random.randint(k_idx, (BATCH, N_FIELDS), 0, FIELD_DIM, dtype=jnp.int64 if jax.config.jax_enable_x64 else jnp.int32)
    fc_weight = jax.random.normal(k_w, (FIELD_DIM, OUTPUT_DIM), dtype=jnp.float32) * 0.01
    bias = jnp.zeros((OUTPUT_DIM,), dtype=jnp.float32)
    return {"x": x, "fc_weight": fc_weight, "bias": bias}


def reference(x, fc_weight, bias):
    # Embedding lookup: fc_weight[x] -> [B, n_fields, output_dim]
    emb = jnp.take(fc_weight, x, axis=0)
    # Sum over field dimension (dim=1) and add bias -> [B, output_dim]
    out = jnp.sum(emb, axis=1) + bias
    return out

if __name__ == "__main__":
    import jax
    _d = setup_inputs()
    print(jax.jit(kernel)(*tuple(_d.values())))

</pallas_src>

<mosaic_0001>
#map = affine_map<(d0, d1) -> (0)>
module attributes {stable_mosaic.version = 14 : i64} {
  func.func @body(%arg0: i32, %arg1: i32, %arg2: memref<425984xi32, #tpu.memory_space<hbm>>, %arg3: memref<1000000xf32, #tpu.memory_space<hbm>>, %arg4: memref<16xf32, #tpu.memory_space<hbm>>, %arg5: memref<16384xf32, #tpu.memory_space<hbm>>, %arg6: memref<13312xi32, #tpu.memory_space<vmem>>, %arg7: memref<13312xf32, #tpu.memory_space<vmem>>, %arg8: memref<512xf32, #tpu.memory_space<vmem>>, %arg9: memref<16xf32, #tpu.memory_space<vmem>>, %arg10: memref<3912xf32, #tpu.memory_space<vmem>>, %arg11: memref<3912xf32, #tpu.memory_space<vmem>>, %arg12: memref<1000000xf32, #tpu.memory_space<vmem_shared>>, %arg13: memref<!tpu.dma_semaphore, #tpu.memory_space<semaphore_mem>>, %arg14: memref<!tpu.dma_semaphore, #tpu.memory_space<semaphore_mem>>, %arg15: memref<!tpu.dma_semaphore, #tpu.memory_space<semaphore_mem>>, %arg16: memref<!tpu.dma_semaphore, #tpu.memory_space<semaphore_mem>>, %arg17: memref<!tpu.dma_semaphore, #tpu.memory_space<semaphore_mem>>, %arg18: memref<!tpu.dma_semaphore, #tpu.memory_space<semaphore_mem>>, %arg19: memref<!tpu.dma_semaphore, #tpu.memory_space<semaphore_mem>>, %arg20: memref<!tpu.dma_semaphore, #tpu.memory_space<semaphore_mem>>) attributes {dimension_semantics = [#tpu.dimension_semantics<core_parallel>, #tpu.dimension_semantics<subcore_parallel>], iteration_bounds = array<i64: 2, 16>, scalar_prefetch = 0 : i64, scratch_operands = 15 : i64, tpu.core_type = #tpu.core_type<sc_vector_subcore>, window_params = [{transform_indices = #map}, {transform_indices = #map}, {transform_indices = #map}, {transform_indices = #map}]} {
    %mul3A = arith.constant 2 : i32
    %mul3A_0 = arith.muli %arg1, %mul3A : i32
    %add3A = arith.addi %mul3A_0, %arg0 : i32
    %mul3A_1 = arith.constant 512 : i32
    %mul3A_2 = arith.muli %add3A, %mul3A_1 : i32
    %mul3A_3 = arith.constant 26 : i32
    %mul3A_4 = arith.muli %mul3A_2, %mul3A_3 : i32
    %dma_start3A = tpu.memref_slice %arg2[%mul3A_4] : memref<425984xi32, #tpu.memory_space<hbm>> -> memref<13312xi32, #tpu.memory_space<hbm>>
    %dma_start3A_5 = tpu.memref_slice %arg2[%mul3A_4] : memref<425984xi32, #tpu.memory_space<hbm>> -> memref<13312xi32, #tpu.memory_space<hbm>>
    tpu.enqueue_dma source(%dma_start3A_5 : memref<13312xi32, #tpu.memory_space<hbm>>) target(%arg6 : memref<13312xi32, #tpu.memory_space<vmem>>) target_semaphore(%arg17 : memref<!tpu.dma_semaphore, #tpu.memory_space<semaphore_mem>>)
    "tpu.region"() ({
      %run_scoped3A = tpu.sem_alloc : memref<!tpu.dma_semaphore, #tpu.memory_space<semaphore_mem>>
      tpu.enqueue_dma source(%arg4 : memref<16xf32, #tpu.memory_space<hbm>>) target(%arg9 : memref<16xf32, #tpu.memory_space<vmem>>) target_semaphore(%run_scoped3A : memref<!tpu.dma_semaphore, #tpu.memory_space<semaphore_mem>>)
      tpu.wait_dma2 semaphore(%run_scoped3A : memref<!tpu.dma_semaphore, #tpu.memory_space<semaphore_mem>>) src(%arg4 : memref<16xf32, #tpu.memory_space<hbm>>) dst(%arg9 : memref<16xf32, #tpu.memory_space<vmem>>)
      tpu.yield
    }) : () -> ()
    %dma_wait3A = tpu.memref_slice %arg2[%mul3A_4] : memref<425984xi32, #tpu.memory_space<hbm>> -> memref<13312xi32, #tpu.memory_space<hbm>>
    %dma_wait3A_6 = tpu.memref_slice %arg2[%mul3A_4] : memref<425984xi32, #tpu.memory_space<hbm>> -> memref<13312xi32, #tpu.memory_space<hbm>>
    tpu.wait_dma2 semaphore(%arg17 : memref<!tpu.dma_semaphore, #tpu.memory_space<semaphore_mem>>) src(%dma_wait3A_6 : memref<13312xi32, #tpu.memory_space<hbm>>) dst(%arg6 : memref<13312xi32, #tpu.memory_space<vmem>>)
    %lt3A = arith.constant 15 : i32
    %lt3A_7 = arith.cmpi slt, %arg1, %lt3A : i32
    %convert_element_type3A = arith.extui %lt3A_7 : i1 to i32
    %cond3A = arith.constant 0 : i32
    %cond3A_8 = arith.cmpi ne, %convert_element_type3A, %cond3A : i32
    scf.if %cond3A_8 {
      %mul3A_88 = arith.constant 62592 : i32
      %mul3A_89 = arith.muli %arg1, %mul3A_88 : i32
      %dma_start3A_90 = tpu.memref_slice %arg3[%mul3A_89] : memref<1000000xf32, #tpu.memory_space<hbm>> -> memref<3912xf32, #tpu.memory_space<hbm>>
      %dma_start3A_91 = tpu.memref_slice %arg3[%mul3A_89] : memref<1000000xf32, #tpu.memory_space<hbm>> -> memref<3912xf32, #tpu.memory_space<hbm>>
      tpu.enqueue_dma source(%dma_start3A_91 : memref<3912xf32, #tpu.memory_space<hbm>>) target(%arg10 : memref<3912xf32, #tpu.memory_space<vmem>>) target_semaphore(%arg18 : memref<!tpu.dma_semaphore, #tpu.memory_space<semaphore_mem>>)
      %add3A_92 = arith.constant 3912 : i32
      %add3A_93 = arith.addi %mul3A_89, %add3A_92 : i32
      %dma_start3A_94 = tpu.memref_slice %arg3[%add3A_93] : memref<1000000xf32, #tpu.memory_space<hbm>> -> memref<3912xf32, #tpu.memory_space<hbm>>
      %dma_start3A_95 = tpu.memref_slice %arg3[%add3A_93] : memref<1000000xf32, #tpu.memory_space<hbm>> -> memref<3912xf32, #tpu.memory_space<hbm>>
      tpu.enqueue_dma source(%dma_start3A_95 : memref<3912xf32, #tpu.memory_space<hbm>>) target(%arg11 : memref<3912xf32, #tpu.memory_space<vmem>>) target_semaphore(%arg19 : memref<!tpu.dma_semaphore, #tpu.memory_space<semaphore_mem>>)
      %dma_wait3A_96 = tpu.memref_slice %arg3[%mul3A_89] : memref<1000000xf32, #tpu.memory_space<hbm>> -> memref<3912xf32, #tpu.memory_space<hbm>>
      %dma_wait3A_97 = tpu.memref_slice %arg3[%mul3A_89] : memref<1000000xf32, #tpu.memory_space<hbm>> -> memref<3912xf32, #tpu.memory_space<hbm>>
      tpu.wait_dma2 semaphore(%arg18 : memref<!tpu.dma_semaphore, #tpu.memory_space<semaphore_mem>>) src(%dma_wait3A_97 : memref<3912xf32, #tpu.memory_space<hbm>>) dst(%arg10 : memref<3912xf32, #tpu.memory_space<vmem>>)
      %add3A_98 = arith.constant 0 : i32
      %add3A_99 = arith.addi %mul3A_89, %add3A_98 : i32
      %dma_start3A_100 = tpu.memref_slice %arg12[%add3A_99] : memref<1000000xf32, #tpu.memory_space<vmem_shared>> -> memref<3912xf32, #tpu.memory_space<vmem_shared>>
      %dma_start3A_101 = tpu.memref_slice %arg12[%add3A_99] : memref<1000000xf32, #tpu.memory_space<vmem_shared>> -> memref<3912xf32, #tpu.memory_space<vmem_shared>>
      tpu.enqueue_dma source(%arg10 : memref<3912xf32, #tpu.memory_space<vmem>>) target(%dma_start3A_101 : memref<3912xf32, #tpu.memory_space<vmem_shared>>) target_semaphore(%arg20 : memref<!tpu.dma_semaphore, #tpu.memory_space<semaphore_mem>>)
      %dma_wait3A_102 = tpu.memref_slice %arg12[%add3A_99] : memref<1000000xf32, #tpu.memory_space<vmem_shared>> -> memref<3912xf32, #tpu.memory_space<vmem_shared>>
      %dma_wait3A_103 = tpu.memref_slice %arg12[%add3A_99] : memref<1000000xf32, #tpu.memory_space<vmem_shared>> -> memref<3912xf32, #tpu.memory_space<vmem_shared>>
      tpu.wait_dma2 semaphore(%arg20 : memref<!tpu.dma_semaphore, #tpu.memory_space<semaphore_mem>>) src(%arg10 : memref<3912xf32, #tpu.memory_space<vmem>>) dst(%dma_wait3A_103 : memref<3912xf32, #tpu.memory_space<vmem_shared>>)
      %add3A_104 = arith.constant 7824 : i32
      %add3A_105 = arith.addi %mul3A_89, %add3A_104 : i32
      %dma_start3A_106 = tpu.memref_slice %arg3[%add3A_105] : memref<1000000xf32, #tpu.memory_space<hbm>> -> memref<3912xf32, #tpu.memory_space<hbm>>
      %dma_start3A_107 = tpu.memref_slice %arg3[%add3A_105] : memref<1000000xf32, #tpu.memory_space<hbm>> -> memref<3912xf32, #tpu.memory_space<hbm>>
      tpu.enqueue_dma source(%dma_start3A_107 : memref<3912xf32, #tpu.memory_space<hbm>>) target(%arg10 : memref<3912xf32, #tpu.memory_space<vmem>>) target_semaphore(%arg18 : memref<!tpu.dma_semaphore, #tpu.memory_space<semaphore_mem>>)
      %dma_wait3A_108 = tpu.memref_slice %arg3[%add3A_93] : memref<1000000xf32, #tpu.memory_space<hbm>> -> memref<3912xf32, #tpu.memory_space<hbm>>
      %dma_wait3A_109 = tpu.memref_slice %arg3[%add3A_93] : memref<1000000xf32, #tpu.memory_space<hbm>> -> memref<3912xf32, #tpu.memory_space<hbm>>
      tpu.wait_dma2 semaphore(%arg19 : memref<!tpu.dma_semaphore, #tpu.memory_space<semaphore_mem>>) src(%dma_wait3A_109 : memref<3912xf32, #tpu.memory_space<hbm>>) dst(%arg11 : memref<3912xf32, #tpu.memory_space<vmem>>)
      %add3A_110 = arith.constant 3912 : i32
      %add3A_111 = arith.addi %mul3A_89, %add3A_110 : i32
      %dma_start3A_112 = tpu.memref_slice %arg12[%add3A_111] : memref<1000000xf32, #tpu.memory_space<vmem_shared>> -> memref<3912xf32, #tpu.memory_space<vmem_shared>>
      %dma_start3A_113 = tpu.memref_slice %arg12[%add3A_111] : memref<1000000xf32, #tpu.memory_space<vmem_shared>> -> memref<3912xf32, #tpu.memory_space<vmem_shared>>
      tpu.enqueue_dma source(%arg11 : memref<3912xf32, #tpu.memory_space<vmem>>) target(%dma_start3A_113 : memref<3912xf32, #tpu.memory_space<vmem_shared>>) target_semaphore(%arg17 : memref<!tpu.dma_semaphore, #tpu.memory_space<semaphore_mem>>)
      %dma_wait3A_114 = tpu.memref_slice %arg12[%add3A_111] : memref<1000000xf32, #tpu.memory_space<vmem_shared>> -> memref<3912xf32, #tpu.memory_space<vmem_shared>>
      %dma_wait3A_115 = tpu.memref_slice %arg12[%add3A_111] : memref<1000000xf32, #tpu.memory_space<vmem_shared>> -> memref<3912xf32, #tpu.memory_space<vmem_shared>>
      tpu.wait_dma2 semaphore(%arg17 : memref<!tpu.dma_semaphore, #tpu.memory_space<semaphore_mem>>) src(%arg11 : memref<3912xf32, #tpu.memory_space<vmem>>) dst(%dma_wait3A_115 : memref<3912xf32, #tpu.memory_space<vmem_shared>>)
      %add3A_116 = arith.constant 11736 : i32
      %add3A_117 = arith.addi %mul3A_89, %add3A_116 : i32
      %dma_start3A_118 = tpu.memref_slice %arg3[%add3A_117] : memref<1000000xf32, #tpu.memory_space<hbm>> -> memref<3912xf32, #tpu.memory_space<hbm>>
      %dma_start3A_119 = tpu.memref_slice %arg3[%add3A_117] : memref<1000000xf32, #tpu.memory_space<hbm>> -> memref<3912xf32, #tpu.memory_space<hbm>>
      tpu.enqueue_dma source(%dma_start3A_119 : memref<3912xf32, #tpu.memory_space<hbm>>) target(%arg11 : memref<3912xf32, #tpu.memory_space<vmem>>) target_semaphore(%arg19 : memref<!tpu.dma_semaphore, #tpu.memory_space<semaphore_mem>>)
      %dma_wait3A_120 = tpu.memref_slice %arg3[%add3A_105] : memref<1000000xf32, #tpu.memory_space<hbm>> -> memref<3912xf32, #tpu.memory_space<hbm>>
      %dma_wait3A_121 = tpu.memref_slice %arg3[%add3A_105] : memref<1000000xf32, #tpu.memory_space<hbm>> -> memref<3912xf32, #tpu.memory_space<hbm>>
      tpu.wait_dma2 semaphore(%arg18 : memref<!tpu.dma_semaphore, #tpu.memory_space<semaphore_mem>>) src(%dma_wait3A_121 : memref<3912xf32, #tpu.memory_space<hbm>>) dst(%arg10 : memref<3912xf32, #tpu.memory_space<vmem>>)
      %add3A_122 = arith.constant 7824 : i32
      %add3A_123 = arith.addi %mul3A_89, %add3A_122 : i32
      %dma_start3A_124 = tpu.memref_slice %arg12[%add3A_123] : memref<1000000xf32, #tpu.memory_space<vmem_shared>> -> memref<3912xf32, #tpu.memory_space<vmem_shared>>
      %dma_start3A_125 = tpu.memref_slice %arg12[%add3A_123] : memref<1000000xf32, #tpu.memory_space<vmem_shared>> -> memref<3912xf32, #tpu.memory_space<vmem_shared>>
      tpu.enqueue_dma source(%arg10 : memref<3912xf32, #tpu.memory_space<vmem>>) target(%dma_start3A_125 : memref<3912xf32, #tpu.memory_space<vmem_shared>>) target_semaphore(%arg20 : memref<!tpu.dma_semaphore, #tpu.memory_space<semaphore_mem>>)
      %dma_wait3A_126 = tpu.memref_slice %arg12[%add3A_123] : memref<1000000xf32, #tpu.memory_space<vmem_shared>> -> memref<3912xf32, #tpu.memory_space<vmem_shared>>
      %dma_wait3A_127 = tpu.memref_slice %arg12[%add3A_123] : memref<1000000xf32, #tpu.memory_space<vmem_shared>> -> memref<3912xf32, #tpu.memory_space<vmem_shared>>
      tpu.wait_dma2 semaphore(%arg20 : memref<!tpu.dma_semaphore, #tpu.memory_space<semaphore_mem>>) src(%arg10 : memref<3912xf32, #tpu.memory_space<vmem>>) dst(%dma_wait3A_127 : memref<3912xf32, #tpu.memory_space<vmem_shared>>)
      %add3A_128 = arith.constant 15648 : i32
      %add3A_129 = arith.addi %mul3A_89, %add3A_128 : i32
      %dma_start3A_130 = tpu.memref_slice %arg3[%add3A_129] : memref<1000000xf32, #tpu.memory_space<hbm>> -> memref<3912xf32, #tpu.memory_space<hbm>>
      %dma_start3A_131 = tpu.memref_slice %arg3[%add3A_129] : memref<1000000xf32, #tpu.memory_space<hbm>> -> memref<3912xf32, #tpu.memory_space<hbm>>
      tpu.enqueue_dma source(%dma_start3A_131 : memref<3912xf32, #tpu.memory_space<hbm>>) target(%arg10 : memref<3912xf32, #tpu.memory_space<vmem>>) target_semaphore(%arg18 : memref<!tpu.dma_semaphore, #tpu.memory_space<semaphore_mem>>)
      %dma_wait3A_132 = tpu.memref_slice %arg3[%add3A_117] : memref<1000000xf32, #tpu.memory_space<hbm>> -> memref<3912xf32, #tpu.memory_space<hbm>>
      %dma_wait3A_133 = tpu.memref_slice %arg3[%add3A_117] : memref<1000000xf32, #tpu.memory_space<hbm>> -> memref<3912xf32, #tpu.memory_space<hbm>>
      tpu.wait_dma2 semaphore(%arg19 : memref<!tpu.dma_semaphore, #tpu.memory_space<semaphore_mem>>) src(%dma_wait3A_133 : memref<3912xf32, #tpu.memory_space<hbm>>) dst(%arg11 : memref<3912xf32, #tpu.memory_space<vmem>>)
      %add3A_134 = arith.constant 11736 : i32
      %add3A_135 = arith.addi %mul3A_89, %add3A_134 : i32
      %dma_start3A_136 = tpu.memref_slice %arg12[%add3A_135] : memref<1000000xf32, #tpu.memory_space<vmem_shared>> -> memref<3912xf32, #tpu.memory_space<vmem_shared>>
      %dma_start3A_137 = tpu.memref_slice %arg12[%add3A_135] : memref<1000000xf32, #tpu.memory_space<vmem_shared>> -> memref<3912xf32, #tpu.memory_space<vmem_shared>>
      tpu.enqueue_dma source(%arg11 : memref<3912xf32, #tpu.memory_space<vmem>>) target(%dma_start3A_137 : memref<3912xf32, #tpu.memory_space<vmem_shared>>) target_semaphore(%arg17 : memref<!tpu.dma_semaphore, #tpu.memory_space<semaphore_mem>>)
      %dma_wait3A_138 = tpu.memref_slice %arg12[%add3A_135] : memref<1000000xf32, #tpu.memory_space<vmem_shared>> -> memref<3912xf32, #tpu.memory_space<vmem_shared>>
      %dma_wait3A_139 = tpu.memref_slice %arg12[%add3A_135] : memref<1000000xf32, #tpu.memory_space<vmem_shared>> -> memref<3912xf32, #tpu.memory_space<vmem_shared>>
      tpu.wait_dma2 semaphore(%arg17 : memref<!tpu.dma_semaphore, #tpu.memory_space<semaphore_mem>>) src(%arg11 : memref<3912xf32, #tpu.memory_space<vmem>>) dst(%dma_wait3A_139 : memref<3912xf32, #tpu.memory_space<vmem_shared>>)
      %add3A_140 = arith.constant 19560 : i32
      %add3A_141 = arith.addi %mul3A_89, %add3A_140 : i32
      %dma_start3A_142 = tpu.memref_slice %arg3[%add3A_141] : memref<1000000xf32, #tpu.memory_space<hbm>> -> memref<3912xf32, #tpu.memory_space<hbm>>
      %dma_start3A_143 = tpu.memref_slice %arg3[%add3A_141] : memref<1000000xf32, #tpu.memory_space<hbm>> -> memref<3912xf32, #tpu.memory_space<hbm>>
      tpu.enqueue_dma source(%dma_start3A_143 : memref<3912xf32, #tpu.memory_space<hbm>>) target(%arg11 : memref<3912xf32, #tpu.memory_space<vmem>>) target_semaphore(%arg19 : memref<!tpu.dma_semaphore, #tpu.memory_space<semaphore_mem>>)
      %dma_wait3A_144 = tpu.memref_slice %arg3[%add3A_129] : memref<1000000xf32, #tpu.memory_space<hbm>> -> memref<3912xf32, #tpu.memory_space<hbm>>
      %dma_wait3A_145 = tpu.memref_slice %arg3[%add3A_129] : memref<1000000xf32, #tpu.memory_space<hbm>> -> memref<3912xf32, #tpu.memory_space<hbm>>
      tpu.wait_dma2 semaphore(%arg18 : memref<!tpu.dma_semaphore, #tpu.memory_space<semaphore_mem>>) src(%dma_wait3A_145 : memref<3912xf32, #tpu.memory_space<hbm>>) dst(%arg10 : memref<3912xf32, #tpu.memory_space<vmem>>)
      %add3A_146 = arith.constant 15648 : i32
      %add3A_147 = arith.addi %mul3A_89, %add3A_146 : i32
      %dma_start3A_148 = tpu.memref_slice %arg12[%add3A_147] : memref<1000000xf32, #tpu.memory_space<vmem_shared>> -> memref<3912xf32, #tpu.memory_space<vmem_shared>>
      %dma_start3A_149 = tpu.memref_slice %arg12[%add3A_147] : memref<1000000xf32, #tpu.memory_space<vmem_shared>> -> memref<3912xf32, #tpu.memory_space<vmem_shared>>
      tpu.enqueue_dma source(%arg10 : memref<3912xf32, #tpu.memory_space<vmem>>) target(%dma_start3A_149 : memref<3912xf32, #tpu.memory_space<vmem_shared>>) target_semaphore(%arg20 : memref<!tpu.dma_semaphore, #tpu.memory_space<semaphore_mem>>)
      %dma_wait3A_150 = tpu.memref_slice %arg12[%add3A_147] : memref<1000000xf32, #tpu.memory_space<vmem_shared>> -> memref<3912xf32, #tpu.memory_space<vmem_shared>>
      %dma_wait3A_151 = tpu.memref_slice %arg12[%add3A_147] : memref<1000000xf32, #tpu.memory_space<vmem_shared>> -> memref<3912xf32, #tpu.memory_space<vmem_shared>>
      tpu.wait_dma2 semaphore(%arg20 : memref<!tpu.dma_semaphore, #tpu.memory_space<semaphore_mem>>) src(%arg10 : memref<3912xf32, #tpu.memory_space<vmem>>) dst(%dma_wait3A_151 : memref<3912xf32, #tpu.memory_space<vmem_shared>>)
      %add3A_152 = arith.constant 23472 : i32
      %add3A_153 = arith.addi %mul3A_89, %add3A_152 : i32
      %dma_start3A_154 = tpu.memref_slice %arg3[%add3A_153] : memref<1000000xf32, #tpu.memory_space<hbm>> -> memref<3912xf32, #tpu.memory_space<hbm>>
      %dma_start3A_155 = tpu.memref_slice %arg3[%add3A_153] : memref<1000000xf32, #tpu.memory_space<hbm>> -> memref<3912xf32, #tpu.memory_space<hbm>>
      tpu.enqueue_dma source(%dma_start3A_155 : memref<3912xf32, #tpu.memory_space<hbm>>) target(%arg10 : memref<3912xf32, #tpu.memory_space<vmem>>) target_semaphore(%arg18 : memref<!tpu.dma_semaphore, #tpu.memory_space<semaphore_mem>>)
      %dma_wait3A_156 = tpu.memref_slice %arg3[%add3A_141] : memref<1000000xf32, #tpu.memory_space<hbm>> -> memref<3912xf32, #tpu.memory_space<hbm>>
      %dma_wait3A_157 = tpu.memref_slice %arg3[%add3A_141] : memref<1000000xf32, #tpu.memory_space<hbm>> -> memref<3912xf32, #tpu.memory_space<hbm>>
      tpu.wait_dma2 semaphore(%arg19 : memref<!tpu.dma_semaphore, #tpu.memory_space<semaphore_mem>>) src(%dma_wait3A_157 : memref<3912xf32, #tpu.memory_space<hbm>>) dst(%arg11 : memref<3912xf32, #tpu.memory_space<vmem>>)
      %add3A_158 = arith.constant 19560 : i32
      %add3A_159 = arith.addi %mul3A_89, %add3A_158 : i32
      %dma_start3A_160 = tpu.memref_slice %arg12[%add3A_159] : memref<1000000xf32, #tpu.memory_space<vmem_shared>> -> memref<3912xf32, #tpu.memory_space<vmem_shared>>
      %dma_start3A_161 = tpu.memref_slice %arg12[%add3A_159] : memref<1000000xf32, #tpu.memory_space<vmem_shared>> -> memref<3912xf32, #tpu.memory_space<vmem_shared>>
      tpu.enqueue_dma source(%arg11 : memref<3912xf32, #tpu.memory_space<vmem>>) target(%dma_start3A_161 : memref<3912xf32, #tpu.memory_space<vmem_shared>>) target_semaphore(%arg17 : memref<!tpu.dma_semaphore, #tpu.memory_space<semaphore_mem>>)
      %dma_wait3A_162 = tpu.memref_slice %arg12[%add3A_159] : memref<1000000xf32, #tpu.memory_space<vmem_shared>> -> memref<3912xf32, #tpu.memory_space<vmem_shared>>
      %dma_wait3A_163 = tpu.memref_slice %arg12[%add3A_159] : memref<1000000xf32, #tpu.memory_space<vmem_shared>> -> memref<3912xf32, #tpu.memory_space<vmem_shared>>
      tpu.wait_dma2 semaphore(%arg17 : memref<!tpu.dma_semaphore, #tpu.memory_space<semaphore_mem>>) src(%arg11 : memref<3912xf32, #tpu.memory_space<vmem>>) dst(%dma_wait3A_163 : memref<3912xf32, #tpu.memory_space<vmem_shared>>)
      %add3A_164 = arith.constant 27384 : i32
      %add3A_165 = arith.addi %mul3A_89, %add3A_164 : i32
      %dma_start3A_166 = tpu.memref_slice %arg3[%add3A_165] : memref<1000000xf32, #tpu.memory_space<hbm>> -> memref<3912xf32, #tpu.memory_space<hbm>>
      %dma_start3A_167 = tpu.memref_slice %arg3[%add3A_165] : memref<1000000xf32, #tpu.memory_space<hbm>> -> memref<3912xf32, #tpu.memory_space<hbm>>
      tpu.enqueue_dma source(%dma_start3A_167 : memref<3912xf32, #tpu.memory_space<hbm>>) target(%arg11 : memref<3912xf32, #tpu.memory_space<vmem>>) target_semaphore(%arg19 : memref<!tpu.dma_semaphore, #tpu.memory_space<semaphore_mem>>)
      %dma_wait3A_168 = tpu.memref_slice %arg3[%add3A_153] : memref<1000000xf32, #tpu.memory_space<hbm>> -> memref<3912xf32, #tpu.memory_space<hbm>>
      %dma_wait3A_169 = tpu.memref_slice %arg3[%add3A_153] : memref<1000000xf32, #tpu.memory_space<hbm>> -> memref<3912xf32, #tpu.memory_space<hbm>>
      tpu.wait_dma2 semaphore(%arg18 : memref<!tpu.dma_semaphore, #tpu.memory_space<semaphore_mem>>) src(%dma_wait3A_169 : memref<3912xf32, #tpu.memory_space<hbm>>) dst(%arg10 : memref<3912xf32, #tpu.memory_space<vmem>>)
      %add3A_170 = arith.constant 23472 : i32
      %add3A_171 = arith.addi %mul3A_89, %add3A_170 : i32
      %dma_start3A_172 = tpu.memref_slice %arg12[%add3A_171] : memref<1000000xf32, #tpu.memory_space<vmem_shared>> -> memref<3912xf32, #tpu.memory_space<vmem_shared>>
      %dma_start3A_173 = tpu.memref_slice %arg12[%add3A_171] : memref<1000000xf32, #tpu.memory_space<vmem_shared>> -> memref<3912xf32, #tpu.memory_space<vmem_shared>>
      tpu.enqueue_dma source(%arg10 : memref<3912xf32, #tpu.memory_space<vmem>>) target(%dma_start3A_173 : memref<3912xf32, #tpu.memory_space<vmem_shared>>) target_semaphore(%arg20 : memref<!tpu.dma_semaphore, #tpu.memory_space<semaphore_mem>>)
      %dma_wait3A_174 = tpu.memref_slice %arg12[%add3A_171] : memref<1000000xf32, #tpu.memory_space<vmem_shared>> -> memref<3912xf32, #tpu.memory_space<vmem_shared>>
      %dma_wait3A_175 = tpu.memref_slice %arg12[%add3A_171] : memref<1000000xf32, #tpu.memory_space<vmem_shared>> -> memref<3912xf32, #tpu.memory_space<vmem_shared>>
      tpu.wait_dma2 semaphore(%arg20 : memref<!tpu.dma_semaphore, #tpu.memory_space<semaphore_mem>>) src(%arg10 : memref<3912xf32, #tpu.memory_space<vmem>>) dst(%dma_wait3A_175 : memref<3912xf32, #tpu.memory_space<vmem_shared>>)
      %add3A_176 = arith.constant 31296 : i32
      %add3A_177 = arith.addi %mul3A_89, %add3A_176 : i32
      %dma_start3A_178 = tpu.memref_slice %arg3[%add3A_177] : memref<1000000xf32, #tpu.memory_space<hbm>> -> memref<3912xf32, #tpu.memory_space<hbm>>
      %dma_start3A_179 = tpu.memref_slice %arg3[%add3A_177] : memref<1000000xf32, #tpu.memory_space<hbm>> -> memref<3912xf32, #tpu.memory_space<hbm>>
      tpu.enqueue_dma source(%dma_start3A_179 : memref<3912xf32, #tpu.memory_space<hbm>>) target(%arg10 : memref<3912xf32, #tpu.memory_space<vmem>>) target_semaphore(%arg18 : memref<!tpu.dma_semaphore, #tpu.memory_space<semaphore_mem>>)
      %dma_wait3A_180 = tpu.memref_slice %arg3[%add3A_165] : memref<1000000xf32, #tpu.memory_space<hbm>> -> memref<3912xf32, #tpu.memory_space<hbm>>
      %dma_wait3A_181 = tpu.memref_slice %arg3[%add3A_165] : memref<1000000xf32, #tpu.memory_space<hbm>> -> memref<3912xf32, #tpu.memory_space<hbm>>
      tpu.wait_dma2 semaphore(%arg19 : memref<!tpu.dma_semaphore, #tpu.memory_space<semaphore_mem>>) src(%dma_wait3A_181 : memref<3912xf32, #tpu.memory_space<hbm>>) dst(%arg11 : memref<3912xf32, #tpu.memory_space<vmem>>)
      %add3A_182 = arith.constant 27384 : i32
      %add3A_183 = arith.addi %mul3A_89, %add3A_182 : i32
      %dma_start3A_184 = tpu.memref_slice %arg12[%add3A_183] : memref<1000000xf32, #tpu.memory_space<vmem_shared>> -> memref<3912xf32, #tpu.memory_space<vmem_shared>>
      %dma_start3A_185 = tpu.memref_slice %arg12[%add3A_183] : memref<1000000xf32, #tpu.memory_space<vmem_shared>> -> memref<3912xf32, #tpu.memory_space<vmem_shared>>
      tpu.enqueue_dma source(%arg11 : memref<3912xf32, #tpu.memory_space<vmem>>) target(%dma_start3A_185 : memref<3912xf32, #tpu.memory_space<vmem_shared>>) target_semaphore(%arg17 : memref<!tpu.dma_semaphore, #tpu.memory_space<semaphore_mem>>)
      %dma_wait3A_186 = tpu.memref_slice %arg12[%add3A_183] : memref<1000000xf32, #tpu.memory_space<vmem_shared>> -> memref<3912xf32, #tpu.memory_space<vmem_shared>>
      %dma_wait3A_187 = tpu.memref_slice %arg12[%add3A_183] : memref<1000000xf32, #tpu.memory_space<vmem_shared>> -> memref<3912xf32, #tpu.memory_space<vmem_shared>>
      tpu.wait_dma2 semaphore(%arg17 : memref<!tpu.dma_semaphore, #tpu.memory_space<semaphore_mem>>) src(%arg11 : memref<3912xf32, #tpu.memory_space<vmem>>) dst(%dma_wait3A_187 : memref<3912xf32, #tpu.memory_space<vmem_shared>>)
      %add3A_188 = arith.constant 35208 : i32
      %add3A_189 = arith.addi %mul3A_89, %add3A_188 : i32
      %dma_start3A_190 = tpu.memref_slice %arg3[%add3A_189] : memref<1000000xf32, #tpu.memory_space<hbm>> -> memref<3912xf32, #tpu.memory_space<hbm>>
      %dma_start3A_191 = tpu.memref_slice %arg3[%add3A_189] : memref<1000000xf32, #tpu.memory_space<hbm>> -> memref<3912xf32, #tpu.memory_space<hbm>>
      tpu.enqueue_dma source(%dma_start3A_191 : memref<3912xf32, #tpu.memory_space<hbm>>) target(%arg11 : memref<3912xf32, #tpu.memory_space<vmem>>) target_semaphore(%arg19 : memref<!tpu.dma_semaphore, #tpu.memory_space<semaphore_mem>>)
      %dma_wait3A_192 = tpu.memref_slice %arg3[%add3A_177] : memref<1000000xf32, #tpu.memory_space<hbm>> -> memref<3912xf32, #tpu.memory_space<hbm>>
      %dma_wait3A_193 = tpu.memref_slice %arg3[%add3A_177] : memref<1000000xf32, #tpu.memory_space<hbm>> -> memref<3912xf32, #tpu.memory_space<hbm>>
      tpu.wait_dma2 semaphore(%arg18 : memref<!tpu.dma_semaphore, #tpu.memory_space<semaphore_mem>>) src(%dma_wait3A_193 : memref<3912xf32, #tpu.memory_space<hbm>>) dst(%arg10 : memref<3912xf32, #tpu.memory_space<vmem>>)
      %add3A_194 = arith.constant 31296 : i32
      %add3A_195 = arith.addi %mul3A_89, %add3A_194 : i32
      %dma_start3A_196 = tpu.memref_slice %arg12[%add3A_195] : memref<1000000xf32, #tpu.memory_space<vmem_shared>> -> memref<3912xf32, #tpu.memory_space<vmem_shared>>
      %dma_start3A_197 = tpu.memref_slice %arg12[%add3A_195] : memref<1000000xf32, #tpu.memory_space<vmem_shared>> -> memref<3912xf32, #tpu.memory_space<vmem_shared>>
      tpu.enqueue_dma source(%arg10 : memref<3912xf32, #tpu.memory_space<vmem>>) target(%dma_start3A_197 : memref<3912xf32, #tpu.memory_space<vmem_shared>>) target_semaphore(%arg20 : memref<!tpu.dma_semaphore, #tpu.memory_space<semaphore_mem>>)
      %dma_wait3A_198 = tpu.memref_slice %arg12[%add3A_195] : memref<1000000xf32, #tpu.memory_space<vmem_shared>> -> memref<3912xf32, #tpu.memory_space<vmem_shared>>
      %dma_wait3A_199 = tpu.memref_slice %arg12[%add3A_195] : memref<1000000xf32, #tpu.memory_space<vmem_shared>> -> memref<3912xf32, #tpu.memory_space<vmem_shared>>
      tpu.wait_dma2 semaphore(%arg20 : memref<!tpu.dma_semaphore, #tpu.memory_space<semaphore_mem>>) src(%arg10 : memref<3912xf32, #tpu.memory_space<vmem>>) dst(%dma_wait3A_199 : memref<3912xf32, #tpu.memory_space<vmem_shared>>)
      %add3A_200 = arith.constant 39120 : i32
      %add3A_201 = arith.addi %mul3A_89, %add3A_200 : i32
      %dma_start3A_202 = tpu.memref_slice %arg3[%add3A_201] : memref<1000000xf32, #tpu.memory_space<hbm>> -> memref<3912xf32, #tpu.memory_space<hbm>>
      %dma_start3A_203 = tpu.memref_slice %arg3[%add3A_201] : memref<1000000xf32, #tpu.memory_space<hbm>> -> memref<3912xf32, #tpu.memory_space<hbm>>
      tpu.enqueue_dma source(%dma_start3A_203 : memref<3912xf32, #tpu.memory_space<hbm>>) target(%arg10 : memref<3912xf32, #tpu.memory_space<vmem>>) target_semaphore(%arg18 : memref<!tpu.dma_semaphore, #tpu.memory_space<semaphore_mem>>)
      %dma_wait3A_204 = tpu.memref_slice %arg3[%add3A_189] : memref<1000000xf32, #tpu.memory_space<hbm>> -> memref<3912xf32, #tpu.memory_space<hbm>>
      %dma_wait3A_205 = tpu.memref_slice %arg3[%add3A_189] : memref<1000000xf32, #tpu.memory_space<hbm>> -> memref<3912xf32, #tpu.memory_space<hbm>>
      tpu.wait_dma2 semaphore(%arg19 : memref<!tpu.dma_semaphore, #tpu.memory_space<semaphore_mem>>) src(%dma_wait3A_205 : memref<3912xf32, #tpu.memory_space<hbm>>) dst(%arg11 : memref<3912xf32, #tpu.memory_space<vmem>>)
      %add3A_206 = arith.constant 35208 : i32
      %add3A_207 = arith.addi %mul3A_89, %add3A_206 : i32
      %dma_start3A_208 = tpu.memref_slice %arg12[%add3A_207] : memref<1000000xf32, #tpu.memory_space<vmem_shared>> -> memref<3912xf32, #tpu.memory_space<vmem_shared>>
      %dma_start3A_209 = tpu.memref_slice %arg12[%add3A_207] : memref<1000000xf32, #tpu.memory_space<vmem_shared>> -> memref<3912xf32, #tpu.memory_space<vmem_shared>>
      tpu.enqueue_dma source(%arg11 : memref<3912xf32, #tpu.memory_space<vmem>>) target(%dma_start3A_209 : memref<3912xf32, #tpu.memory_space<vmem_shared>>) target_semaphore(%arg17 : memref<!tpu.dma_semaphore, #tpu.memory_space<semaphore_mem>>)
      %dma_wait3A_210 = tpu.memref_slice %arg12[%add3A_207] : memref<1000000xf32, #tpu.memory_space<vmem_shared>> -> memref<3912xf32, #tpu.memory_space<vmem_shared>>
      %dma_wait3A_211 = tpu.memref_slice %arg12[%add3A_207] : memref<1000000xf32, #tpu.memory_space<vmem_shared>> -> memref<3912xf32, #tpu.memory_space<vmem_shared>>
      tpu.wait_dma2 semaphore(%arg17 : memref<!tpu.dma_semaphore, #tpu.memory_space<semaphore_mem>>) src(%arg11 : memref<3912xf32, #tpu.memory_space<vmem>>) dst(%dma_wait3A_211 : memref<3912xf32, #tpu.memory_space<vmem_shared>>)
      %add3A_212 = arith.constant 43032 : i32
      %add3A_213 = arith.addi %mul3A_89, %add3A_212 : i32
      %dma_start3A_214 = tpu.memref_slice %arg3[%add3A_213] : memref<1000000xf32, #tpu.memory_space<hbm>> -> memref<3912xf32, #tpu.memory_space<hbm>>
      %dma_start3A_215 = tpu.memref_slice %arg3[%add3A_213] : memref<1000000xf32, #tpu.memory_space<hbm>> -> memref<3912xf32, #tpu.memory_space<hbm>>
      tpu.enqueue_dma source(%dma_start3A_215 : memref<3912xf32, #tpu.memory_space<hbm>>) target(%arg11 : memref<3912xf32, #tpu.memory_space<vmem>>) target_semaphore(%arg19 : memref<!tpu.dma_semaphore, #tpu.memory_space<semaphore_mem>>)
      %dma_wait3A_216 = tpu.memref_slice %arg3[%add3A_201] : memref<1000000xf32, #tpu.memory_space<hbm>> -> memref<3912xf32, #tpu.memory_space<hbm>>
      %dma_wait3A_217 = tpu.memref_slice %arg3[%add3A_201] : memref<1000000xf32, #tpu.memory_space<hbm>> -> memref<3912xf32, #tpu.memory_space<hbm>>
      tpu.wait_dma2 semaphore(%arg18 : memref<!tpu.dma_semaphore, #tpu.memory_space<semaphore_mem>>) src(%dma_wait3A_217 : memref<3912xf32, #tpu.memory_space<hbm>>) dst(%arg10 : memref<3912xf32, #tpu.memory_space<vmem>>)
      %add3A_218 = arith.constant 39120 : i32
      %add3A_219 = arith.addi %mul3A_89, %add3A_218 : i32
      %dma_start3A_220 = tpu.memref_slice %arg12[%add3A_219] : memref<1000000xf32, #tpu.memory_space<vmem_shared>> -> memref<3912xf32, #tpu.memory_space<vmem_shared>>
      %dma_start3A_221 = tpu.memref_slice %arg12[%add3A_219] : memref<1000000xf32, #tpu.memory_space<vmem_shared>> -> memref<3912xf32, #tpu.memory_space<vmem_shared>>
      tpu.enqueue_dma source(%arg10 : memref<3912xf32, #tpu.memory_space<vmem>>) target(%dma_start3A_221 : memref<3912xf32, #tpu.memory_space<vmem_shared>>) target_semaphore(%arg20 : memref<!tpu.dma_semaphore, #tpu.memory_space<semaphore_mem>>)
      %dma_wait3A_222 = tpu.memref_slice %arg12[%add3A_219] : memref<1000000xf32, #tpu.memory_space<vmem_shared>> -> memref<3912xf32, #tpu.memory_space<vmem_shared>>
      %dma_wait3A_223 = tpu.memref_slice %arg12[%add3A_219] : memref<1000000xf32, #tpu.memory_space<vmem_shared>> -> memref<3912xf32, #tpu.memory_space<vmem_shared>>
      tpu.wait_dma2 semaphore(%arg20 : memref<!tpu.dma_semaphore, #tpu.memory_space<semaphore_mem>>) src(%arg10 : memref<3912xf32, #tpu.memory_space<vmem>>) dst(%dma_wait3A_223 : memref<3912xf32, #tpu.memory_space<vmem_shared>>)
      %add3A_224 = arith.constant 46944 : i32
      %add3A_225 = arith.addi %mul3A_89, %add3A_224 : i32
      %dma_start3A_226 = tpu.memref_slice %arg3[%add3A_225] : memref<1000000xf32, #tpu.memory_space<hbm>> -> memref<3912xf32, #tpu.memory_space<hbm>>
      %dma_start3A_227 = tpu.memref_slice %arg3[%add3A_225] : memref<1000000xf32, #tpu.memory_space<hbm>> -> memref<3912xf32, #tpu.memory_space<hbm>>
      tpu.enqueue_dma source(%dma_start3A_227 : memref<3912xf32, #tpu.memory_space<hbm>>) target(%arg10 : memref<3912xf32, #tpu.memory_space<vmem>>) target_semaphore(%arg18 : memref<!tpu.dma_semaphore, #tpu.memory_space<semaphore_mem>>)
      %dma_wait3A_228 = tpu.memref_slice %arg3[%add3A_213] : memref<1000000xf32, #tpu.memory_space<hbm>> -> memref<3912xf32, #tpu.memory_space<hbm>>
      %dma_wait3A_229 = tpu.memref_slice %arg3[%add3A_213] : memref<1000000xf32, #tpu.memory_space<hbm>> -> memref<3912xf32, #tpu.memory_space<hbm>>
      tpu.wait_dma2 semaphore(%arg19 : memref<!tpu.dma_semaphore, #tpu.memory_space<semaphore_mem>>) src(%dma_wait3A_229 : memref<3912xf32, #tpu.memory_space<hbm>>) dst(%arg11 : memref<3912xf32, #tpu.memory_space<vmem>>)
      %add3A_230 = arith.constant 43032 : i32
      %add3A_231 = arith.addi %mul3A_89, %add3A_230 : i32
      %dma_start3A_232 = tpu.memref_slice %arg12[%add3A_231] : memref<1000000xf32, #tpu.memory_space<vmem_shared>> -> memref<3912xf32, #tpu.memory_space<vmem_shared>>
      %dma_start3A_233 = tpu.memref_slice %arg12[%add3A_231] : memref<1000000xf32, #tpu.memory_space<vmem_shared>> -> memref<3912xf32, #tpu.memory_space<vmem_shared>>
      tpu.enqueue_dma source(%arg11 : memref<3912xf32, #tpu.memory_space<vmem>>) target(%dma_start3A_233 : memref<3912xf32, #tpu.memory_space<vmem_shared>>) target_semaphore(%arg17 : memref<!tpu.dma_semaphore, #tpu.memory_space<semaphore_mem>>)
      %dma_wait3A_234 = tpu.memref_slice %arg12[%add3A_231] : memref<1000000xf32, #tpu.memory_space<vmem_shared>> -> memref<3912xf32, #tpu.memory_space<vmem_shared>>
      %dma_wait3A_235 = tpu.memref_slice %arg12[%add3A_231] : memref<1000000xf32, #tpu.memory_space<vmem_shared>> -> memref<3912xf32, #tpu.memory_space<vmem_shared>>
      tpu.wait_dma2 semaphore(%arg17 : memref<!tpu.dma_semaphore, #tpu.memory_space<semaphore_mem>>) src(%arg11 : memref<3912xf32, #tpu.memory_space<vmem>>) dst(%dma_wait3A_235 : memref<3912xf32, #tpu.memory_space<vmem_shared>>)
      %add3A_236 = arith.constant 50856 : i32
      %add3A_237 = arith.addi %mul3A_89, %add3A_236 : i32
      %dma_start3A_238 = tpu.memref_slice %arg3[%add3A_237] : memref<1000000xf32, #tpu.memory_space<hbm>> -> memref<3912xf32, #tpu.memory_space<hbm>>
      %dma_start3A_239 = tpu.memref_slice %arg3[%add3A_237] : memref<1000000xf32, #tpu.memory_space<hbm>> -> memref<3912xf32, #tpu.memory_space<hbm>>
      tpu.enqueue_dma source(%dma_start3A_239 : memref<3912xf32, #tpu.memory_space<hbm>>) target(%arg11 : memref<3912xf32, #tpu.memory_space<vmem>>) target_semaphore(%arg19 : memref<!tpu.dma_semaphore, #tpu.memory_space<semaphore_mem>>)
      %dma_wait3A_240 = tpu.memref_slice %arg3[%add3A_225] : memref<1000000xf32, #tpu.memory_space<hbm>> -> memref<3912xf32, #tpu.memory_space<hbm>>
      %dma_wait3A_241 = tpu.memref_slice %arg3[%add3A_225] : memref<1000000xf32, #tpu.memory_space<hbm>> -> memref<3912xf32, #tpu.memory_space<hbm>>
      tpu.wait_dma2 semaphore(%arg18 : memref<!tpu.dma_semaphore, #tpu.memory_space<semaphore_mem>>) src(%dma_wait3A_241 : memref<3912xf32, #tpu.memory_space<hbm>>) dst(%arg10 : memref<3912xf32, #tpu.memory_space<vmem>>)
      %add3A_242 = arith.constant 46944 : i32
      %add3A_243 = arith.addi %mul3A_89, %add3A_242 : i32
      %dma_start3A_244 = tpu.memref_slice %arg12[%add3A_243] : memref<1000000xf32, #tpu.memory_space<vmem_shared>> -> memref<3912xf32, #tpu.memory_space<vmem_shared>>
      %dma_start3A_245 = tpu.memref_slice %arg12[%add3A_243] : memref<1000000xf32, #tpu.memory_space<vmem_shared>> -> memref<3912xf32, #tpu.memory_space<vmem_shared>>
      tpu.enqueue_dma source(%arg10 : memref<3912xf32, #tpu.memory_space<vmem>>) target(%dma_start3A_245 : memref<3912xf32, #tpu.memory_space<vmem_shared>>) target_semaphore(%arg20 : memref<!tpu.dma_semaphore, #tpu.memory_space<semaphore_mem>>)
      %dma_wait3A_246 = tpu.memref_slice %arg12[%add3A_243] : memref<1000000xf32, #tpu.memory_space<vmem_shared>> -> memref<3912xf32, #tpu.memory_space<vmem_shared>>
      %dma_wait3A_247 = tpu.memref_slice %arg12[%add3A_243] : memref<1000000xf32, #tpu.memory_space<vmem_shared>> -> memref<3912xf32, #tpu.memory_space<vmem_shared>>
      tpu.wait_dma2 semaphore(%arg20 : memref<!tpu.dma_semaphore, #tpu.memory_space<semaphore_mem>>) src(%arg10 : memref<3912xf32, #tpu.memory_space<vmem>>) dst(%dma_wait3A_247 : memref<3912xf32, #tpu.memory_space<vmem_shared>>)
      %add3A_248 = arith.constant 54768 : i32
      %add3A_249 = arith.addi %mul3A_89, %add3A_248 : i32
      %dma_start3A_250 = tpu.memref_slice %arg3[%add3A_249] : memref<1000000xf32, #tpu.memory_space<hbm>> -> memref<3912xf32, #tpu.memory_space<hbm>>
      %dma_start3A_251 = tpu.memref_slice %arg3[%add3A_249] : memref<1000000xf32, #tpu.memory_space<hbm>> -> memref<3912xf32, #tpu.memory_space<hbm>>
      tpu.enqueue_dma source(%dma_start3A_251 : memref<3912xf32, #tpu.memory_space<hbm>>) target(%arg10 : memref<3912xf32, #tpu.memory_space<vmem>>) target_semaphore(%arg18 : memref<!tpu.dma_semaphore, #tpu.memory_space<semaphore_mem>>)
      %dma_wait3A_252 = tpu.memref_slice %arg3[%add3A_237] : memref<1000000xf32, #tpu.memory_space<hbm>> -> memref<3912xf32, #tpu.memory_space<hbm>>
      %dma_wait3A_253 = tpu.memref_slice %arg3[%add3A_237] : memref<1000000xf32, #tpu.memory_space<hbm>> -> memref<3912xf32, #tpu.memory_space<hbm>>
      tpu.wait_dma2 semaphore(%arg19 : memref<!tpu.dma_semaphore, #tpu.memory_space<semaphore_mem>>) src(%dma_wait3A_253 : memref<3912xf32, #tpu.memory_space<hbm>>) dst(%arg11 : memref<3912xf32, #tpu.memory_space<vmem>>)
      %add3A_254 = arith.constant 50856 : i32
      %add3A_255 = arith.addi %mul3A_89, %add3A_254 : i32
      %dma_start3A_256 = tpu.memref_slice %arg12[%add3A_255] : memref<1000000xf32, #tpu.memory_space<vmem_shared>> -> memref<3912xf32, #tpu.memory_space<vmem_shared>>
      %dma_start3A_257 = tpu.memref_slice %arg12[%add3A_255] : memref<1000000xf32, #tpu.memory_space<vmem_shared>> -> memref<3912xf32, #tpu.memory_space<vmem_shared>>
      tpu.enqueue_dma source(%arg11 : memref<3912xf32, #tpu.memory_space<vmem>>) target(%dma_start3A_257 : memref<3912xf32, #tpu.memory_space<vmem_shared>>) target_semaphore(%arg17 : memref<!tpu.dma_semaphore, #tpu.memory_space<semaphore_mem>>)
      %dma_wait3A_258 = tpu.memref_slice %arg12[%add3A_255] : memref<1000000xf32, #tpu.memory_space<vmem_shared>> -> memref<3912xf32, #tpu.memory_space<vmem_shared>>
      %dma_wait3A_259 = tpu.memref_slice %arg12[%add3A_255] : memref<1000000xf32, #tpu.memory_space<vmem_shared>> -> memref<3912xf32, #tpu.memory_space<vmem_shared>>
      tpu.wait_dma2 semaphore(%arg17 : memref<!tpu.dma_semaphore, #tpu.memory_space<semaphore_mem>>) src(%arg11 : memref<3912xf32, #tpu.memory_space<vmem>>) dst(%dma_wait3A_259 : memref<3912xf32, #tpu.memory_space<vmem_shared>>)
      %add3A_260 = arith.constant 58680 : i32
      %add3A_261 = arith.addi %mul3A_89, %add3A_260 : i32
      %dma_start3A_262 = tpu.memref_slice %arg3[%add3A_261] : memref<1000000xf32, #tpu.memory_space<hbm>> -> memref<3912xf32, #tpu.memory_space<hbm>>
      %dma_start3A_263 = tpu.memref_slice %arg3[%add3A_261] : memref<1000000xf32, #tpu.memory_space<hbm>> -> memref<3912xf32, #tpu.memory_space<hbm>>
      tpu.enqueue_dma source(%dma_start3A_263 : memref<3912xf32, #tpu.memory_space<hbm>>) target(%arg11 : memref<3912xf32, #tpu.memory_space<vmem>>) target_semaphore(%arg19 : memref<!tpu.dma_semaphore, #tpu.memory_space<semaphore_mem>>)
      %dma_wait3A_264 = tpu.memref_slice %arg3[%add3A_249] : memref<1000000xf32, #tpu.memory_space<hbm>> -> memref<3912xf32, #tpu.memory_space<hbm>>
      %dma_wait3A_265 = tpu.memref_slice %arg3[%add3A_249] : memref<1000000xf32, #tpu.memory_space<hbm>> -> memref<3912xf32, #tpu.memory_space<hbm>>
      tpu.wait_dma2 semaphore(%arg18 : memref<!tpu.dma_semaphore, #tpu.memory_space<semaphore_mem>>) src(%dma_wait3A_265 : memref<3912xf32, #tpu.memory_space<hbm>>) dst(%arg10 : memref<3912xf32, #tpu.memory_space<vmem>>)
      %add3A_266 = arith.constant 54768 : i32
      %add3A_267 = arith.addi %mul3A_89, %add3A_266 : i32
      %dma_start3A_268 = tpu.memref_slice %arg12[%add3A_267] : memref<1000000xf32, #tpu.memory_space<vmem_shared>> -> memref<3912xf32, #tpu.memory_space<vmem_shared>>
      %dma_start3A_269 = tpu.memref_slice %arg12[%add3A_267] : memref<1000000xf32, #tpu.memory_space<vmem_shared>> -> memref<3912xf32, #tpu.memory_space<vmem_shared>>
      tpu.enqueue_dma source(%arg10 : memref<3912xf32, #tpu.memory_space<vmem>>) target(%dma_start3A_269 : memref<3912xf32, #tpu.memory_space<vmem_shared>>) target_semaphore(%arg20 : memref<!tpu.dma_semaphore, #tpu.memory_space<semaphore_mem>>)
      %dma_wait3A_270 = tpu.memref_slice %arg3[%add3A_261] : memref<1000000xf32, #tpu.memory_space<hbm>> -> memref<3912xf32, #tpu.memory_space<hbm>>
      %dma_wait3A_271 = tpu.memref_slice %arg3[%add3A_261] : memref<1000000xf32, #tpu.memory_space<hbm>> -> memref<3912xf32, #tpu.memory_space<hbm>>
      tpu.wait_dma2 semaphore(%arg19 : memref<!tpu.dma_semaphore, #tpu.memory_space<semaphore_mem>>) src(%dma_wait3A_271 : memref<3912xf32, #tpu.memory_space<hbm>>) dst(%arg11 : memref<3912xf32, #tpu.memory_space<vmem>>)
      %add3A_272 = arith.constant 58680 : i32
      %add3A_273 = arith.addi %mul3A_89, %add3A_272 : i32
      %dma_start3A_274 = tpu.memref_slice %arg12[%add3A_273] : memref<1000000xf32, #tpu.memory_space<vmem_shared>> -> memref<3912xf32, #tpu.memory_space<vmem_shared>>
      %dma_start3A_275 = tpu.memref_slice %arg12[%add3A_273] : memref<1000000xf32, #tpu.memory_space<vmem_shared>> -> memref<3912xf32, #tpu.memory_space<vmem_shared>>
      tpu.enqueue_dma source(%arg11 : memref<3912xf32, #tpu.memory_space<vmem>>) target(%dma_start3A_275 : memref<3912xf32, #tpu.memory_space<vmem_shared>>) target_semaphore(%arg17 : memref<!tpu.dma_semaphore, #tpu.memory_space<semaphore_mem>>)
      %dma_wait3A_276 = tpu.memref_slice %arg12[%add3A_267] : memref<1000000xf32, #tpu.memory_space<vmem_shared>> -> memref<3912xf32, #tpu.memory_space<vmem_shared>>
      %dma_wait3A_277 = tpu.memref_slice %arg12[%add3A_267] : memref<1000000xf32, #tpu.memory_space<vmem_shared>> -> memref<3912xf32, #tpu.memory_space<vmem_shared>>
      tpu.wait_dma2 semaphore(%arg20 : memref<!tpu.dma_semaphore, #tpu.memory_space<semaphore_mem>>) src(%arg10 : memref<3912xf32, #tpu.memory_space<vmem>>) dst(%dma_wait3A_277 : memref<3912xf32, #tpu.memory_space<vmem_shared>>)
      %dma_wait3A_278 = tpu.memref_slice %arg12[%add3A_273] : memref<1000000xf32, #tpu.memory_space<vmem_shared>> -> memref<3912xf32, #tpu.memory_space<vmem_shared>>
      %dma_wait3A_279 = tpu.memref_slice %arg12[%add3A_273] : memref<1000000xf32, #tpu.memory_space<vmem_shared>> -> memref<3912xf32, #tpu.memory_space<vmem_shared>>
      tpu.wait_dma2 semaphore(%arg17 : memref<!tpu.dma_semaphore, #tpu.memory_space<semaphore_mem>>) src(%arg11 : memref<3912xf32, #tpu.memory_space<vmem>>) dst(%dma_wait3A_279 : memref<3912xf32, #tpu.memory_space<vmem_shared>>)
    } else {
    }
    %eq3A = arith.constant 15 : i32
    %eq3A_9 = arith.cmpi eq, %arg1, %eq3A : i32
    %convert_element_type3A_10 = arith.extui %eq3A_9 : i1 to i32
    %cond3A_11 = arith.constant 0 : i32
    %cond3A_12 = arith.cmpi ne, %convert_element_type3A_10, %cond3A_11 : i32
    scf.if %cond3A_12 {
      %mul3A_88 = arith.constant 62592 : i32
      %mul3A_89 = arith.muli %arg1, %mul3A_88 : i32
      %dma_start3A_90 = tpu.memref_slice %arg3[%mul3A_89] : memref<1000000xf32, #tpu.memory_space<hbm>> -> memref<3912xf32, #tpu.memory_space<hbm>>
      %dma_start3A_91 = tpu.memref_slice %arg3[%mul3A_89] : memref<1000000xf32, #tpu.memory_space<hbm>> -> memref<3912xf32, #tpu.memory_space<hbm>>
      tpu.enqueue_dma source(%dma_start3A_91 : memref<3912xf32, #tpu.memory_space<hbm>>) target(%arg10 : memref<3912xf32, #tpu.memory_space<vmem>>) target_semaphore(%arg18 : memref<!tpu.dma_semaphore, #tpu.memory_space<semaphore_mem>>)
      %add3A_92 = arith.constant 3912 : i32
      %add3A_93 = arith.addi %mul3A_89, %add3A_92 : i32
      %dma_start3A_94 = tpu.memref_slice %arg3[%add3A_93] : memref<1000000xf32, #tpu.memory_space<hbm>> -> memref<3912xf32, #tpu.memory_space<hbm>>
      %dma_start3A_95 = tpu.memref_slice %arg3[%add3A_93] : memref<1000000xf32, #tpu.memory_space<hbm>> -> memref<3912xf32, #tpu.memory_space<hbm>>
      tpu.enqueue_dma source(%dma_start3A_95 : memref<3912xf32, #tpu.memory_space<hbm>>) target(%arg11 : memref<3912xf32, #tpu.memory_space<vmem>>) target_semaphore(%arg19 : memref<!tpu.dma_semaphore, #tpu.memory_space<semaphore_mem>>)
      %dma_wait3A_96 = tpu.memref_slice %arg3[%mul3A_89] : memref<1000000xf32, #tpu.memory_space<hbm>> -> memref<3912xf32, #tpu.memory_space<hbm>>
      %dma_wait3A_97 = tpu.memref_slice %arg3[%mul3A_89] : memref<1000000xf32, #tpu.memory_space<hbm>> -> memref<3912xf32, #tpu.memory_space<hbm>>
      tpu.wait_dma2 semaphore(%arg18 : memref<!tpu.dma_semaphore, #tpu.memory_space<semaphore_mem>>) src(%dma_wait3A_97 : memref<3912xf32, #tpu.memory_space<hbm>>) dst(%arg10 : memref<3912xf32, #tpu.memory_space<vmem>>)
      %add3A_98 = arith.constant 0 : i32
      %add3A_99 = arith.addi %mul3A_89, %add3A_98 : i32
      %dma_start3A_100 = tpu.memref_slice %arg12[%add3A_99] : memref<1000000xf32, #tpu.memory_space<vmem_shared>> -> memref<3912xf32, #tpu.memory_space<vmem_shared>>
      %dma_start3A_101 = tpu.memref_slice %arg12[%add3A_99] : memref<1000000xf32, #tpu.memory_space<vmem_shared>> -> memref<3912xf32, #tpu.memory_space<vmem_shared>>
      tpu.enqueue_dma source(%arg10 : memref<3912xf32, #tpu.memory_space<vmem>>) target(%dma_start3A_101 : memref<3912xf32, #tpu.memory_space<vmem_shared>>) target_semaphore(%arg20 : memref<!tpu.dma_semaphore, #tpu.memory_space<semaphore_mem>>)
      %dma_wait3A_102 = tpu.memref_slice %arg12[%add3A_99] : memref<1000000xf32, #tpu.memory_space<vmem_shared>> -> memref<3912xf32, #tpu.memory_space<vmem_shared>>
      %dma_wait3A_103 = tpu.memref_slice %arg12[%add3A_99] : memref<1000000xf32, #tpu.memory_space<vmem_shared>> -> memref<3912xf32, #tpu.memory_space<vmem_shared>>
      tpu.wait_dma2 semaphore(%arg20 : memref<!tpu.dma_semaphore, #tpu.memory_space<semaphore_mem>>) src(%arg10 : memref<3912xf32, #tpu.memory_space<vmem>>) dst(%dma_wait3A_103 : memref<3912xf32, #tpu.memory_space<vmem_shared>>)
      %add3A_104 = arith.constant 7824 : i32
      %add3A_105 = arith.addi %mul3A_89, %add3A_104 : i32
      %dma_start3A_106 = tpu.memref_slice %arg3[%add3A_105] : memref<1000000xf32, #tpu.memory_space<hbm>> -> memref<3912xf32, #tpu.memory_space<hbm>>
      %dma_start3A_107 = tpu.memref_slice %arg3[%add3A_105] : memref<1000000xf32, #tpu.memory_space<hbm>> -> memref<3912xf32, #tpu.memory_space<hbm>>
      tpu.enqueue_dma source(%dma_start3A_107 : memref<3912xf32, #tpu.memory_space<hbm>>) target(%arg10 : memref<3912xf32, #tpu.memory_space<vmem>>) target_semaphore(%arg18 : memref<!tpu.dma_semaphore, #tpu.memory_space<semaphore_mem>>)
      %dma_wait3A_108 = tpu.memref_slice %arg3[%add3A_93] : memref<1000000xf32, #tpu.memory_space<hbm>> -> memref<3912xf32, #tpu.memory_space<hbm>>
      %dma_wait3A_109 = tpu.memref_slice %arg3[%add3A_93] : memref<1000000xf32, #tpu.memory_space<hbm>> -> memref<3912xf32, #tpu.memory_space<hbm>>
      tpu.wait_dma2 semaphore(%arg19 : memref<!tpu.dma_semaphore, #tpu.memory_space<semaphore_mem>>) src(%dma_wait3A_109 : memref<3912xf32, #tpu.memory_space<hbm>>) dst(%arg11 : memref<3912xf32, #tpu.memory_space<vmem>>)
      %add3A_110 = arith.constant 3912 : i32
      %add3A_111 = arith.addi %mul3A_89, %add3A_110 : i32
      %dma_start3A_112 = tpu.memref_slice %arg12[%add3A_111] : memref<1000000xf32, #tpu.memory_space<vmem_shared>> -> memref<3912xf32, #tpu.memory_space<vmem_shared>>
      %dma_start3A_113 = tpu.memref_slice %arg12[%add3A_111] : memref<1000000xf32, #tpu.memory_space<vmem_shared>> -> memref<3912xf32, #tpu.memory_space<vmem_shared>>
      tpu.enqueue_dma source(%arg11 : memref<3912xf32, #tpu.memory_space<vmem>>) target(%dma_start3A_113 : memref<3912xf32, #tpu.memory_space<vmem_shared>>) target_semaphore(%arg17 : memref<!tpu.dma_semaphore, #tpu.memory_space<semaphore_mem>>)
      %dma_wait3A_114 = tpu.memref_slice %arg12[%add3A_111] : memref<1000000xf32, #tpu.memory_space<vmem_shared>> -> memref<3912xf32, #tpu.memory_space<vmem_shared>>
      %dma_wait3A_115 = tpu.memref_slice %arg12[%add3A_111] : memref<1000000xf32, #tpu.memory_space<vmem_shared>> -> memref<3912xf32, #tpu.memory_space<vmem_shared>>
      tpu.wait_dma2 semaphore(%arg17 : memref<!tpu.dma_semaphore, #tpu.memory_space<semaphore_mem>>) src(%arg11 : memref<3912xf32, #tpu.memory_space<vmem>>) dst(%dma_wait3A_115 : memref<3912xf32, #tpu.memory_space<vmem_shared>>)
      %add3A_116 = arith.constant 11736 : i32
      %add3A_117 = arith.addi %mul3A_89, %add3A_116 : i32
      %dma_start3A_118 = tpu.memref_slice %arg3[%add3A_117] : memref<1000000xf32, #tpu.memory_space<hbm>> -> memref<3912xf32, #tpu.memory_space<hbm>>
      %dma_start3A_119 = tpu.memref_slice %arg3[%add3A_117] : memref<1000000xf32, #tpu.memory_space<hbm>> -> memref<3912xf32, #tpu.memory_space<hbm>>
      tpu.enqueue_dma source(%dma_start3A_119 : memref<3912xf32, #tpu.memory_space<hbm>>) target(%arg11 : memref<3912xf32, #tpu.memory_space<vmem>>) target_semaphore(%arg19 : memref<!tpu.dma_semaphore, #tpu.memory_space<semaphore_mem>>)
      %dma_wait3A_120 = tpu.memref_slice %arg3[%add3A_105] : memref<1000000xf32, #tpu.memory_space<hbm>> -> memref<3912xf32, #tpu.memory_space<hbm>>
      %dma_wait3A_121 = tpu.memref_slice %arg3[%add3A_105] : memref<1000000xf32, #tpu.memory_space<hbm>> -> memref<3912xf32, #tpu.memory_space<hbm>>
      tpu.wait_dma2 semaphore(%arg18 : memref<!tpu.dma_semaphore, #tpu.memory_space<semaphore_mem>>) src(%dma_wait3A_121 : memref<3912xf32, #tpu.memory_space<hbm>>) dst(%arg10 : memref<3912xf32, #tpu.memory_space<vmem>>)
      %add3A_122 = arith.constant 7824 : i32
      %add3A_123 = arith.addi %mul3A_89, %add3A_122 : i32
      %dma_start3A_124 = tpu.memref_slice %arg12[%add3A_123] : memref<1000000xf32, #tpu.memory_space<vmem_shared>> -> memref<3912xf32, #tpu.memory_space<vmem_shared>>
      %dma_start3A_125 = tpu.memref_slice %arg12[%add3A_123] : memref<1000000xf32, #tpu.memory_space<vmem_shared>> -> memref<3912xf32, #tpu.memory_space<vmem_shared>>
      tpu.enqueue_dma source(%arg10 : memref<3912xf32, #tpu.memory_space<vmem>>) target(%dma_start3A_125 : memref<3912xf32, #tpu.memory_space<vmem_shared>>) target_semaphore(%arg20 : memref<!tpu.dma_semaphore, #tpu.memory_space<semaphore_mem>>)
      %dma_wait3A_126 = tpu.memref_slice %arg12[%add3A_123] : memref<1000000xf32, #tpu.memory_space<vmem_shared>> -> memref<3912xf32, #tpu.memory_space<vmem_shared>>
      %dma_wait3A_127 = tpu.memref_slice %arg12[%add3A_123] : memref<1000000xf32, #tpu.memory_space<vmem_shared>> -> memref<3912xf32, #tpu.memory_space<vmem_shared>>
      tpu.wait_dma2 semaphore(%arg20 : memref<!tpu.dma_semaphore, #tpu.memory_space<semaphore_mem>>) src(%arg10 : memref<3912xf32, #tpu.memory_space<vmem>>) dst(%dma_wait3A_127 : memref<3912xf32, #tpu.memory_space<vmem_shared>>)
      %add3A_128 = arith.constant 15648 : i32
      %add3A_129 = arith.addi %mul3A_89, %add3A_128 : i32
      %dma_start3A_130 = tpu.memref_slice %arg3[%add3A_129] : memref<1000000xf32, #tpu.memory_space<hbm>> -> memref<3912xf32, #tpu.memory_space<hbm>>
      %dma_start3A_131 = tpu.memref_slice %arg3[%add3A_129] : memref<1000000xf32, #tpu.memory_space<hbm>> -> memref<3912xf32, #tpu.memory_space<hbm>>
      tpu.enqueue_dma source(%dma_start3A_131 : memref<3912xf32, #tpu.memory_space<hbm>>) target(%arg10 : memref<3912xf32, #tpu.memory_space<vmem>>) target_semaphore(%arg18 : memref<!tpu.dma_semaphore, #tpu.memory_space<semaphore_mem>>)
      %dma_wait3A_132 = tpu.memref_slice %arg3[%add3A_117] : memref<1000000xf32, #tpu.memory_space<hbm>> -> memref<3912xf32, #tpu.memory_space<hbm>>
      %dma_wait3A_133 = tpu.memref_slice %arg3[%add3A_117] : memref<1000000xf32, #tpu.memory_space<hbm>> -> memref<3912xf32, #tpu.memory_space<hbm>>
      tpu.wait_dma2 semaphore(%arg19 : memref<!tpu.dma_semaphore, #tpu.memory_space<semaphore_mem>>) src(%dma_wait3A_133 : memref<3912xf32, #tpu.memory_space<hbm>>) dst(%arg11 : memref<3912xf32, #tpu.memory_space<vmem>>)
      %add3A_134 = arith.constant 11736 : i32
      %add3A_135 = arith.addi %mul3A_89, %add3A_134 : i32
      %dma_start3A_136 = tpu.memref_slice %arg12[%add3A_135] : memref<1000000xf32, #tpu.memory_space<vmem_shared>> -> memref<3912xf32, #tpu.memory_space<vmem_shared>>
      %dma_start3A_137 = tpu.memref_slice %arg12[%add3A_135] : memref<1000000xf32, #tpu.memory_space<vmem_shared>> -> memref<3912xf32, #tpu.memory_space<vmem_shared>>
      tpu.enqueue_dma source(%arg11 : memref<3912xf32, #tpu.memory_space<vmem>>) target(%dma_start3A_137 : memref<3912xf32, #tpu.memory_space<vmem_shared>>) target_semaphore(%arg17 : memref<!tpu.dma_semaphore, #tpu.memory_space<semaphore_mem>>)
      %dma_wait3A_138 = tpu.memref_slice %arg12[%add3A_135] : memref<1000000xf32, #tpu.memory_space<vmem_shared>> -> memref<3912xf32, #tpu.memory_space<vmem_shared>>
      %dma_wait3A_139 = tpu.memref_slice %arg12[%add3A_135] : memref<1000000xf32, #tpu.memory_space<vmem_shared>> -> memref<3912xf32, #tpu.memory_space<vmem_shared>>
      tpu.wait_dma2 semaphore(%arg17 : memref<!tpu.dma_semaphore, #tpu.memory_space<semaphore_mem>>) src(%arg11 : memref<3912xf32, #tpu.memory_space<vmem>>) dst(%dma_wait3A_139 : memref<3912xf32, #tpu.memory_space<vmem_shared>>)
      %add3A_140 = arith.constant 19560 : i32
      %add3A_141 = arith.addi %mul3A_89, %add3A_140 : i32
      %dma_start3A_142 = tpu.memref_slice %arg3[%add3A_141] : memref<1000000xf32, #tpu.memory_space<hbm>> -> memref<3912xf32, #tpu.memory_space<hbm>>
      %dma_start3A_143 = tpu.memref_slice %arg3[%add3A_141] : memref<1000000xf32, #tpu.memory_space<hbm>> -> memref<3912xf32, #tpu.memory_space<hbm>>
      tpu.enqueue_dma source(%dma_start3A_143 : memref<3912xf32, #tpu.memory_space<hbm>>) target(%arg11 : memref<3912xf32, #tpu.memory_space<vmem>>) target_semaphore(%arg19 : memref<!tpu.dma_semaphore, #tpu.memory_space<semaphore_mem>>)
      %dma_wait3A_144 = tpu.memref_slice %arg3[%add3A_129] : memref<1000000xf32, #tpu.memory_space<hbm>> -> memref<3912xf32, #tpu.memory_space<hbm>>
      %dma_wait3A_145 = tpu.memref_slice %arg3[%add3A_129] : memref<1000000xf32, #tpu.memory_space<hbm>> -> memref<3912xf32, #tpu.memory_space<hbm>>
      tpu.wait_dma2 semaphore(%arg18 : memref<!tpu.dma_semaphore, #tpu.memory_space<semaphore_mem>>) src(%dma_wait3A_145 : memref<3912xf32, #tpu.memory_space<hbm>>) dst(%arg10 : memref<3912xf32, #tpu.memory_space<vmem>>)
      %add3A_146 = arith.constant 15648 : i32
      %add3A_147 = arith.addi %mul3A_89, %add3A_146 : i32
      %dma_start3A_148 = tpu.memref_slice %arg12[%add3A_147] : memref<1000000xf32, #tpu.memory_space<vmem_shared>> -> memref<3912xf32, #tpu.memory_space<vmem_shared>>
      %dma_start3A_149 = tpu.memref_slice %arg12[%add3A_147] : memref<1000000xf32, #tpu.memory_space<vmem_shared>> -> memref<3912xf32, #tpu.memory_space<vmem_shared>>
      tpu.enqueue_dma source(%arg10 : memref<3912xf32, #tpu.memory_space<vmem>>) target(%dma_start3A_149 : memref<3912xf32, #tpu.memory_space<vmem_shared>>) target_semaphore(%arg20 : memref<!tpu.dma_semaphore, #tpu.memory_space<semaphore_mem>>)
      %dma_wait3A_150 = tpu.memref_slice %arg12[%add3A_147] : memref<1000000xf32, #tpu.memory_space<vmem_shared>> -> memref<3912xf32, #tpu.memory_space<vmem_shared>>
      %dma_wait3A_151 = tpu.memref_slice %arg12[%add3A_147] : memref<1000000xf32, #tpu.memory_space<vmem_shared>> -> memref<3912xf32, #tpu.memory_space<vmem_shared>>
      tpu.wait_dma2 semaphore(%arg20 : memref<!tpu.dma_semaphore, #tpu.memory_space<semaphore_mem>>) src(%arg10 : memref<3912xf32, #tpu.memory_space<vmem>>) dst(%dma_wait3A_151 : memref<3912xf32, #tpu.memory_space<vmem_shared>>)
      %add3A_152 = arith.constant 23472 : i32
      %add3A_153 = arith.addi %mul3A_89, %add3A_152 : i32
      %dma_start3A_154 = tpu.memref_slice %arg3[%add3A_153] : memref<1000000xf32, #tpu.memory_space<hbm>> -> memref<3912xf32, #tpu.memory_space<hbm>>
      %dma_start3A_155 = tpu.memref_slice %arg3[%add3A_153] : memref<1000000xf32, #tpu.memory_space<hbm>> -> memref<3912xf32, #tpu.memory_space<hbm>>
      tpu.enqueue_dma source(%dma_start3A_155 : memref<3912xf32, #tpu.memory_space<hbm>>) target(%arg10 : memref<3912xf32, #tpu.memory_space<vmem>>) target_semaphore(%arg18 : memref<!tpu.dma_semaphore, #tpu.memory_space<semaphore_mem>>)
      %dma_wait3A_156 = tpu.memref_slice %arg3[%add3A_141] : memref<1000000xf32, #tpu.memory_space<hbm>> -> memref<3912xf32, #tpu.memory_space<hbm>>
      %dma_wait3A_157 = tpu.memref_slice %arg3[%add3A_141] : memref<1000000xf32, #tpu.memory_space<hbm>> -> memref<3912xf32, #tpu.memory_space<hbm>>
      tpu.wait_dma2 semaphore(%arg19 : memref<!tpu.dma_semaphore, #tpu.memory_space<semaphore_mem>>) src(%dma_wait3A_157 : memref<3912xf32, #tpu.memory_space<hbm>>) dst(%arg11 : memref<3912xf32, #tpu.memory_space<vmem>>)
      %add3A_158 = arith.constant 19560 : i32
      %add3A_159 = arith.addi %mul3A_89, %add3A_158 : i32
      %dma_start3A_160 = tpu.memref_slice %arg12[%add3A_159] : memref<1000000xf32, #tpu.memory_space<vmem_shared>> -> memref<3912xf32, #tpu.memory_space<vmem_shared>>
      %dma_start3A_161 = tpu.memref_slice %arg12[%add3A_159] : memref<1000000xf32, #tpu.memory_space<vmem_shared>> -> memref<3912xf32, #tpu.memory_space<vmem_shared>>
      tpu.enqueue_dma source(%arg11 : memref<3912xf32, #tpu.memory_space<vmem>>) target(%dma_start3A_161 : memref<3912xf32, #tpu.memory_space<vmem_shared>>) target_semaphore(%arg17 : memref<!tpu.dma_semaphore, #tpu.memory_space<semaphore_mem>>)
      %dma_wait3A_162 = tpu.memref_slice %arg12[%add3A_159] : memref<1000000xf32, #tpu.memory_space<vmem_shared>> -> memref<3912xf32, #tpu.memory_space<vmem_shared>>
      %dma_wait3A_163 = tpu.memref_slice %arg12[%add3A_159] : memref<1000000xf32, #tpu.memory_space<vmem_shared>> -> memref<3912xf32, #tpu.memory_space<vmem_shared>>
      tpu.wait_dma2 semaphore(%arg17 : memref<!tpu.dma_semaphore, #tpu.memory_space<semaphore_mem>>) src(%arg11 : memref<3912xf32, #tpu.memory_space<vmem>>) dst(%dma_wait3A_163 : memref<3912xf32, #tpu.memory_space<vmem_shared>>)
      %add3A_164 = arith.constant 27384 : i32
      %add3A_165 = arith.addi %mul3A_89, %add3A_164 : i32
      %dma_start3A_166 = tpu.memref_slice %arg3[%add3A_165] : memref<1000000xf32, #tpu.memory_space<hbm>> -> memref<3912xf32, #tpu.memory_space<hbm>>
      %dma_start3A_167 = tpu.memref_slice %arg3[%add3A_165] : memref<1000000xf32, #tpu.memory_space<hbm>> -> memref<3912xf32, #tpu.memory_space<hbm>>
      tpu.enqueue_dma source(%dma_start3A_167 : memref<3912xf32, #tpu.memory_space<hbm>>) target(%arg11 : memref<3912xf32, #tpu.memory_space<vmem>>) target_semaphore(%arg19 : memref<!tpu.dma_semaphore, #tpu.memory_space<semaphore_mem>>)
      %dma_wait3A_168 = tpu.memref_slice %arg3[%add3A_153] : memref<1000000xf32, #tpu.memory_space<hbm>> -> memref<3912xf32, #tpu.memory_space<hbm>>
      %dma_wait3A_169 = tpu.memref_slice %arg3[%add3A_153] : memref<1000000xf32, #tpu.memory_space<hbm>> -> memref<3912xf32, #tpu.memory_space<hbm>>
      tpu.wait_dma2 semaphore(%arg18 : memref<!tpu.dma_semaphore, #tpu.memory_space<semaphore_mem>>) src(%dma_wait3A_169 : memref<3912xf32, #tpu.memory_space<hbm>>) dst(%arg10 : memref<3912xf32, #tpu.memory_space<vmem>>)
      %add3A_170 = arith.constant 23472 : i32
      %add3A_171 = arith.addi %mul3A_89, %add3A_170 : i32
      %dma_start3A_172 = tpu.memref_slice %arg12[%add3A_171] : memref<1000000xf32, #tpu.memory_space<vmem_shared>> -> memref<3912xf32, #tpu.memory_space<vmem_shared>>
      %dma_start3A_173 = tpu.memref_slice %arg12[%add3A_171] : memref<1000000xf32, #tpu.memory_space<vmem_shared>> -> memref<3912xf32, #tpu.memory_space<vmem_shared>>
      tpu.enqueue_dma source(%arg10 : memref<3912xf32, #tpu.memory_space<vmem>>) target(%dma_start3A_173 : memref<3912xf32, #tpu.memory_space<vmem_shared>>) target_semaphore(%arg20 : memref<!tpu.dma_semaphore, #tpu.memory_space<semaphore_mem>>)
      %dma_wait3A_174 = tpu.memref_slice %arg12[%add3A_171] : memref<1000000xf32, #tpu.memory_space<vmem_shared>> -> memref<3912xf32, #tpu.memory_space<vmem_shared>>
      %dma_wait3A_175 = tpu.memref_slice %arg12[%add3A_171] : memref<1000000xf32, #tpu.memory_space<vmem_shared>> -> memref<3912xf32, #tpu.memory_space<vmem_shared>>
      tpu.wait_dma2 semaphore(%arg20 : memref<!tpu.dma_semaphore, #tpu.memory_space<semaphore_mem>>) src(%arg10 : memref<3912xf32, #tpu.memory_space<vmem>>) dst(%dma_wait3A_175 : memref<3912xf32, #tpu.memory_space<vmem_shared>>)
      %add3A_176 = arith.constant 31296 : i32
      %add3A_177 = arith.addi %mul3A_89, %add3A_176 : i32
      %dma_start3A_178 = tpu.memref_slice %arg3[%add3A_177] : memref<1000000xf32, #tpu.memory_space<hbm>> -> memref<3912xf32, #tpu.memory_space<hbm>>
      %dma_start3A_179 = tpu.memref_slice %arg3[%add3A_177] : memref<1000000xf32, #tpu.memory_space<hbm>> -> memref<3912xf32, #tpu.memory_space<hbm>>
      tpu.enqueue_dma source(%dma_start3A_179 : memref<3912xf32, #tpu.memory_space<hbm>>) target(%arg10 : memref<3912xf32, #tpu.memory_space<vmem>>) target_semaphore(%arg18 : memref<!tpu.dma_semaphore, #tpu.memory_space<semaphore_mem>>)
      %dma_wait3A_180 = tpu.memref_slice %arg3[%add3A_165] : memref<1000000xf32, #tpu.memory_space<hbm>> -> memref<3912xf32, #tpu.memory_space<hbm>>
      %dma_wait3A_181 = tpu.memref_slice %arg3[%add3A_165] : memref<1000000xf32, #tpu.memory_space<hbm>> -> memref<3912xf32, #tpu.memory_space<hbm>>
      tpu.wait_dma2 semaphore(%arg19 : memref<!tpu.dma_semaphore, #tpu.memory_space<semaphore_mem>>) src(%dma_wait3A_181 : memref<3912xf32, #tpu.memory_space<hbm>>) dst(%arg11 : memref<3912xf32, #tpu.memory_space<vmem>>)
      %add3A_182 = arith.constant 27384 : i32
      %add3A_183 = arith.addi %mul3A_89, %add3A_182 : i32
      %dma_start3A_184 = tpu.memref_slice %arg12[%add3A_183] : memref<1000000xf32, #tpu.memory_space<vmem_shared>> -> memref<3912xf32, #tpu.memory_space<vmem_shared>>
      %dma_start3A_185 = tpu.memref_slice %arg12[%add3A_183] : memref<1000000xf32, #tpu.memory_space<vmem_shared>> -> memref<3912xf32, #tpu.memory_space<vmem_shared>>
      tpu.enqueue_dma source(%arg11 : memref<3912xf32, #tpu.memory_space<vmem>>) target(%dma_start3A_185 : memref<3912xf32, #tpu.memory_space<vmem_shared>>) target_semaphore(%arg17 : memref<!tpu.dma_semaphore, #tpu.memory_space<semaphore_mem>>)
      %dma_wait3A_186 = tpu.memref_slice %arg12[%add3A_183] : memref<1000000xf32, #tpu.memory_space<vmem_shared>> -> memref<3912xf32, #tpu.memory_space<vmem_shared>>
      %dma_wait3A_187 = tpu.memref_slice %arg12[%add3A_183] : memref<1000000xf32, #tpu.memory_space<vmem_shared>> -> memref<3912xf32, #tpu.memory_space<vmem_shared>>
      tpu.wait_dma2 semaphore(%arg17 : memref<!tpu.dma_semaphore, #tpu.memory_space<semaphore_mem>>) src(%arg11 : memref<3912xf32, #tpu.memory_space<vmem>>) dst(%dma_wait3A_187 : memref<3912xf32, #tpu.memory_space<vmem_shared>>)
      %add3A_188 = arith.constant 35208 : i32
      %add3A_189 = arith.addi %mul3A_89, %add3A_188 : i32
      %dma_start3A_190 = tpu.memref_slice %arg3[%add3A_189] : memref<1000000xf32, #tpu.memory_space<hbm>> -> memref<3912xf32, #tpu.memory_space<hbm>>
      %dma_start3A_191 = tpu.memref_slice %arg3[%add3A_189] : memref<1000000xf32, #tpu.memory_space<hbm>> -> memref<3912xf32, #tpu.memory_space<hbm>>
      tpu.enqueue_dma source(%dma_start3A_191 : memref<3912xf32, #tpu.memory_space<hbm>>) target(%arg11 : memref<3912xf32, #tpu.memory_space<vmem>>) target_semaphore(%arg19 : memref<!tpu.dma_semaphore, #tpu.memory_space<semaphore_mem>>)
      %dma_wait3A_192 = tpu.memref_slice %arg3[%add3A_177] : memref<1000000xf32, #tpu.memory_space<hbm>> -> memref<3912xf32, #tpu.memory_space<hbm>>
      %dma_wait3A_193 = tpu.memref_slice %arg3[%add3A_177] : memref<1000000xf32, #tpu.memory_space<hbm>> -> memref<3912xf32, #tpu.memory_space<hbm>>
      tpu.wait_dma2 semaphore(%arg18 : memref<!tpu.dma_semaphore, #tpu.memory_space<semaphore_mem>>) src(%dma_wait3A_193 : memref<3912xf32, #tpu.memory_space<hbm>>) dst(%arg10 : memref<3912xf32, #tpu.memory_space<vmem>>)
      %add3A_194 = arith.constant 31296 : i32
      %add3A_195 = arith.addi %mul3A_89, %add3A_194 : i32
      %dma_start3A_196 = tpu.memref_slice %arg12[%add3A_195] : memref<1000000xf32, #tpu.memory_space<vmem_shared>> -> memref<3912xf32, #tpu.memory_space<vmem_shared>>
      %dma_start3A_197 = tpu.memref_slice %arg12[%add3A_195] : memref<1000000xf32, #tpu.memory_space<vmem_shared>> -> memref<3912xf32, #tpu.memory_space<vmem_shared>>
      tpu.enqueue_dma source(%arg10 : memref<3912xf32, #tpu.memory_space<vmem>>) target(%dma_start3A_197 : memref<3912xf32, #tpu.memory_space<vmem_shared>>) target_semaphore(%arg20 : memref<!tpu.dma_semaphore, #tpu.memory_space<semaphore_mem>>)
      %dma_wait3A_198 = tpu.memref_slice %arg12[%add3A_195] : memref<1000000xf32, #tpu.memory_space<vmem_shared>> -> memref<3912xf32, #tpu.memory_space<vmem_shared>>
      %dma_wait3A_199 = tpu.memref_slice %arg12[%add3A_195] : memref<1000000xf32, #tpu.memory_space<vmem_shared>> -> memref<3912xf32, #tpu.memory_space<vmem_shared>>
      tpu.wait_dma2 semaphore(%arg20 : memref<!tpu.dma_semaphore, #tpu.memory_space<semaphore_mem>>) src(%arg10 : memref<3912xf32, #tpu.memory_space<vmem>>) dst(%dma_wait3A_199 : memref<3912xf32, #tpu.memory_space<vmem_shared>>)
      %add3A_200 = arith.constant 39120 : i32
      %add3A_201 = arith.addi %mul3A_89, %add3A_200 : i32
      %dma_start3A_202 = tpu.memref_slice %arg3[%add3A_201] : memref<1000000xf32, #tpu.memory_space<hbm>> -> memref<3912xf32, #tpu.memory_space<hbm>>
      %dma_start3A_203 = tpu.memref_slice %arg3[%add3A_201] : memref<1000000xf32, #tpu.memory_space<hbm>> -> memref<3912xf32, #tpu.memory_space<hbm>>
      tpu.enqueue_dma source(%dma_start3A_203 : memref<3912xf32, #tpu.memory_space<hbm>>) target(%arg10 : memref<3912xf32, #tpu.memory_space<vmem>>) target_semaphore(%arg18 : memref<!tpu.dma_semaphore, #tpu.memory_space<semaphore_mem>>)
      %dma_wait3A_204 = tpu.memref_slice %arg3[%add3A_189] : memref<1000000xf32, #tpu.memory_space<hbm>> -> memref<3912xf32, #tpu.memory_space<hbm>>
      %dma_wait3A_205 = tpu.memref_slice %arg3[%add3A_189] : memref<1000000xf32, #tpu.memory_space<hbm>> -> memref<3912xf32, #tpu.memory_space<hbm>>
      tpu.wait_dma2 semaphore(%arg19 : memref<!tpu.dma_semaphore, #tpu.memory_space<semaphore_mem>>) src(%dma_wait3A_205 : memref<3912xf32, #tpu.memory_space<hbm>>) dst(%arg11 : memref<3912xf32, #tpu.memory_space<vmem>>)
      %add3A_206 = arith.constant 35208 : i32
      %add3A_207 = arith.addi %mul3A_89, %add3A_206 : i32
      %dma_start3A_208 = tpu.memref_slice %arg12[%add3A_207] : memref<1000000xf32, #tpu.memory_space<vmem_shared>> -> memref<3912xf32, #tpu.memory_space<vmem_shared>>
      %dma_start3A_209 = tpu.memref_slice %arg12[%add3A_207] : memref<1000000xf32, #tpu.memory_space<vmem_shared>> -> memref<3912xf32, #tpu.memory_space<vmem_shared>>
      tpu.enqueue_dma source(%arg11 : memref<3912xf32, #tpu.memory_space<vmem>>) target(%dma_start3A_209 : memref<3912xf32, #tpu.memory_space<vmem_shared>>) target_semaphore(%arg17 : memref<!tpu.dma_semaphore, #tpu.memory_space<semaphore_mem>>)
      %dma_wait3A_210 = tpu.memref_slice %arg12[%add3A_207] : memref<1000000xf32, #tpu.memory_space<vmem_shared>> -> memref<3912xf32, #tpu.memory_space<vmem_shared>>
      %dma_wait3A_211 = tpu.memref_slice %arg12[%add3A_207] : memref<1000000xf32, #tpu.memory_space<vmem_shared>> -> memref<3912xf32, #tpu.memory_space<vmem_shared>>
      tpu.wait_dma2 semaphore(%arg17 : memref<!tpu.dma_semaphore, #tpu.memory_space<semaphore_mem>>) src(%arg11 : memref<3912xf32, #tpu.memory_space<vmem>>) dst(%dma_wait3A_211 : memref<3912xf32, #tpu.memory_space<vmem_shared>>)
      %add3A_212 = arith.constant 43032 : i32
      %add3A_213 = arith.addi %mul3A_89, %add3A_212 : i32
      %dma_start3A_214 = tpu.memref_slice %arg3[%add3A_213] : memref<1000000xf32, #tpu.memory_space<hbm>> -> memref<3912xf32, #tpu.memory_space<hbm>>
      %dma_start3A_215 = tpu.memref_slice %arg3[%add3A_213] : memref<1000000xf32, #tpu.memory_space<hbm>> -> memref<3912xf32, #tpu.memory_space<hbm>>
      tpu.enqueue_dma source(%dma_start3A_215 : memref<3912xf32, #tpu.memory_space<hbm>>) target(%arg11 : memref<3912xf32, #tpu.memory_space<vmem>>) target_semaphore(%arg19 : memref<!tpu.dma_semaphore, #tpu.memory_space<semaphore_mem>>)
      %dma_wait3A_216 = tpu.memref_slice %arg3[%add3A_201] : memref<1000000xf32, #tpu.memory_space<hbm>> -> memref<3912xf32, #tpu.memory_space<hbm>>
      %dma_wait3A_217 = tpu.memref_slice %arg3[%add3A_201] : memref<1000000xf32, #tpu.memory_space<hbm>> -> memref<3912xf32, #tpu.memory_space<hbm>>
      tpu.wait_dma2 semaphore(%arg18 : memref<!tpu.dma_semaphore, #tpu.memory_space<semaphore_mem>>) src(%dma_wait3A_217 : memref<3912xf32, #tpu.memory_space<hbm>>) dst(%arg10 : memref<3912xf32, #tpu.memory_space<vmem>>)
      %add3A_218 = arith.constant 39120 : i32
      %add3A_219 = arith.addi %mul3A_89, %add3A_218 : i32
      %dma_start3A_220 = tpu.memref_slice %arg12[%add3A_219] : memref<1000000xf32, #tpu.memory_space<vmem_shared>> -> memref<3912xf32, #tpu.memory_space<vmem_shared>>
      %dma_start3A_221 = tpu.memref_slice %arg12[%add3A_219] : memref<1000000xf32, #tpu.memory_space<vmem_shared>> -> memref<3912xf32, #tpu.memory_space<vmem_shared>>
      tpu.enqueue_dma source(%arg10 : memref<3912xf32, #tpu.memory_space<vmem>>) target(%dma_start3A_221 : memref<3912xf32, #tpu.memory_space<vmem_shared>>) target_semaphore(%arg20 : memref<!tpu.dma_semaphore, #tpu.memory_space<semaphore_mem>>)
      %dma_wait3A_222 = tpu.memref_slice %arg12[%add3A_219] : memref<1000000xf32, #tpu.memory_space<vmem_shared>> -> memref<3912xf32, #tpu.memory_space<vmem_shared>>
      %dma_wait3A_223 = tpu.memref_slice %arg12[%add3A_219] : memref<1000000xf32, #tpu.memory_space<vmem_shared>> -> memref<3912xf32, #tpu.memory_space<vmem_shared>>
      tpu.wait_dma2 semaphore(%arg20 : memref<!tpu.dma_semaphore, #tpu.memory_space<semaphore_mem>>) src(%arg10 : memref<3912xf32, #tpu.memory_space<vmem>>) dst(%dma_wait3A_223 : memref<3912xf32, #tpu.memory_space<vmem_shared>>)
      %add3A_224 = arith.constant 46944 : i32
      %add3A_225 = arith.addi %mul3A_89, %add3A_224 : i32
      %dma_start3A_226 = tpu.memref_slice %arg3[%add3A_225] : memref<1000000xf32, #tpu.memory_space<hbm>> -> memref<3912xf32, #tpu.memory_space<hbm>>
      %dma_start3A_227 = tpu.memref_slice %arg3[%add3A_225] : memref<1000000xf32, #tpu.memory_space<hbm>> -> memref<3912xf32, #tpu.memory_space<hbm>>
      tpu.enqueue_dma source(%dma_start3A_227 : memref<3912xf32, #tpu.memory_space<hbm>>) target(%arg10 : memref<3912xf32, #tpu.memory_space<vmem>>) target_semaphore(%arg18 : memref<!tpu.dma_semaphore, #tpu.memory_space<semaphore_mem>>)
      %dma_wait3A_228 = tpu.memref_slice %arg3[%add3A_213] : memref<1000000xf32, #tpu.memory_space<hbm>> -> memref<3912xf32, #tpu.memory_space<hbm>>
      %dma_wait3A_229 = tpu.memref_slice %arg3[%add3A_213] : memref<1000000xf32, #tpu.memory_space<hbm>> -> memref<3912xf32, #tpu.memory_space<hbm>>
      tpu.wait_dma2 semaphore(%arg19 : memref<!tpu.dma_semaphore, #tpu.memory_space<semaphore_mem>>) src(%dma_wait3A_229 : memref<3912xf32, #tpu.memory_space<hbm>>) dst(%arg11 : memref<3912xf32, #tpu.memory_space<vmem>>)
      %add3A_230 = arith.constant 43032 : i32
      %add3A_231 = arith.addi %mul3A_89, %add3A_230 : i32
      %dma_start3A_232 = tpu.memref_slice %arg12[%add3A_231] : memref<1000000xf32, #tpu.memory_space<vmem_shared>> -> memref<3912xf32, #tpu.memory_space<vmem_shared>>
      %dma_start3A_233 = tpu.memref_slice %arg12[%add3A_231] : memref<1000000xf32, #tpu.memory_space<vmem_shared>> -> memref<3912xf32, #tpu.memory_space<vmem_shared>>
      tpu.enqueue_dma source(%arg11 : memref<3912xf32, #tpu.memory_space<vmem>>) target(%dma_start3A_233 : memref<3912xf32, #tpu.memory_space<vmem_shared>>) target_semaphore(%arg17 : memref<!tpu.dma_semaphore, #tpu.memory_space<semaphore_mem>>)
      %dma_wait3A_234 = tpu.memref_slice %arg12[%add3A_231] : memref<1000000xf32, #tpu.memory_space<vmem_shared>> -> memref<3912xf32, #tpu.memory_space<vmem_shared>>
      %dma_wait3A_235 = tpu.memref_slice %arg12[%add3A_231] : memref<1000000xf32, #tpu.memory_space<vmem_shared>> -> memref<3912xf32, #tpu.memory_space<vmem_shared>>
      tpu.wait_dma2 semaphore(%arg17 : memref<!tpu.dma_semaphore, #tpu.memory_space<semaphore_mem>>) src(%arg11 : memref<3912xf32, #tpu.memory_space<vmem>>) dst(%dma_wait3A_235 : memref<3912xf32, #tpu.memory_space<vmem_shared>>)
      %add3A_236 = arith.constant 50856 : i32
      %add3A_237 = arith.addi %mul3A_89, %add3A_236 : i32
      %dma_start3A_238 = tpu.memref_slice %arg3[%add3A_237] : memref<1000000xf32, #tpu.memory_space<hbm>> -> memref<3912xf32, #tpu.memory_space<hbm>>
      %dma_start3A_239 = tpu.memref_slice %arg3[%add3A_237] : memref<1000000xf32, #tpu.memory_space<hbm>> -> memref<3912xf32, #tpu.memory_space<hbm>>
      tpu.enqueue_dma source(%dma_start3A_239 : memref<3912xf32, #tpu.memory_space<hbm>>) target(%arg11 : memref<3912xf32, #tpu.memory_space<vmem>>) target_semaphore(%arg19 : memref<!tpu.dma_semaphore, #tpu.memory_space<semaphore_mem>>)
      %dma_wait3A_240 = tpu.memref_slice %arg3[%add3A_225] : memref<1000000xf32, #tpu.memory_space<hbm>> -> memref<3912xf32, #tpu.memory_space<hbm>>
      %dma_wait3A_241 = tpu.memref_slice %arg3[%add3A_225] : memref<1000000xf32, #tpu.memory_space<hbm>> -> memref<3912xf32, #tpu.memory_space<hbm>>
      tpu.wait_dma2 semaphore(%arg18 : memref<!tpu.dma_semaphore, #tpu.memory_space<semaphore_mem>>) src(%dma_wait3A_241 : memref<3912xf32, #tpu.memory_space<hbm>>) dst(%arg10 : memref<3912xf32, #tpu.memory_space<vmem>>)
      %add3A_242 = arith.constant 46944 : i32
      %add3A_243 = arith.addi %mul3A_89, %add3A_242 : i32
      %dma_start3A_244 = tpu.memref_slice %arg12[%add3A_243] : memref<1000000xf32, #tpu.memory_space<vmem_shared>> -> memref<3912xf32, #tpu.memory_space<vmem_shared>>
      %dma_start3A_245 = tpu.memref_slice %arg12[%add3A_243] : memref<1000000xf32, #tpu.memory_space<vmem_shared>> -> memref<3912xf32, #tpu.memory_space<vmem_shared>>
      tpu.enqueue_dma source(%arg10 : memref<3912xf32, #tpu.memory_space<vmem>>) target(%dma_start3A_245 : memref<3912xf32, #tpu.memory_space<vmem_shared>>) target_semaphore(%arg20 : memref<!tpu.dma_semaphore, #tpu.memory_space<semaphore_mem>>)
      %dma_wait3A_246 = tpu.memref_slice %arg12[%add3A_243] : memref<1000000xf32, #tpu.memory_space<vmem_shared>> -> memref<3912xf32, #tpu.memory_space<vmem_shared>>
      %dma_wait3A_247 = tpu.memref_slice %arg12[%add3A_243] : memref<1000000xf32, #tpu.memory_space<vmem_shared>> -> memref<3912xf32, #tpu.memory_space<vmem_shared>>
      tpu.wait_dma2 semaphore(%arg20 : memref<!tpu.dma_semaphore, #tpu.memory_space<semaphore_mem>>) src(%arg10 : memref<3912xf32, #tpu.memory_space<vmem>>) dst(%dma_wait3A_247 : memref<3912xf32, #tpu.memory_space<vmem_shared>>)
      %add3A_248 = arith.constant 54768 : i32
      %add3A_249 = arith.addi %mul3A_89, %add3A_248 : i32
      %dma_start3A_250 = tpu.memref_slice %arg3[%add3A_249] : memref<1000000xf32, #tpu.memory_space<hbm>> -> memref<3912xf32, #tpu.memory_space<hbm>>
      %dma_start3A_251 = tpu.memref_slice %arg3[%add3A_249] : memref<1000000xf32, #tpu.memory_space<hbm>> -> memref<3912xf32, #tpu.memory_space<hbm>>
      tpu.enqueue_dma source(%dma_start3A_251 : memref<3912xf32, #tpu.memory_space<hbm>>) target(%arg10 : memref<3912xf32, #tpu.memory_space<vmem>>) target_semaphore(%arg18 : memref<!tpu.dma_semaphore, #tpu.memory_space<semaphore_mem>>)
      %dma_wait3A_252 = tpu.memref_slice %arg3[%add3A_237] : memref<1000000xf32, #tpu.memory_space<hbm>> -> memref<3912xf32, #tpu.memory_space<hbm>>
      %dma_wait3A_253 = tpu.memref_slice %arg3[%add3A_237] : memref<1000000xf32, #tpu.memory_space<hbm>> -> memref<3912xf32, #tpu.memory_space<hbm>>
      tpu.wait_dma2 semaphore(%arg19 : memref<!tpu.dma_semaphore, #tpu.memory_space<semaphore_mem>>) src(%dma_wait3A_253 : memref<3912xf32, #tpu.memory_space<hbm>>) dst(%arg11 : memref<3912xf32, #tpu.memory_space<vmem>>)
      %add3A_254 = arith.constant 50856 : i32
      %add3A_255 = arith.addi %mul3A_89, %add3A_254 : i32
      %dma_start3A_256 = tpu.memref_slice %arg12[%add3A_255] : memref<1000000xf32, #tpu.memory_space<vmem_shared>> -> memref<3912xf32, #tpu.memory_space<vmem_shared>>
      %dma_start3A_257 = tpu.memref_slice %arg12[%add3A_255] : memref<1000000xf32, #tpu.memory_space<vmem_shared>> -> memref<3912xf32, #tpu.memory_space<vmem_shared>>
      tpu.enqueue_dma source(%arg11 : memref<3912xf32, #tpu.memory_space<vmem>>) target(%dma_start3A_257 : memref<3912xf32, #tpu.memory_space<vmem_shared>>) target_semaphore(%arg17 : memref<!tpu.dma_semaphore, #tpu.memory_space<semaphore_mem>>)
      %dma_wait3A_258 = tpu.memref_slice %arg3[%add3A_249] : memref<1000000xf32, #tpu.memory_space<hbm>> -> memref<3912xf32, #tpu.memory_space<hbm>>
      %dma_wait3A_259 = tpu.memref_slice %arg3[%add3A_249] : memref<1000000xf32, #tpu.memory_space<hbm>> -> memref<3912xf32, #tpu.memory_space<hbm>>
      tpu.wait_dma2 semaphore(%arg18 : memref<!tpu.dma_semaphore, #tpu.memory_space<semaphore_mem>>) src(%dma_wait3A_259 : memref<3912xf32, #tpu.memory_space<hbm>>) dst(%arg10 : memref<3912xf32, #tpu.memory_space<vmem>>)
      %add3A_260 = arith.constant 54768 : i32
      %add3A_261 = arith.addi %mul3A_89, %add3A_260 : i32
      %dma_start3A_262 = tpu.memref_slice %arg12[%add3A_261] : memref<1000000xf32, #tpu.memory_space<vmem_shared>> -> memref<3912xf32, #tpu.memory_space<vmem_shared>>
      %dma_start3A_263 = tpu.memref_slice %arg12[%add3A_261] : memref<1000000xf32, #tpu.memory_space<vmem_shared>> -> memref<3912xf32, #tpu.memory_space<vmem_shared>>
      tpu.enqueue_dma source(%arg10 : memref<3912xf32, #tpu.memory_space<vmem>>) target(%dma_start3A_263 : memref<3912xf32, #tpu.memory_space<vmem_shared>>) target_semaphore(%arg20 : memref<!tpu.dma_semaphore, #tpu.memory_space<semaphore_mem>>)
      %dma_wait3A_264 = tpu.memref_slice %arg12[%add3A_261] : memref<1000000xf32, #tpu.memory_space<vmem_shared>> -> memref<3912xf32, #tpu.memory_space<vmem_shared>>
      %dma_wait3A_265 = tpu.memref_slice %arg12[%add3A_261] : memref<1000000xf32, #tpu.memory_space<vmem_shared>> -> memref<3912xf32, #tpu.memory_space<vmem_shared>>
      tpu.wait_dma2 semaphore(%arg20 : memref<!tpu.dma_semaphore, #tpu.memory_space<semaphore_mem>>) src(%arg10 : memref<3912xf32, #tpu.memory_space<vmem>>) dst(%dma_wait3A_265 : memref<3912xf32, #tpu.memory_space<vmem_shared>>)
      %dma_wait3A_266 = tpu.memref_slice %arg12[%add3A_255] : memref<1000000xf32, #tpu.memory_space<vmem_shared>> -> memref<3912xf32, #tpu.memory_space<vmem_shared>>
      %dma_wait3A_267 = tpu.memref_slice %arg12[%add3A_255] : memref<1000000xf32, #tpu.memory_space<vmem_shared>> -> memref<3912xf32, #tpu.memory_space<vmem_shared>>
      tpu.wait_dma2 semaphore(%arg17 : memref<!tpu.dma_semaphore, #tpu.memory_space<semaphore_mem>>) src(%arg11 : memref<3912xf32, #tpu.memory_space<vmem>>) dst(%dma_wait3A_267 : memref<3912xf32, #tpu.memory_space<vmem_shared>>)
      %mul3A_268 = arith.constant 62592 : i32
      %mul3A_269 = arith.muli %arg1, %mul3A_268 : i32
      %add3A_270 = arith.constant 58680 : i32
      %add3A_271 = arith.addi %mul3A_269, %add3A_270 : i32
      "tpu.region"() ({
        %run_scoped3A = tpu.sem_alloc : memref<!tpu.dma_semaphore, #tpu.memory_space<semaphore_mem>>
        %dma_start3A_272 = arith.constant 0 : i32
        %dma_start3A_273 = tpu.memref_slice %arg10[%dma_start3A_272] : memref<3912xf32, #tpu.memory_space<vmem>> -> memref<2440xf32, #tpu.memory_space<vmem>>
        %dma_start3A_274 = tpu.memref_slice %arg3[%add3A_271] : memref<1000000xf32, #tpu.memory_space<hbm>> -> memref<2440xf32, #tpu.memory_space<hbm>>
        %dma_start3A_275 = arith.constant 0 : i32
        %dma_start3A_276 = tpu.memref_slice %arg10[%dma_start3A_275] : memref<3912xf32, #tpu.memory_space<vmem>> -> memref<2440xf32, #tpu.memory_space<vmem>>
        %dma_start3A_277 = tpu.memref_slice %arg3[%add3A_271] : memref<1000000xf32, #tpu.memory_space<hbm>> -> memref<2440xf32, #tpu.memory_space<hbm>>
        tpu.enqueue_dma source(%dma_start3A_277 : memref<2440xf32, #tpu.memory_space<hbm>>) target(%dma_start3A_276 : memref<2440xf32, #tpu.memory_space<vmem>>) target_semaphore(%run_scoped3A : memref<!tpu.dma_semaphore, #tpu.memory_space<semaphore_mem>>)
        %dma_wait3A_278 = arith.constant 0 : i32
        %dma_wait3A_279 = tpu.memref_slice %arg10[%dma_wait3A_278] : memref<3912xf32, #tpu.memory_space<vmem>> -> memref<2440xf32, #tpu.memory_space<vmem>>
        %dma_wait3A_280 = tpu.memref_slice %arg3[%add3A_271] : memref<1000000xf32, #tpu.memory_space<hbm>> -> memref<2440xf32, #tpu.memory_space<hbm>>
        %dma_wait3A_281 = arith.constant 0 : i32
        %dma_wait3A_282 = tpu.memref_slice %arg10[%dma_wait3A_281] : memref<3912xf32, #tpu.memory_space<vmem>> -> memref<2440xf32, #tpu.memory_space<vmem>>
        %dma_wait3A_283 = tpu.memref_slice %arg3[%add3A_271] : memref<1000000xf32, #tpu.memory_space<hbm>> -> memref<2440xf32, #tpu.memory_space<hbm>>
        tpu.wait_dma2 semaphore(%run_scoped3A : memref<!tpu.dma_semaphore, #tpu.memory_space<semaphore_mem>>) src(%dma_wait3A_283 : memref<2440xf32, #tpu.memory_space<hbm>>) dst(%dma_wait3A_282 : memref<2440xf32, #tpu.memory_space<vmem>>)
        tpu.yield
      }) : () -> ()
      "tpu.region"() ({
        %run_scoped3A = tpu.sem_alloc : memref<!tpu.dma_semaphore, #tpu.memory_space<semaphore_mem>>
        %dma_start3A_272 = arith.constant 0 : i32
        %dma_start3A_273 = tpu.memref_slice %arg10[%dma_start3A_272] : memref<3912xf32, #tpu.memory_space<vmem>> -> memref<2440xf32, #tpu.memory_space<vmem>>
        %dma_start3A_274 = tpu.memref_slice %arg12[%add3A_271] : memref<1000000xf32, #tpu.memory_space<vmem_shared>> -> memref<2440xf32, #tpu.memory_space<vmem_shared>>
        %dma_start3A_275 = tpu.memref_slice %arg12[%add3A_271] : memref<1000000xf32, #tpu.memory_space<vmem_shared>> -> memref<2440xf32, #tpu.memory_space<vmem_shared>>
        %dma_start3A_276 = arith.constant 0 : i32
        %dma_start3A_277 = tpu.memref_slice %arg10[%dma_start3A_276] : memref<3912xf32, #tpu.memory_space<vmem>> -> memref<2440xf32, #tpu.memory_space<vmem>>
        tpu.enqueue_dma source(%dma_start3A_277 : memref<2440xf32, #tpu.memory_space<vmem>>) target(%dma_start3A_275 : memref<2440xf32, #tpu.memory_space<vmem_shared>>) target_semaphore(%run_scoped3A : memref<!tpu.dma_semaphore, #tpu.memory_space<semaphore_mem>>)
        %dma_wait3A_278 = arith.constant 0 : i32
        %dma_wait3A_279 = tpu.memref_slice %arg10[%dma_wait3A_278] : memref<3912xf32, #tpu.memory_space<vmem>> -> memref<2440xf32, #tpu.memory_space<vmem>>
        %dma_wait3A_280 = tpu.memref_slice %arg12[%add3A_271] : memref<1000000xf32, #tpu.memory_space<vmem_shared>> -> memref<2440xf32, #tpu.memory_space<vmem_shared>>
        %dma_wait3A_281 = tpu.memref_slice %arg12[%add3A_271] : memref<1000000xf32, #tpu.memory_space<vmem_shared>> -> memref<2440xf32, #tpu.memory_space<vmem_shared>>
        %dma_wait3A_282 = arith.constant 0 : i32
        %dma_wait3A_283 = tpu.memref_slice %arg10[%dma_wait3A_282] : memref<3912xf32, #tpu.memory_space<vmem>> -> memref<2440xf32, #tpu.memory_space<vmem>>
        tpu.wait_dma2 semaphore(%run_scoped3A : memref<!tpu.dma_semaphore, #tpu.memory_space<semaphore_mem>>) src(%dma_wait3A_283 : memref<2440xf32, #tpu.memory_space<vmem>>) dst(%dma_wait3A_281 : memref<2440xf32, #tpu.memory_space<vmem_shared>>)
        tpu.yield
      }) : () -> ()
    } else {
    }
    %barrier3A = arith.constant 0 : index
    tpu.barrier barrier_id(%barrier3A)
    %dma_start3A_13 = arith.constant 0 : i32
    %dma_start3A_14 = tpu.memref_slice %arg7[%dma_start3A_13] : memref<13312xf32, #tpu.memory_space<vmem>> -> memref<3328xf32, #tpu.memory_space<vmem>>
    %dma_start3A_15 = arith.constant 0 : i32
    %dma_start3A_16 = tpu.memref_slice %arg6[%dma_start3A_15] : memref<13312xi32, #tpu.memory_space<vmem>> -> memref<3328xi32, #tpu.memory_space<vmem>>
    %dma_start3A_17 = arith.constant 0 : i32
    %dma_start3A_18 = tpu.memref_slice %arg12[%dma_start3A_17] : memref<1000000xf32, #tpu.memory_space<vmem_shared>> -> memref<1000000xf32, #tpu.memory_space<vmem_shared>>
    tpu.enqueue_indirect_dma source(%dma_start3A_18 : memref<1000000xf32, #tpu.memory_space<vmem_shared>>) target(%dma_start3A_14 : memref<3328xf32, #tpu.memory_space<vmem>>) offsets(%dma_start3A_16 : memref<3328xi32, #tpu.memory_space<vmem>>) semaphore(%arg13 : memref<!tpu.dma_semaphore, #tpu.memory_space<semaphore_mem>>)
    %dma_start3A_19 = arith.constant 3328 : i32
    %dma_start3A_20 = tpu.memref_slice %arg7[%dma_start3A_19] : memref<13312xf32, #tpu.memory_space<vmem>> -> memref<3328xf32, #tpu.memory_space<vmem>>
    %dma_start3A_21 = arith.constant 3328 : i32
    %dma_start3A_22 = tpu.memref_slice %arg6[%dma_start3A_21] : memref<13312xi32, #tpu.memory_space<vmem>> -> memref<3328xi32, #tpu.memory_space<vmem>>
    %dma_start3A_23 = arith.constant 0 : i32
    %dma_start3A_24 = tpu.memref_slice %arg12[%dma_start3A_23] : memref<1000000xf32, #tpu.memory_space<vmem_shared>> -> memref<1000000xf32, #tpu.memory_space<vmem_shared>>
    tpu.enqueue_indirect_dma source(%dma_start3A_24 : memref<1000000xf32, #tpu.memory_space<vmem_shared>>) target(%dma_start3A_20 : memref<3328xf32, #tpu.memory_space<vmem>>) offsets(%dma_start3A_22 : memref<3328xi32, #tpu.memory_space<vmem>>) semaphore(%arg14 : memref<!tpu.dma_semaphore, #tpu.memory_space<semaphore_mem>>)
    %dma_start3A_25 = arith.constant 6656 : i32
    %dma_start3A_26 = tpu.memref_slice %arg7[%dma_start3A_25] : memref<13312xf32, #tpu.memory_space<vmem>> -> memref<3328xf32, #tpu.memory_space<vmem>>
    %dma_start3A_27 = arith.constant 6656 : i32
    %dma_start3A_28 = tpu.memref_slice %arg6[%dma_start3A_27] : memref<13312xi32, #tpu.memory_space<vmem>> -> memref<3328xi32, #tpu.memory_space<vmem>>
    %dma_start3A_29 = arith.constant 0 : i32
    %dma_start3A_30 = tpu.memref_slice %arg12[%dma_start3A_29] : memref<1000000xf32, #tpu.memory_space<vmem_shared>> -> memref<1000000xf32, #tpu.memory_space<vmem_shared>>
    tpu.enqueue_indirect_dma source(%dma_start3A_30 : memref<1000000xf32, #tpu.memory_space<vmem_shared>>) target(%dma_start3A_26 : memref<3328xf32, #tpu.memory_space<vmem>>) offsets(%dma_start3A_28 : memref<3328xi32, #tpu.memory_space<vmem>>) semaphore(%arg15 : memref<!tpu.dma_semaphore, #tpu.memory_space<semaphore_mem>>)
    %dma_start3A_31 = arith.constant 9984 : i32
    %dma_start3A_32 = tpu.memref_slice %arg7[%dma_start3A_31] : memref<13312xf32, #tpu.memory_space<vmem>> -> memref<3328xf32, #tpu.memory_space<vmem>>
    %dma_start3A_33 = arith.constant 9984 : i32
    %dma_start3A_34 = tpu.memref_slice %arg6[%dma_start3A_33] : memref<13312xi32, #tpu.memory_space<vmem>> -> memref<3328xi32, #tpu.memory_space<vmem>>
    %dma_start3A_35 = arith.constant 0 : i32
    %dma_start3A_36 = tpu.memref_slice %arg12[%dma_start3A_35] : memref<1000000xf32, #tpu.memory_space<vmem_shared>> -> memref<1000000xf32, #tpu.memory_space<vmem_shared>>
    tpu.enqueue_indirect_dma source(%dma_start3A_36 : memref<1000000xf32, #tpu.memory_space<vmem_shared>>) target(%dma_start3A_32 : memref<3328xf32, #tpu.memory_space<vmem>>) offsets(%dma_start3A_34 : memref<3328xi32, #tpu.memory_space<vmem>>) semaphore(%arg16 : memref<!tpu.dma_semaphore, #tpu.memory_space<semaphore_mem>>)
    %get3A = arith.constant 0 : index
    %get3A_37 = tpu.vector_load %arg9[%get3A] {strides = array<i32>} : memref<16xf32, #tpu.memory_space<vmem>>, vector<16xf32>,
    %iota3A = tpu.iota {dimensions = array<i32: 0>} : vector<16xi32>
    %mul3A_38 = arith.constant 26 : i32
    %mul3A_39 = vector.broadcast %mul3A_38 : i32 to vector<16xi32>
    %mul3A_40 = arith.muli %iota3A, %mul3A_39 : vector<16xi32>
    %dma_wait3A_41 = arith.constant 0 : i32
    %dma_wait3A_42 = tpu.memref_slice %arg7[%dma_wait3A_41] : memref<13312xf32, #tpu.memory_space<vmem>> -> memref<3328xf32, #tpu.memory_space<vmem>>
    %dma_wait3A_43 = arith.constant 0 : i32
    %dma_wait3A_44 = tpu.memref_slice %arg6[%dma_wait3A_43] : memref<13312xi32, #tpu.memory_space<vmem>> -> memref<3328xi32, #tpu.memory_space<vmem>>
    %dma_wait3A_45 = arith.constant 0 : i32
    %dma_wait3A_46 = tpu.memref_slice %arg12[%dma_wait3A_45] : memref<1000000xf32, #tpu.memory_space<vmem_shared>> -> memref<1000000xf32, #tpu.memory_space<vmem_shared>>
    tpu.wait_indirect_dma semaphore(%arg13 : memref<!tpu.dma_semaphore, #tpu.memory_space<semaphore_mem>>) src(%dma_wait3A_46 : memref<1000000xf32, #tpu.memory_space<vmem_shared>>) dst(%dma_wait3A_42 : memref<3328xf32, #tpu.memory_space<vmem>>)
    %scan3A = arith.constant 0 : i32
    %scan3A_47 = arith.constant 0 : i32
    %scan3A_48 = arith.constant 8 : i32
    %scan3A_49 = arith.addi %scan3A_47, %scan3A_48 : i32
    %scan3A_50 = arith.constant 1 : i32
    scf.for %scan3A_88 = %scan3A_47 to %scan3A_49 step %scan3A_50  : i32 {
      %mul3A_89 = arith.constant 416 : i32
      %mul3A_90 = arith.muli %scan3A_88, %mul3A_89 : i32
      %add3A_91 = vector.broadcast %mul3A_90 : i32 to vector<16xi32>
      %add3A_92 = arith.addi %mul3A_40, %add3A_91 : vector<16xi32>
      %scan3A_93 = arith.constant 0 : i32
      %add3A_94 = vector.broadcast %scan3A_93 : i32 to vector<16xi32>
      %add3A_95 = arith.addi %add3A_92, %add3A_94 : vector<16xi32>
      %gather3A = tpu.vector_load_idx %arg7[%add3A_95] : memref<13312xf32, #tpu.memory_space<vmem>>[vector<16xi32>], vector<16xf32>,
      %add3A_96 = arith.addf %get3A_37, %gather3A : vector<16xf32>
      %scan3A_97 = arith.constant 1 : i32
      %add3A_98 = vector.broadcast %scan3A_97 : i32 to vector<16xi32>
      %add3A_99 = arith.addi %add3A_92, %add3A_98 : vector<16xi32>
      %gather3A_100 = tpu.vector_load_idx %arg7[%add3A_99] : memref<13312xf32, #tpu.memory_space<vmem>>[vector<16xi32>], vector<16xf32>,
      %add3A_101 = arith.addf %add3A_96, %gather3A_100 : vector<16xf32>
      %scan3A_102 = arith.constant 2 : i32
      %add3A_103 = vector.broadcast %scan3A_102 : i32 to vector<16xi32>
      %add3A_104 = arith.addi %add3A_92, %add3A_103 : vector<16xi32>
      %gather3A_105 = tpu.vector_load_idx %arg7[%add3A_104] : memref<13312xf32, #tpu.memory_space<vmem>>[vector<16xi32>], vector<16xf32>,
      %add3A_106 = arith.addf %add3A_101, %gather3A_105 : vector<16xf32>
      %scan3A_107 = arith.constant 3 : i32
      %add3A_108 = vector.broadcast %scan3A_107 : i32 to vector<16xi32>
      %add3A_109 = arith.addi %add3A_92, %add3A_108 : vector<16xi32>
      %gather3A_110 = tpu.vector_load_idx %arg7[%add3A_109] : memref<13312xf32, #tpu.memory_space<vmem>>[vector<16xi32>], vector<16xf32>,
      %add3A_111 = arith.addf %add3A_106, %gather3A_110 : vector<16xf32>
      %scan3A_112 = arith.constant 4 : i32
      %add3A_113 = vector.broadcast %scan3A_112 : i32 to vector<16xi32>
      %add3A_114 = arith.addi %add3A_92, %add3A_113 : vector<16xi32>
      %gather3A_115 = tpu.vector_load_idx %arg7[%add3A_114] : memref<13312xf32, #tpu.memory_space<vmem>>[vector<16xi32>], vector<16xf32>,
      %add3A_116 = arith.addf %add3A_111, %gather3A_115 : vector<16xf32>
      %scan3A_117 = arith.constant 5 : i32
      %add3A_118 = vector.broadcast %scan3A_117 : i32 to vector<16xi32>
      %add3A_119 = arith.addi %add3A_92, %add3A_118 : vector<16xi32>
      %gather3A_120 = tpu.vector_load_idx %arg7[%add3A_119] : memref<13312xf32, #tpu.memory_space<vmem>>[vector<16xi32>], vector<16xf32>,
      %add3A_121 = arith.addf %add3A_116, %gather3A_120 : vector<16xf32>
      %scan3A_122 = arith.constant 6 : i32
      %add3A_123 = vector.broadcast %scan3A_122 : i32 to vector<16xi32>
      %add3A_124 = arith.addi %add3A_92, %add3A_123 : vector<16xi32>
      %gather3A_125 = tpu.vector_load_idx %arg7[%add3A_124] : memref<13312xf32, #tpu.memory_space<vmem>>[vector<16xi32>], vector<16xf32>,
      %add3A_126 = arith.addf %add3A_121, %gather3A_125 : vector<16xf32>
      %scan3A_127 = arith.constant 7 : i32
      %add3A_128 = vector.broadcast %scan3A_127 : i32 to vector<16xi32>
      %add3A_129 = arith.addi %add3A_92, %add3A_128 : vector<16xi32>
      %gather3A_130 = tpu.vector_load_idx %arg7[%add3A_129] : memref<13312xf32, #tpu.memory_space<vmem>>[vector<16xi32>], vector<16xf32>,
      %add3A_131 = arith.addf %add3A_126, %gather3A_130 : vector<16xf32>
      %scan3A_132 = arith.constant 8 : i32
      %add3A_133 = vector.broadcast %scan3A_132 : i32 to vector<16xi32>
      %add3A_134 = arith.addi %add3A_92, %add3A_133 : vector<16xi32>
      %gather3A_135 = tpu.vector_load_idx %arg7[%add3A_134] : memref<13312xf32, #tpu.memory_space<vmem>>[vector<16xi32>], vector<16xf32>,
      %add3A_136 = arith.addf %add3A_131, %gather3A_135 : vector<16xf32>
      %scan3A_137 = arith.constant 9 : i32
      %add3A_138 = vector.broadcast %scan3A_137 : i32 to vector<16xi32>
      %add3A_139 = arith.addi %add3A_92, %add3A_138 : vector<16xi32>
      %gather3A_140 = tpu.vector_load_idx %arg7[%add3A_139] : memref<13312xf32, #tpu.memory_space<vmem>>[vector<16xi32>], vector<16xf32>,
      %add3A_141 = arith.addf %add3A_136, %gather3A_140 : vector<16xf32>
      %scan3A_142 = arith.constant 10 : i32
      %add3A_143 = vector.broadcast %scan3A_142 : i32 to vector<16xi32>
      %add3A_144 = arith.addi %add3A_92, %add3A_143 : vector<16xi32>
      %gather3A_145 = tpu.vector_load_idx %arg7[%add3A_144] : memref<13312xf32, #tpu.memory_space<vmem>>[vector<16xi32>], vector<16xf32>,
      %add3A_146 = arith.addf %add3A_141, %gather3A_145 : vector<16xf32>
      %scan3A_147 = arith.constant 11 : i32
      %add3A_148 = vector.broadcast %scan3A_147 : i32 to vector<16xi32>
      %add3A_149 = arith.addi %add3A_92, %add3A_148 : vector<16xi32>
      %gather3A_150 = tpu.vector_load_idx %arg7[%add3A_149] : memref<13312xf32, #tpu.memory_space<vmem>>[vector<16xi32>], vector<16xf32>,
      %add3A_151 = arith.addf %add3A_146, %gather3A_150 : vector<16xf32>
      %scan3A_152 = arith.constant 12 : i32
      %add3A_153 = vector.broadcast %scan3A_152 : i32 to vector<16xi32>
      %add3A_154 = arith.addi %add3A_92, %add3A_153 : vector<16xi32>
      %gather3A_155 = tpu.vector_load_idx %arg7[%add3A_154] : memref<13312xf32, #tpu.memory_space<vmem>>[vector<16xi32>], vector<16xf32>,
      %add3A_156 = arith.addf %add3A_151, %gather3A_155 : vector<16xf32>
      %scan3A_157 = arith.constant 13 : i32
      %add3A_158 = vector.broadcast %scan3A_157 : i32 to vector<16xi32>
      %add3A_159 = arith.addi %add3A_92, %add3A_158 : vector<16xi32>
      %gather3A_160 = tpu.vector_load_idx %arg7[%add3A_159] : memref<13312xf32, #tpu.memory_space<vmem>>[vector<16xi32>], vector<16xf32>,
      %add3A_161 = arith.addf %add3A_156, %gather3A_160 : vector<16xf32>
      %scan3A_162 = arith.constant 14 : i32
      %add3A_163 = vector.broadcast %scan3A_162 : i32 to vector<16xi32>
      %add3A_164 = arith.addi %add3A_92, %add3A_163 : vector<16xi32>
      %gather3A_165 = tpu.vector_load_idx %arg7[%add3A_164] : memref<13312xf32, #tpu.memory_space<vmem>>[vector<16xi32>], vector<16xf32>,
      %add3A_166 = arith.addf %add3A_161, %gather3A_165 : vector<16xf32>
      %scan3A_167 = arith.constant 15 : i32
      %add3A_168 = vector.broadcast %scan3A_167 : i32 to vector<16xi32>
      %add3A_169 = arith.addi %add3A_92, %add3A_168 : vector<16xi32>
      %gather3A_170 = tpu.vector_load_idx %arg7[%add3A_169] : memref<13312xf32, #tpu.memory_space<vmem>>[vector<16xi32>], vector<16xf32>,
      %add3A_171 = arith.addf %add3A_166, %gather3A_170 : vector<16xf32>
      %scan3A_172 = arith.constant 16 : i32
      %add3A_173 = vector.broadcast %scan3A_172 : i32 to vector<16xi32>
      %add3A_174 = arith.addi %add3A_92, %add3A_173 : vector<16xi32>
      %gather3A_175 = tpu.vector_load_idx %arg7[%add3A_174] : memref<13312xf32, #tpu.memory_space<vmem>>[vector<16xi32>], vector<16xf32>,
      %add3A_176 = arith.addf %add3A_171, %gather3A_175 : vector<16xf32>
      %scan3A_177 = arith.constant 17 : i32
      %add3A_178 = vector.broadcast %scan3A_177 : i32 to vector<16xi32>
      %add3A_179 = arith.addi %add3A_92, %add3A_178 : vector<16xi32>
      %gather3A_180 = tpu.vector_load_idx %arg7[%add3A_179] : memref<13312xf32, #tpu.memory_space<vmem>>[vector<16xi32>], vector<16xf32>,
      %add3A_181 = arith.addf %add3A_176, %gather3A_180 : vector<16xf32>
      %scan3A_182 = arith.constant 18 : i32
      %add3A_183 = vector.broadcast %scan3A_182 : i32 to vector<16xi32>
      %add3A_184 = arith.addi %add3A_92, %add3A_183 : vector<16xi32>
      %gather3A_185 = tpu.vector_load_idx %arg7[%add3A_184] : memref<13312xf32, #tpu.memory_space<vmem>>[vector<16xi32>], vector<16xf32>,
      %add3A_186 = arith.addf %add3A_181, %gather3A_185 : vector<16xf32>
      %scan3A_187 = arith.constant 19 : i32
      %add3A_188 = vector.broadcast %scan3A_187 : i32 to vector<16xi32>
      %add3A_189 = arith.addi %add3A_92, %add3A_188 : vector<16xi32>
      %gather3A_190 = tpu.vector_load_idx %arg7[%add3A_189] : memref<13312xf32, #tpu.memory_space<vmem>>[vector<16xi32>], vector<16xf32>,
      %add3A_191 = arith.addf %add3A_186, %gather3A_190 : vector<16xf32>
      %scan3A_192 = arith.constant 20 : i32
      %add3A_193 = vector.broadcast %scan3A_192 : i32 to vector<16xi32>
      %add3A_194 = arith.addi %add3A_92, %add3A_193 : vector<16xi32>
      %gather3A_195 = tpu.vector_load_idx %arg7[%add3A_194] : memref<13312xf32, #tpu.memory_space<vmem>>[vector<16xi32>], vector<16xf32>,
      %add3A_196 = arith.addf %add3A_191, %gather3A_195 : vector<16xf32>
      %scan3A_197 = arith.constant 21 : i32
      %add3A_198 = vector.broadcast %scan3A_197 : i32 to vector<16xi32>
      %add3A_199 = arith.addi %add3A_92, %add3A_198 : vector<16xi32>
      %gather3A_200 = tpu.vector_load_idx %arg7[%add3A_199] : memref<13312xf32, #tpu.memory_space<vmem>>[vector<16xi32>], vector<16xf32>,
      %add3A_201 = arith.addf %add3A_196, %gather3A_200 : vector<16xf32>
      %scan3A_202 = arith.constant 22 : i32
      %add3A_203 = vector.broadcast %scan3A_202 : i32 to vector<16xi32>
      %add3A_204 = arith.addi %add3A_92, %add3A_203 : vector<16xi32>
      %gather3A_205 = tpu.vector_load_idx %arg7[%add3A_204] : memref<13312xf32, #tpu.memory_space<vmem>>[vector<16xi32>], vector<16xf32>,
      %add3A_206 = arith.addf %add3A_201, %gather3A_205 : vector<16xf32>
      %scan3A_207 = arith.constant 23 : i32
      %add3A_208 = vector.broadcast %scan3A_207 : i32 to vector<16xi32>
      %add3A_209 = arith.addi %add3A_92, %add3A_208 : vector<16xi32>
      %gather3A_210 = tpu.vector_load_idx %arg7[%add3A_209] : memref<13312xf32, #tpu.memory_space<vmem>>[vector<16xi32>], vector<16xf32>,
      %add3A_211 = arith.addf %add3A_206, %gather3A_210 : vector<16xf32>
      %scan3A_212 = arith.constant 24 : i32
      %add3A_213 = vector.broadcast %scan3A_212 : i32 to vector<16xi32>
      %add3A_214 = arith.addi %add3A_92, %add3A_213 : vector<16xi32>
      %gather3A_215 = tpu.vector_load_idx %arg7[%add3A_214] : memref<13312xf32, #tpu.memory_space<vmem>>[vector<16xi32>], vector<16xf32>,
      %add3A_216 = arith.addf %add3A_211, %gather3A_215 : vector<16xf32>
      %scan3A_217 = arith.constant 25 : i32
      %add3A_218 = vector.broadcast %scan3A_217 : i32 to vector<16xi32>
      %add3A_219 = arith.addi %add3A_92, %add3A_218 : vector<16xi32>
      %gather3A_220 = tpu.vector_load_idx %arg7[%add3A_219] : memref<13312xf32, #tpu.memory_space<vmem>>[vector<16xi32>], vector<16xf32>,
      %add3A_221 = arith.addf %add3A_216, %gather3A_220 : vector<16xf32>
      %scan3A_222 = arith.constant 26 : i32
      %mul3A_223 = arith.constant 16 : i32
      %mul3A_224 = arith.muli %scan3A_88, %mul3A_223 : i32
      %swap3A = arith.index_cast %mul3A_224 : i32 to index
      %swap3A_225 = tpu.vector_load %arg8[%swap3A] {strides = array<i32>} : memref<512xf32, #tpu.memory_space<vmem>>, vector<16xf32>,
      tpu.vector_store %arg8[%swap3A], %add3A_221 {strides = array<i32>} : memref<512xf32, #tpu.memory_space<vmem>>, vector<16xf32>,
    }
    %scan3A_51 = arith.constant 8 : i32
    %dma_wait3A_52 = arith.constant 3328 : i32
    %dma_wait3A_53 = tpu.memref_slice %arg7[%dma_wait3A_52] : memref<13312xf32, #tpu.memory_space<vmem>> -> memref<3328xf32, #tpu.memory_space<vmem>>
    %dma_wait3A_54 = arith.constant 3328 : i32
    %dma_wait3A_55 = tpu.memref_slice %arg6[%dma_wait3A_54] : memref<13312xi32, #tpu.memory_space<vmem>> -> memref<3328xi32, #tpu.memory_space<vmem>>
    %dma_wait3A_56 = arith.constant 0 : i32
    %dma_wait3A_57 = tpu.memref_slice %arg12[%dma_wait3A_56] : memref<1000000xf32, #tpu.memory_space<vmem_shared>> -> memref<1000000xf32, #tpu.memory_space<vmem_shared>>
    tpu.wait_indirect_dma semaphore(%arg14 : memref<!tpu.dma_semaphore, #tpu.memory_space<semaphore_mem>>) src(%dma_wait3A_57 : memref<1000000xf32, #tpu.memory_space<vmem_shared>>) dst(%dma_wait3A_53 : memref<3328xf32, #tpu.memory_space<vmem>>)
    %scan3A_58 = arith.constant 0 : i32
    %scan3A_59 = arith.constant 8 : i32
    %scan3A_60 = arith.constant 8 : i32
    %scan3A_61 = arith.addi %scan3A_59, %scan3A_60 : i32
    %scan3A_62 = arith.constant 1 : i32
    scf.for %scan3A_88 = %scan3A_59 to %scan3A_61 step %scan3A_62  : i32 {
      %mul3A_89 = arith.constant 416 : i32
      %mul3A_90 = arith.muli %scan3A_88, %mul3A_89 : i32
      %add3A_91 = vector.broadcast %mul3A_90 : i32 to vector<16xi32>
      %add3A_92 = arith.addi %mul3A_40, %add3A_91 : vector<16xi32>
      %scan3A_93 = arith.constant 0 : i32
      %add3A_94 = vector.broadcast %scan3A_93 : i32 to vector<16xi32>
      %add3A_95 = arith.addi %add3A_92, %add3A_94 : vector<16xi32>
      %gather3A = tpu.vector_load_idx %arg7[%add3A_95] : memref<13312xf32, #tpu.memory_space<vmem>>[vector<16xi32>], vector<16xf32>,
      %add3A_96 = arith.addf %get3A_37, %gather3A : vector<16xf32>
      %scan3A_97 = arith.constant 1 : i32
      %add3A_98 = vector.broadcast %scan3A_97 : i32 to vector<16xi32>
      %add3A_99 = arith.addi %add3A_92, %add3A_98 : vector<16xi32>
      %gather3A_100 = tpu.vector_load_idx %arg7[%add3A_99] : memref<13312xf32, #tpu.memory_space<vmem>>[vector<16xi32>], vector<16xf32>,
      %add3A_101 = arith.addf %add3A_96, %gather3A_100 : vector<16xf32>
      %scan3A_102 = arith.constant 2 : i32
      %add3A_103 = vector.broadcast %scan3A_102 : i32 to vector<16xi32>
      %add3A_104 = arith.addi %add3A_92, %add3A_103 : vector<16xi32>
      %gather3A_105 = tpu.vector_load_idx %arg7[%add3A_104] : memref<13312xf32, #tpu.memory_space<vmem>>[vector<16xi32>], vector<16xf32>,
      %add3A_106 = arith.addf %add3A_101, %gather3A_105 : vector<16xf32>
      %scan3A_107 = arith.constant 3 : i32
      %add3A_108 = vector.broadcast %scan3A_107 : i32 to vector<16xi32>
      %add3A_109 = arith.addi %add3A_92, %add3A_108 : vector<16xi32>
      %gather3A_110 = tpu.vector_load_idx %arg7[%add3A_109] : memref<13312xf32, #tpu.memory_space<vmem>>[vector<16xi32>], vector<16xf32>,
      %add3A_111 = arith.addf %add3A_106, %gather3A_110 : vector<16xf32>
      %scan3A_112 = arith.constant 4 : i32
      %add3A_113 = vector.broadcast %scan3A_112 : i32 to vector<16xi32>
      %add3A_114 = arith.addi %add3A_92, %add3A_113 : vector<16xi32>
      %gather3A_115 = tpu.vector_load_idx %arg7[%add3A_114] : memref<13312xf32, #tpu.memory_space<vmem>>[vector<16xi32>], vector<16xf32>,
      %add3A_116 = arith.addf %add3A_111, %gather3A_115 : vector<16xf32>
      %scan3A_117 = arith.constant 5 : i32
      %add3A_118 = vector.broadcast %scan3A_117 : i32 to vector<16xi32>
      %add3A_119 = arith.addi %add3A_92, %add3A_118 : vector<16xi32>
      %gather3A_120 = tpu.vector_load_idx %arg7[%add3A_119] : memref<13312xf32, #tpu.memory_space<vmem>>[vector<16xi32>], vector<16xf32>,
      %add3A_121 = arith.addf %add3A_116, %gather3A_120 : vector<16xf32>
      %scan3A_122 = arith.constant 6 : i32
      %add3A_123 = vector.broadcast %scan3A_122 : i32 to vector<16xi32>
      %add3A_124 = arith.addi %add3A_92, %add3A_123 : vector<16xi32>
      %gather3A_125 = tpu.vector_load_idx %arg7[%add3A_124] : memref<13312xf32, #tpu.memory_space<vmem>>[vector<16xi32>], vector<16xf32>,
      %add3A_126 = arith.addf %add3A_121, %gather3A_125 : vector<16xf32>
      %scan3A_127 = arith.constant 7 : i32
      %add3A_128 = vector.broadcast %scan3A_127 : i32 to vector<16xi32>
      %add3A_129 = arith.addi %add3A_92, %add3A_128 : vector<16xi32>
      %gather3A_130 = tpu.vector_load_idx %arg7[%add3A_129] : memref<13312xf32, #tpu.memory_space<vmem>>[vector<16xi32>], vector<16xf32>,
      %add3A_131 = arith.addf %add3A_126, %gather3A_130 : vector<16xf32>
      %scan3A_132 = arith.constant 8 : i32
      %add3A_133 = vector.broadcast %scan3A_132 : i32 to vector<16xi32>
      %add3A_134 = arith.addi %add3A_92, %add3A_133 : vector<16xi32>
      %gather3A_135 = tpu.vector_load_idx %arg7[%add3A_134] : memref<13312xf32, #tpu.memory_space<vmem>>[vector<16xi32>], vector<16xf32>,
      %add3A_136 = arith.addf %add3A_131, %gather3A_135 : vector<16xf32>
      %scan3A_137 = arith.constant 9 : i32
      %add3A_138 = vector.broadcast %scan3A_137 : i32 to vector<16xi32>
      %add3A_139 = arith.addi %add3A_92, %add3A_138 : vector<16xi32>
      %gather3A_140 = tpu.vector_load_idx %arg7[%add3A_139] : memref<13312xf32, #tpu.memory_space<vmem>>[vector<16xi32>], vector<16xf32>,
      %add3A_141 = arith.addf %add3A_136, %gather3A_140 : vector<16xf32>
      %scan3A_142 = arith.constant 10 : i32
      %add3A_143 = vector.broadcast %scan3A_142 : i32 to vector<16xi32>
      %add3A_144 = arith.addi %add3A_92, %add3A_143 : vector<16xi32>
      %gather3A_145 = tpu.vector_load_idx %arg7[%add3A_144] : memref<13312xf32, #tpu.memory_space<vmem>>[vector<16xi32>], vector<16xf32>,
      %add3A_146 = arith.addf %add3A_141, %gather3A_145 : vector<16xf32>
      %scan3A_147 = arith.constant 11 : i32
      %add3A_148 = vector.broadcast %scan3A_147 : i32 to vector<16xi32>
      %add3A_149 = arith.addi %add3A_92, %add3A_148 : vector<16xi32>
      %gather3A_150 = tpu.vector_load_idx %arg7[%add3A_149] : memref<13312xf32, #tpu.memory_space<vmem>>[vector<16xi32>], vector<16xf32>,
      %add3A_151 = arith.addf %add3A_146, %gather3A_150 : vector<16xf32>
      %scan3A_152 = arith.constant 12 : i32
      %add3A_153 = vector.broadcast %scan3A_152 : i32 to vector<16xi32>
      %add3A_154 = arith.addi %add3A_92, %add3A_153 : vector<16xi32>
      %gather3A_155 = tpu.vector_load_idx %arg7[%add3A_154] : memref<13312xf32, #tpu.memory_space<vmem>>[vector<16xi32>], vector<16xf32>,
      %add3A_156 = arith.addf %add3A_151, %gather3A_155 : vector<16xf32>
      %scan3A_157 = arith.constant 13 : i32
      %add3A_158 = vector.broadcast %scan3A_157 : i32 to vector<16xi32>
      %add3A_159 = arith.addi %add3A_92, %add3A_158 : vector<16xi32>
      %gather3A_160 = tpu.vector_load_idx %arg7[%add3A_159] : memref<13312xf32, #tpu.memory_space<vmem>>[vector<16xi32>], vector<16xf32>,
      %add3A_161 = arith.addf %add3A_156, %gather3A_160 : vector<16xf32>
      %scan3A_162 = arith.constant 14 : i32
      %add3A_163 = vector.broadcast %scan3A_162 : i32 to vector<16xi32>
      %add3A_164 = arith.addi %add3A_92, %add3A_163 : vector<16xi32>
      %gather3A_165 = tpu.vector_load_idx %arg7[%add3A_164] : memref<13312xf32, #tpu.memory_space<vmem>>[vector<16xi32>], vector<16xf32>,
      %add3A_166 = arith.addf %add3A_161, %gather3A_165 : vector<16xf32>
      %scan3A_167 = arith.constant 15 : i32
      %add3A_168 = vector.broadcast %scan3A_167 : i32 to vector<16xi32>
      %add3A_169 = arith.addi %add3A_92, %add3A_168 : vector<16xi32>
      %gather3A_170 = tpu.vector_load_idx %arg7[%add3A_169] : memref<13312xf32, #tpu.memory_space<vmem>>[vector<16xi32>], vector<16xf32>,
      %add3A_171 = arith.addf %add3A_166, %gather3A_170 : vector<16xf32>
      %scan3A_172 = arith.constant 16 : i32
      %add3A_173 = vector.broadcast %scan3A_172 : i32 to vector<16xi32>
      %add3A_174 = arith.addi %add3A_92, %add3A_173 : vector<16xi32>
      %gather3A_175 = tpu.vector_load_idx %arg7[%add3A_174] : memref<13312xf32, #tpu.memory_space<vmem>>[vector<16xi32>], vector<16xf32>,
      %add3A_176 = arith.addf %add3A_171, %gather3A_175 : vector<16xf32>
      %scan3A_177 = arith.constant 17 : i32
      %add3A_178 = vector.broadcast %scan3A_177 : i32 to vector<16xi32>
      %add3A_179 = arith.addi %add3A_92, %add3A_178 : vector<16xi32>
      %gather3A_180 = tpu.vector_load_idx %arg7[%add3A_179] : memref<13312xf32, #tpu.memory_space<vmem>>[vector<16xi32>], vector<16xf32>,
      %add3A_181 = arith.addf %add3A_176, %gather3A_180 : vector<16xf32>
      %scan3A_182 = arith.constant 18 : i32
      %add3A_183 = vector.broadcast %scan3A_182 : i32 to vector<16xi32>
      %add3A_184 = arith.addi %add3A_92, %add3A_183 : vector<16xi32>
      %gather3A_185 = tpu.vector_load_idx %arg7[%add3A_184] : memref<13312xf32, #tpu.memory_space<vmem>>[vector<16xi32>], vector<16xf32>,
      %add3A_186 = arith.addf %add3A_181, %gather3A_185 : vector<16xf32>
      %scan3A_187 = arith.constant 19 : i32
      %add3A_188 = vector.broadcast %scan3A_187 : i32 to vector<16xi32>
      %add3A_189 = arith.addi %add3A_92, %add3A_188 : vector<16xi32>
      %gather3A_190 = tpu.vector_load_idx %arg7[%add3A_189] : memref<13312xf32, #tpu.memory_space<vmem>>[vector<16xi32>], vector<16xf32>,
      %add3A_191 = arith.addf %add3A_186, %gather3A_190 : vector<16xf32>
      %scan3A_192 = arith.constant 20 : i32
      %add3A_193 = vector.broadcast %scan3A_192 : i32 to vector<16xi32>
      %add3A_194 = arith.addi %add3A_92, %add3A_193 : vector<16xi32>
      %gather3A_195 = tpu.vector_load_idx %arg7[%add3A_194] : memref<13312xf32, #tpu.memory_space<vmem>>[vector<16xi32>], vector<16xf32>,
      %add3A_196 = arith.addf %add3A_191, %gather3A_195 : vector<16xf32>
      %scan3A_197 = arith.constant 21 : i32
      %add3A_198 = vector.broadcast %scan3A_197 : i32 to vector<16xi32>
      %add3A_199 = arith.addi %add3A_92, %add3A_198 : vector<16xi32>
      %gather3A_200 = tpu.vector_load_idx %arg7[%add3A_199] : memref<13312xf32, #tpu.memory_space<vmem>>[vector<16xi32>], vector<16xf32>,
      %add3A_201 = arith.addf %add3A_196, %gather3A_200 : vector<16xf32>
      %scan3A_202 = arith.constant 22 : i32
      %add3A_203 = vector.broadcast %scan3A_202 : i32 to vector<16xi32>
      %add3A_204 = arith.addi %add3A_92, %add3A_203 : vector<16xi32>
      %gather3A_205 = tpu.vector_load_idx %arg7[%add3A_204] : memref<13312xf32, #tpu.memory_space<vmem>>[vector<16xi32>], vector<16xf32>,
      %add3A_206 = arith.addf %add3A_201, %gather3A_205 : vector<16xf32>
      %scan3A_207 = arith.constant 23 : i32
      %add3A_208 = vector.broadcast %scan3A_207 : i32 to vector<16xi32>
      %add3A_209 = arith.addi %add3A_92, %add3A_208 : vector<16xi32>
      %gather3A_210 = tpu.vector_load_idx %arg7[%add3A_209] : memref<13312xf32, #tpu.memory_space<vmem>>[vector<16xi32>], vector<16xf32>,
      %add3A_211 = arith.addf %add3A_206, %gather3A_210 : vector<16xf32>
      %scan3A_212 = arith.constant 24 : i32
      %add3A_213 = vector.broadcast %scan3A_212 : i32 to vector<16xi32>
      %add3A_214 = arith.addi %add3A_92, %add3A_213 : vector<16xi32>
      %gather3A_215 = tpu.vector_load_idx %arg7[%add3A_214] : memref<13312xf32, #tpu.memory_space<vmem>>[vector<16xi32>], vector<16xf32>,
      %add3A_216 = arith.addf %add3A_211, %gather3A_215 : vector<16xf32>
      %scan3A_217 = arith.constant 25 : i32
      %add3A_218 = vector.broadcast %scan3A_217 : i32 to vector<16xi32>
      %add3A_219 = arith.addi %add3A_92, %add3A_218 : vector<16xi32>
      %gather3A_220 = tpu.vector_load_idx %arg7[%add3A_219] : memref<13312xf32, #tpu.memory_space<vmem>>[vector<16xi32>], vector<16xf32>,
      %add3A_221 = arith.addf %add3A_216, %gather3A_220 : vector<16xf32>
      %scan3A_222 = arith.constant 26 : i32
      %mul3A_223 = arith.constant 16 : i32
      %mul3A_224 = arith.muli %scan3A_88, %mul3A_223 : i32
      %swap3A = arith.index_cast %mul3A_224 : i32 to index
      %swap3A_225 = tpu.vector_load %arg8[%swap3A] {strides = array<i32>} : memref<512xf32, #tpu.memory_space<vmem>>, vector<16xf32>,
      tpu.vector_store %arg8[%swap3A], %add3A_221 {strides = array<i32>} : memref<512xf32, #tpu.memory_space<vmem>>, vector<16xf32>,
    }
    %scan3A_63 = arith.constant 8 : i32
    %dma_wait3A_64 = arith.constant 6656 : i32
    %dma_wait3A_65 = tpu.memref_slice %arg7[%dma_wait3A_64] : memref<13312xf32, #tpu.memory_space<vmem>> -> memref<3328xf32, #tpu.memory_space<vmem>>
    %dma_wait3A_66 = arith.constant 6656 : i32
    %dma_wait3A_67 = tpu.memref_slice %arg6[%dma_wait3A_66] : memref<13312xi32, #tpu.memory_space<vmem>> -> memref<3328xi32, #tpu.memory_space<vmem>>
    %dma_wait3A_68 = arith.constant 0 : i32
    %dma_wait3A_69 = tpu.memref_slice %arg12[%dma_wait3A_68] : memref<1000000xf32, #tpu.memory_space<vmem_shared>> -> memref<1000000xf32, #tpu.memory_space<vmem_shared>>
    tpu.wait_indirect_dma semaphore(%arg15 : memref<!tpu.dma_semaphore, #tpu.memory_space<semaphore_mem>>) src(%dma_wait3A_69 : memref<1000000xf32, #tpu.memory_space<vmem_shared>>) dst(%dma_wait3A_65 : memref<3328xf32, #tpu.memory_space<vmem>>)
    %scan3A_70 = arith.constant 0 : i32
    %scan3A_71 = arith.constant 16 : i32
    %scan3A_72 = arith.constant 8 : i32
    %scan3A_73 = arith.addi %scan3A_71, %scan3A_72 : i32
    %scan3A_74 = arith.constant 1 : i32
    scf.for %scan3A_88 = %scan3A_71 to %scan3A_73 step %scan3A_74  : i32 {
      %mul3A_89 = arith.constant 416 : i32
      %mul3A_90 = arith.muli %scan3A_88, %mul3A_89 : i32
      %add3A_91 = vector.broadcast %mul3A_90 : i32 to vector<16xi32>
      %add3A_92 = arith.addi %mul3A_40, %add3A_91 : vector<16xi32>
      %scan3A_93 = arith.constant 0 : i32
      %add3A_94 = vector.broadcast %scan3A_93 : i32 to vector<16xi32>
      %add3A_95 = arith.addi %add3A_92, %add3A_94 : vector<16xi32>
      %gather3A = tpu.vector_load_idx %arg7[%add3A_95] : memref<13312xf32, #tpu.memory_space<vmem>>[vector<16xi32>], vector<16xf32>,
      %add3A_96 = arith.addf %get3A_37, %gather3A : vector<16xf32>
      %scan3A_97 = arith.constant 1 : i32
      %add3A_98 = vector.broadcast %scan3A_97 : i32 to vector<16xi32>
      %add3A_99 = arith.addi %add3A_92, %add3A_98 : vector<16xi32>
      %gather3A_100 = tpu.vector_load_idx %arg7[%add3A_99] : memref<13312xf32, #tpu.memory_space<vmem>>[vector<16xi32>], vector<16xf32>,
      %add3A_101 = arith.addf %add3A_96, %gather3A_100 : vector<16xf32>
      %scan3A_102 = arith.constant 2 : i32
      %add3A_103 = vector.broadcast %scan3A_102 : i32 to vector<16xi32>
      %add3A_104 = arith.addi %add3A_92, %add3A_103 : vector<16xi32>
      %gather3A_105 = tpu.vector_load_idx %arg7[%add3A_104] : memref<13312xf32, #tpu.memory_space<vmem>>[vector<16xi32>], vector<16xf32>,
      %add3A_106 = arith.addf %add3A_101, %gather3A_105 : vector<16xf32>
      %scan3A_107 = arith.constant 3 : i32
      %add3A_108 = vector.broadcast %scan3A_107 : i32 to vector<16xi32>
      %add3A_109 = arith.addi %add3A_92, %add3A_108 : vector<16xi32>
      %gather3A_110 = tpu.vector_load_idx %arg7[%add3A_109] : memref<13312xf32, #tpu.memory_space<vmem>>[vector<16xi32>], vector<16xf32>,
      %add3A_111 = arith.addf %add3A_106, %gather3A_110 : vector<16xf32>
      %scan3A_112 = arith.constant 4 : i32
      %add3A_113 = vector.broadcast %scan3A_112 : i32 to vector<16xi32>
      %add3A_114 = arith.addi %add3A_92, %add3A_113 : vector<16xi32>
      %gather3A_115 = tpu.vector_load_idx %arg7[%add3A_114] : memref<13312xf32, #tpu.memory_space<vmem>>[vector<16xi32>], vector<16xf32>,
      %add3A_116 = arith.addf %add3A_111, %gather3A_115 : vector<16xf32>
      %scan3A_117 = arith.constant 5 : i32
      %add3A_118 = vector.broadcast %scan3A_117 : i32 to vector<16xi32>
      %add3A_119 = arith.addi %add3A_92, %add3A_118 : vector<16xi32>
      %gather3A_120 = tpu.vector_load_idx %arg7[%add3A_119] : memref<13312xf32, #tpu.memory_space<vmem>>[vector<16xi32>], vector<16xf32>,
      %add3A_121 = arith.addf %add3A_116, %gather3A_120 : vector<16xf32>
      %scan3A_122 = arith.constant 6 : i32
      %add3A_123 = vector.broadcast %scan3A_122 : i32 to vector<16xi32>
      %add3A_124 = arith.addi %add3A_92, %add3A_123 : vector<16xi32>
      %gather3A_125 = tpu.vector_load_idx %arg7[%add3A_124] : memref<13312xf32, #tpu.memory_space<vmem>>[vector<16xi32>], vector<16xf32>,
      %add3A_126 = arith.addf %add3A_121, %gather3A_125 : vector<16xf32>
      %scan3A_127 = arith.constant 7 : i32
      %add3A_128 = vector.broadcast %scan3A_127 : i32 to vector<16xi32>
      %add3A_129 = arith.addi %add3A_92, %add3A_128 : vector<16xi32>
      %gather3A_130 = tpu.vector_load_idx %arg7[%add3A_129] : memref<13312xf32, #tpu.memory_space<vmem>>[vector<16xi32>], vector<16xf32>,
      %add3A_131 = arith.addf %add3A_126, %gather3A_130 : vector<16xf32>
      %scan3A_132 = arith.constant 8 : i32
      %add3A_133 = vector.broadcast %scan3A_132 : i32 to vector<16xi32>
      %add3A_134 = arith.addi %add3A_92, %add3A_133 : vector<16xi32>
      %gather3A_135 = tpu.vector_load_idx %arg7[%add3A_134] : memref<13312xf32, #tpu.memory_space<vmem>>[vector<16xi32>], vector<16xf32>,
      %add3A_136 = arith.addf %add3A_131, %gather3A_135 : vector<16xf32>
      %scan3A_137 = arith.constant 9 : i32
      %add3A_138 = vector.broadcast %scan3A_137 : i32 to vector<16xi32>
      %add3A_139 = arith.addi %add3A_92, %add3A_138 : vector<16xi32>
      %gather3A_140 = tpu.vector_load_idx %arg7[%add3A_139] : memref<13312xf32, #tpu.memory_space<vmem>>[vector<16xi32>], vector<16xf32>,
      %add3A_141 = arith.addf %add3A_136, %gather3A_140 : vector<16xf32>
      %scan3A_142 = arith.constant 10 : i32
      %add3A_143 = vector.broadcast %scan3A_142 : i32 to vector<16xi32>
      %add3A_144 = arith.addi %add3A_92, %add3A_143 : vector<16xi32>
      %gather3A_145 = tpu.vector_load_idx %arg7[%add3A_144] : memref<13312xf32, #tpu.memory_space<vmem>>[vector<16xi32>], vector<16xf32>,
      %add3A_146 = arith.addf %add3A_141, %gather3A_145 : vector<16xf32>
      %scan3A_147 = arith.constant 11 : i32
      %add3A_148 = vector.broadcast %scan3A_147 : i32 to vector<16xi32>
      %add3A_149 = arith.addi %add3A_92, %add3A_148 : vector<16xi32>
      %gather3A_150 = tpu.vector_load_idx %arg7[%add3A_149] : memref<13312xf32, #tpu.memory_space<vmem>>[vector<16xi32>], vector<16xf32>,
      %add3A_151 = arith.addf %add3A_146, %gather3A_150 : vector<16xf32>
      %scan3A_152 = arith.constant 12 : i32
      %add3A_153 = vector.broadcast %scan3A_152 : i32 to vector<16xi32>
      %add3A_154 = arith.addi %add3A_92, %add3A_153 : vector<16xi32>
      %gather3A_155 = tpu.vector_load_idx %arg7[%add3A_154] : memref<13312xf32, #tpu.memory_space<vmem>>[vector<16xi32>], vector<16xf32>,
      %add3A_156 = arith.addf %add3A_151, %gather3A_155 : vector<16xf32>
      %scan3A_157 = arith.constant 13 : i32
      %add3A_158 = vector.broadcast %scan3A_157 : i32 to vector<16xi32>
      %add3A_159 = arith.addi %add3A_92, %add3A_158 : vector<16xi32>
      %gather3A_160 = tpu.vector_load_idx %arg7[%add3A_159] : memref<13312xf32, #tpu.memory_space<vmem>>[vector<16xi32>], vector<16xf32>,
      %add3A_161 = arith.addf %add3A_156, %gather3A_160 : vector<16xf32>
      %scan3A_162 = arith.constant 14 : i32
      %add3A_163 = vector.broadcast %scan3A_162 : i32 to vector<16xi32>
      %add3A_164 = arith.addi %add3A_92, %add3A_163 : vector<16xi32>
      %gather3A_165 = tpu.vector_load_idx %arg7[%add3A_164] : memref<13312xf32, #tpu.memory_space<vmem>>[vector<16xi32>], vector<16xf32>,
      %add3A_166 = arith.addf %add3A_161, %gather3A_165 : vector<16xf32>
      %scan3A_167 = arith.constant 15 : i32
      %add3A_168 = vector.broadcast %scan3A_167 : i32 to vector<16xi32>
      %add3A_169 = arith.addi %add3A_92, %add3A_168 : vector<16xi32>
      %gather3A_170 = tpu.vector_load_idx %arg7[%add3A_169] : memref<13312xf32, #tpu.memory_space<vmem>>[vector<16xi32>], vector<16xf32>,
      %add3A_171 = arith.addf %add3A_166, %gather3A_170 : vector<16xf32>
      %scan3A_172 = arith.constant 16 : i32
      %add3A_173 = vector.broadcast %scan3A_172 : i32 to vector<16xi32>
      %add3A_174 = arith.addi %add3A_92, %add3A_173 : vector<16xi32>
      %gather3A_175 = tpu.vector_load_idx %arg7[%add3A_174] : memref<13312xf32, #tpu.memory_space<vmem>>[vector<16xi32>], vector<16xf32>,
      %add3A_176 = arith.addf %add3A_171, %gather3A_175 : vector<16xf32>
      %scan3A_177 = arith.constant 17 : i32
      %add3A_178 = vector.broadcast %scan3A_177 : i32 to vector<16xi32>
      %add3A_179 = arith.addi %add3A_92, %add3A_178 : vector<16xi32>
      %gather3A_180 = tpu.vector_load_idx %arg7[%add3A_179] : memref<13312xf32, #tpu.memory_space<vmem>>[vector<16xi32>], vector<16xf32>,
      %add3A_181 = arith.addf %add3A_176, %gather3A_180 : vector<16xf32>
      %scan3A_182 = arith.constant 18 : i32
      %add3A_183 = vector.broadcast %scan3A_182 : i32 to vector<16xi32>
      %add3A_184 = arith.addi %add3A_92, %add3A_183 : vector<16xi32>
      %gather3A_185 = tpu.vector_load_idx %arg7[%add3A_184] : memref<13312xf32, #tpu.memory_space<vmem>>[vector<16xi32>], vector<16xf32>,
      %add3A_186 = arith.addf %add3A_181, %gather3A_185 : vector<16xf32>
      %scan3A_187 = arith.constant 19 : i32
      %add3A_188 = vector.broadcast %scan3A_187 : i32 to vector<16xi32>
      %add3A_189 = arith.addi %add3A_92, %add3A_188 : vector<16xi32>
      %gather3A_190 = tpu.vector_load_idx %arg7[%add3A_189] : memref<13312xf32, #tpu.memory_space<vmem>>[vector<16xi32>], vector<16xf32>,
      %add3A_191 = arith.addf %add3A_186, %gather3A_190 : vector<16xf32>
      %scan3A_192 = arith.constant 20 : i32
      %add3A_193 = vector.broadcast %scan3A_192 : i32 to vector<16xi32>
      %add3A_194 = arith.addi %add3A_92, %add3A_193 : vector<16xi32>
      %gather3A_195 = tpu.vector_load_idx %arg7[%add3A_194] : memref<13312xf32, #tpu.memory_space<vmem>>[vector<16xi32>], vector<16xf32>,
      %add3A_196 = arith.addf %add3A_191, %gather3A_195 : vector<16xf32>
      %scan3A_197 = arith.constant 21 : i32
      %add3A_198 = vector.broadcast %scan3A_197 : i32 to vector<16xi32>
      %add3A_199 = arith.addi %add3A_92, %add3A_198 : vector<16xi32>
      %gather3A_200 = tpu.vector_load_idx %arg7[%add3A_199] : memref<13312xf32, #tpu.memory_space<vmem>>[vector<16xi32>], vector<16xf32>,
      %add3A_201 = arith.addf %add3A_196, %gather3A_200 : vector<16xf32>
      %scan3A_202 = arith.constant 22 : i32
      %add3A_203 = vector.broadcast %scan3A_202 : i32 to vector<16xi32>
      %add3A_204 = arith.addi %add3A_92, %add3A_203 : vector<16xi32>
      %gather3A_205 = tpu.vector_load_idx %arg7[%add3A_204] : memref<13312xf32, #tpu.memory_space<vmem>>[vector<16xi32>], vector<16xf32>,
      %add3A_206 = arith.addf %add3A_201, %gather3A_205 : vector<16xf32>
      %scan3A_207 = arith.constant 23 : i32
      %add3A_208 = vector.broadcast %scan3A_207 : i32 to vector<16xi32>
      %add3A_209 = arith.addi %add3A_92, %add3A_208 : vector<16xi32>
      %gather3A_210 = tpu.vector_load_idx %arg7[%add3A_209] : memref<13312xf32, #tpu.memory_space<vmem>>[vector<16xi32>], vector<16xf32>,
      %add3A_211 = arith.addf %add3A_206, %gather3A_210 : vector<16xf32>
      %scan3A_212 = arith.constant 24 : i32
      %add3A_213 = vector.broadcast %scan3A_212 : i32 to vector<16xi32>
      %add3A_214 = arith.addi %add3A_92, %add3A_213 : vector<16xi32>
      %gather3A_215 = tpu.vector_load_idx %arg7[%add3A_214] : memref<13312xf32, #tpu.memory_space<vmem>>[vector<16xi32>], vector<16xf32>,
      %add3A_216 = arith.addf %add3A_211, %gather3A_215 : vector<16xf32>
      %scan3A_217 = arith.constant 25 : i32
      %add3A_218 = vector.broadcast %scan3A_217 : i32 to vector<16xi32>
      %add3A_219 = arith.addi %add3A_92, %add3A_218 : vector<16xi32>
      %gather3A_220 = tpu.vector_load_idx %arg7[%add3A_219] : memref<13312xf32, #tpu.memory_space<vmem>>[vector<16xi32>], vector<16xf32>,
      %add3A_221 = arith.addf %add3A_216, %gather3A_220 : vector<16xf32>
      %scan3A_222 = arith.constant 26 : i32
      %mul3A_223 = arith.constant 16 : i32
      %mul3A_224 = arith.muli %scan3A_88, %mul3A_223 : i32
      %swap3A = arith.index_cast %mul3A_224 : i32 to index
      %swap3A_225 = tpu.vector_load %arg8[%swap3A] {strides = array<i32>} : memref<512xf32, #tpu.memory_space<vmem>>, vector<16xf32>,
      tpu.vector_store %arg8[%swap3A], %add3A_221 {strides = array<i32>} : memref<512xf32, #tpu.memory_space<vmem>>, vector<16xf32>,
    }
    %scan3A_75 = arith.constant 8 : i32
    %dma_wait3A_76 = arith.constant 9984 : i32
    %dma_wait3A_77 = tpu.memref_slice %arg7[%dma_wait3A_76] : memref<13312xf32, #tpu.memory_space<vmem>> -> memref<3328xf32, #tpu.memory_space<vmem>>
    %dma_wait3A_78 = arith.constant 9984 : i32
    %dma_wait3A_79 = tpu.memref_slice %arg6[%dma_wait3A_78] : memref<13312xi32, #tpu.memory_space<vmem>> -> memref<3328xi32, #tpu.memory_space<vmem>>
    %dma_wait3A_80 = arith.constant 0 : i32
    %dma_wait3A_81 = tpu.memref_slice %arg12[%dma_wait3A_80] : memref<1000000xf32, #tpu.memory_space<vmem_shared>> -> memref<1000000xf32, #tpu.memory_space<vmem_shared>>
    tpu.wait_indirect_dma semaphore(%arg16 : memref<!tpu.dma_semaphore, #tpu.memory_space<semaphore_mem>>) src(%dma_wait3A_81 : memref<1000000xf32, #tpu.memory_space<vmem_shared>>) dst(%dma_wait3A_77 : memref<3328xf32, #tpu.memory_space<vmem>>)
    %scan3A_82 = arith.constant 0 : i32
    %scan3A_83 = arith.constant 24 : i32
    %scan3A_84 = arith.constant 8 : i32
    %scan3A_85 = arith.addi %scan3A_83, %scan3A_84 : i32
    %scan3A_86 = arith.constant 1 : i32
    scf.for %scan3A_88 = %scan3A_83 to %scan3A_85 step %scan3A_86  : i32 {
      %mul3A_89 = arith.constant 416 : i32
      %mul3A_90 = arith.muli %scan3A_88, %mul3A_89 : i32
      %add3A_91 = vector.broadcast %mul3A_90 : i32 to vector<16xi32>
      %add3A_92 = arith.addi %mul3A_40, %add3A_91 : vector<16xi32>
      %scan3A_93 = arith.constant 0 : i32
      %add3A_94 = vector.broadcast %scan3A_93 : i32 to vector<16xi32>
      %add3A_95 = arith.addi %add3A_92, %add3A_94 : vector<16xi32>
      %gather3A = tpu.vector_load_idx %arg7[%add3A_95] : memref<13312xf32, #tpu.memory_space<vmem>>[vector<16xi32>], vector<16xf32>,
      %add3A_96 = arith.addf %get3A_37, %gather3A : vector<16xf32>
      %scan3A_97 = arith.constant 1 : i32
      %add3A_98 = vector.broadcast %scan3A_97 : i32 to vector<16xi32>
      %add3A_99 = arith.addi %add3A_92, %add3A_98 : vector<16xi32>
      %gather3A_100 = tpu.vector_load_idx %arg7[%add3A_99] : memref<13312xf32, #tpu.memory_space<vmem>>[vector<16xi32>], vector<16xf32>,
      %add3A_101 = arith.addf %add3A_96, %gather3A_100 : vector<16xf32>
      %scan3A_102 = arith.constant 2 : i32
      %add3A_103 = vector.broadcast %scan3A_102 : i32 to vector<16xi32>
      %add3A_104 = arith.addi %add3A_92, %add3A_103 : vector<16xi32>
      %gather3A_105 = tpu.vector_load_idx %arg7[%add3A_104] : memref<13312xf32, #tpu.memory_space<vmem>>[vector<16xi32>], vector<16xf32>,
      %add3A_106 = arith.addf %add3A_101, %gather3A_105 : vector<16xf32>
      %scan3A_107 = arith.constant 3 : i32
      %add3A_108 = vector.broadcast %scan3A_107 : i32 to vector<16xi32>
      %add3A_109 = arith.addi %add3A_92, %add3A_108 : vector<16xi32>
      %gather3A_110 = tpu.vector_load_idx %arg7[%add3A_109] : memref<13312xf32, #tpu.memory_space<vmem>>[vector<16xi32>], vector<16xf32>,
      %add3A_111 = arith.addf %add3A_106, %gather3A_110 : vector<16xf32>
      %scan3A_112 = arith.constant 4 : i32
      %add3A_113 = vector.broadcast %scan3A_112 : i32 to vector<16xi32>
      %add3A_114 = arith.addi %add3A_92, %add3A_113 : vector<16xi32>
      %gather3A_115 = tpu.vector_load_idx %arg7[%add3A_114] : memref<13312xf32, #tpu.memory_space<vmem>>[vector<16xi32>], vector<16xf32>,
      %add3A_116 = arith.addf %add3A_111, %gather3A_115 : vector<16xf32>
      %scan3A_117 = arith.constant 5 : i32
      %add3A_118 = vector.broadcast %scan3A_117 : i32 to vector<16xi32>
      %add3A_119 = arith.addi %add3A_92, %add3A_118 : vector<16xi32>
      %gather3A_120 = tpu.vector_load_idx %arg7[%add3A_119] : memref<13312xf32, #tpu.memory_space<vmem>>[vector<16xi32>], vector<16xf32>,
      %add3A_121 = arith.addf %add3A_116, %gather3A_120 : vector<16xf32>
      %scan3A_122 = arith.constant 6 : i32
      %add3A_123 = vector.broadcast %scan3A_122 : i32 to vector<16xi32>
      %add3A_124 = arith.addi %add3A_92, %add3A_123 : vector<16xi32>
      %gather3A_125 = tpu.vector_load_idx %arg7[%add3A_124] : memref<13312xf32, #tpu.memory_space<vmem>>[vector<16xi32>], vector<16xf32>,
      %add3A_126 = arith.addf %add3A_121, %gather3A_125 : vector<16xf32>
      %scan3A_127 = arith.constant 7 : i32
      %add3A_128 = vector.broadcast %scan3A_127 : i32 to vector<16xi32>
      %add3A_129 = arith.addi %add3A_92, %add3A_128 : vector<16xi32>
      %gather3A_130 = tpu.vector_load_idx %arg7[%add3A_129] : memref<13312xf32, #tpu.memory_space<vmem>>[vector<16xi32>], vector<16xf32>,
      %add3A_131 = arith.addf %add3A_126, %gather3A_130 : vector<16xf32>
      %scan3A_132 = arith.constant 8 : i32
      %add3A_133 = vector.broadcast %scan3A_132 : i32 to vector<16xi32>
      %add3A_134 = arith.addi %add3A_92, %add3A_133 : vector<16xi32>
      %gather3A_135 = tpu.vector_load_idx %arg7[%add3A_134] : memref<13312xf32, #tpu.memory_space<vmem>>[vector<16xi32>], vector<16xf32>,
      %add3A_136 = arith.addf %add3A_131, %gather3A_135 : vector<16xf32>
      %scan3A_137 = arith.constant 9 : i32
      %add3A_138 = vector.broadcast %scan3A_137 : i32 to vector<16xi32>
      %add3A_139 = arith.addi %add3A_92, %add3A_138 : vector<16xi32>
      %gather3A_140 = tpu.vector_load_idx %arg7[%add3A_139] : memref<13312xf32, #tpu.memory_space<vmem>>[vector<16xi32>], vector<16xf32>,
      %add3A_141 = arith.addf %add3A_136, %gather3A_140 : vector<16xf32>
      %scan3A_142 = arith.constant 10 : i32
      %add3A_143 = vector.broadcast %scan3A_142 : i32 to vector<16xi32>
      %add3A_144 = arith.addi %add3A_92, %add3A_143 : vector<16xi32>
      %gather3A_145 = tpu.vector_load_idx %arg7[%add3A_144] : memref<13312xf32, #tpu.memory_space<vmem>>[vector<16xi32>], vector<16xf32>,
      %add3A_146 = arith.addf %add3A_141, %gather3A_145 : vector<16xf32>
      %scan3A_147 = arith.constant 11 : i32
      %add3A_148 = vector.broadcast %scan3A_147 : i32 to vector<16xi32>
      %add3A_149 = arith.addi %add3A_92, %add3A_148 : vector<16xi32>
      %gather3A_150 = tpu.vector_load_idx %arg7[%add3A_149] : memref<13312xf32, #tpu.memory_space<vmem>>[vector<16xi32>], vector<16xf32>,
      %add3A_151 = arith.addf %add3A_146, %gather3A_150 : vector<16xf32>
      %scan3A_152 = arith.constant 12 : i32
      %add3A_153 = vector.broadcast %scan3A_152 : i32 to vector<16xi32>
      %add3A_154 = arith.addi %add3A_92, %add3A_153 : vector<16xi32>
      %gather3A_155 = tpu.vector_load_idx %arg7[%add3A_154] : memref<13312xf32, #tpu.memory_space<vmem>>[vector<16xi32>], vector<16xf32>,
      %add3A_156 = arith.addf %add3A_151, %gather3A_155 : vector<16xf32>
      %scan3A_157 = arith.constant 13 : i32
      %add3A_158 = vector.broadcast %scan3A_157 : i32 to vector<16xi32>
      %add3A_159 = arith.addi %add3A_92, %add3A_158 : vector<16xi32>
      %gather3A_160 = tpu.vector_load_idx %arg7[%add3A_159] : memref<13312xf32, #tpu.memory_space<vmem>>[vector<16xi32>], vector<16xf32>,
      %add3A_161 = arith.addf %add3A_156, %gather3A_160 : vector<16xf32>
      %scan3A_162 = arith.constant 14 : i32
      %add3A_163 = vector.broadcast %scan3A_162 : i32 to vector<16xi32>
      %add3A_164 = arith.addi %add3A_92, %add3A_163 : vector<16xi32>
      %gather3A_165 = tpu.vector_load_idx %arg7[%add3A_164] : memref<13312xf32, #tpu.memory_space<vmem>>[vector<16xi32>], vector<16xf32>,
      %add3A_166 = arith.addf %add3A_161, %gather3A_165 : vector<16xf32>
      %scan3A_167 = arith.constant 15 : i32
      %add3A_168 = vector.broadcast %scan3A_167 : i32 to vector<16xi32>
      %add3A_169 = arith.addi %add3A_92, %add3A_168 : vector<16xi32>
      %gather3A_170 = tpu.vector_load_idx %arg7[%add3A_169] : memref<13312xf32, #tpu.memory_space<vmem>>[vector<16xi32>], vector<16xf32>,
      %add3A_171 = arith.addf %add3A_166, %gather3A_170 : vector<16xf32>
      %scan3A_172 = arith.constant 16 : i32
      %add3A_173 = vector.broadcast %scan3A_172 : i32 to vector<16xi32>
      %add3A_174 = arith.addi %add3A_92, %add3A_173 : vector<16xi32>
      %gather3A_175 = tpu.vector_load_idx %arg7[%add3A_174] : memref<13312xf32, #tpu.memory_space<vmem>>[vector<16xi32>], vector<16xf32>,
      %add3A_176 = arith.addf %add3A_171, %gather3A_175 : vector<16xf32>
      %scan3A_177 = arith.constant 17 : i32
      %add3A_178 = vector.broadcast %scan3A_177 : i32 to vector<16xi32>
      %add3A_179 = arith.addi %add3A_92, %add3A_178 : vector<16xi32>
      %gather3A_180 = tpu.vector_load_idx %arg7[%add3A_179] : memref<13312xf32, #tpu.memory_space<vmem>>[vector<16xi32>], vector<16xf32>,
      %add3A_181 = arith.addf %add3A_176, %gather3A_180 : vector<16xf32>
      %scan3A_182 = arith.constant 18 : i32
      %add3A_183 = vector.broadcast %scan3A_182 : i32 to vector<16xi32>
      %add3A_184 = arith.addi %add3A_92, %add3A_183 : vector<16xi32>
      %gather3A_185 = tpu.vector_load_idx %arg7[%add3A_184] : memref<13312xf32, #tpu.memory_space<vmem>>[vector<16xi32>], vector<16xf32>,
      %add3A_186 = arith.addf %add3A_181, %gather3A_185 : vector<16xf32>
      %scan3A_187 = arith.constant 19 : i32
      %add3A_188 = vector.broadcast %scan3A_187 : i32 to vector<16xi32>
      %add3A_189 = arith.addi %add3A_92, %add3A_188 : vector<16xi32>
      %gather3A_190 = tpu.vector_load_idx %arg7[%add3A_189] : memref<13312xf32, #tpu.memory_space<vmem>>[vector<16xi32>], vector<16xf32>,
      %add3A_191 = arith.addf %add3A_186, %gather3A_190 : vector<16xf32>
      %scan3A_192 = arith.constant 20 : i32
      %add3A_193 = vector.broadcast %scan3A_192 : i32 to vector<16xi32>
      %add3A_194 = arith.addi %add3A_92, %add3A_193 : vector<16xi32>
      %gather3A_195 = tpu.vector_load_idx %arg7[%add3A_194] : memref<13312xf32, #tpu.memory_space<vmem>>[vector<16xi32>], vector<16xf32>,
      %add3A_196 = arith.addf %add3A_191, %gather3A_195 : vector<16xf32>
      %scan3A_197 = arith.constant 21 : i32
      %add3A_198 = vector.broadcast %scan3A_197 : i32 to vector<16xi32>
      %add3A_199 = arith.addi %add3A_92, %add3A_198 : vector<16xi32>
      %gather3A_200 = tpu.vector_load_idx %arg7[%add3A_199] : memref<13312xf32, #tpu.memory_space<vmem>>[vector<16xi32>], vector<16xf32>,
      %add3A_201 = arith.addf %add3A_196, %gather3A_200 : vector<16xf32>
      %scan3A_202 = arith.constant 22 : i32
      %add3A_203 = vector.broadcast %scan3A_202 : i32 to vector<16xi32>
      %add3A_204 = arith.addi %add3A_92, %add3A_203 : vector<16xi32>
      %gather3A_205 = tpu.vector_load_idx %arg7[%add3A_204] : memref<13312xf32, #tpu.memory_space<vmem>>[vector<16xi32>], vector<16xf32>,
      %add3A_206 = arith.addf %add3A_201, %gather3A_205 : vector<16xf32>
      %scan3A_207 = arith.constant 23 : i32
      %add3A_208 = vector.broadcast %scan3A_207 : i32 to vector<16xi32>
      %add3A_209 = arith.addi %add3A_92, %add3A_208 : vector<16xi32>
      %gather3A_210 = tpu.vector_load_idx %arg7[%add3A_209] : memref<13312xf32, #tpu.memory_space<vmem>>[vector<16xi32>], vector<16xf32>,
      %add3A_211 = arith.addf %add3A_206, %gather3A_210 : vector<16xf32>
      %scan3A_212 = arith.constant 24 : i32
      %add3A_213 = vector.broadcast %scan3A_212 : i32 to vector<16xi32>
      %add3A_214 = arith.addi %add3A_92, %add3A_213 : vector<16xi32>
      %gather3A_215 = tpu.vector_load_idx %arg7[%add3A_214] : memref<13312xf32, #tpu.memory_space<vmem>>[vector<16xi32>], vector<16xf32>,
      %add3A_216 = arith.addf %add3A_211, %gather3A_215 : vector<16xf32>
      %scan3A_217 = arith.constant 25 : i32
      %add3A_218 = vector.broadcast %scan3A_217 : i32 to vector<16xi32>
      %add3A_219 = arith.addi %add3A_92, %add3A_218 : vector<16xi32>
      %gather3A_220 = tpu.vector_load_idx %arg7[%add3A_219] : memref<13312xf32, #tpu.memory_space<vmem>>[vector<16xi32>], vector<16xf32>,
      %add3A_221 = arith.addf %add3A_216, %gather3A_220 : vector<16xf32>
      %scan3A_222 = arith.constant 26 : i32
      %mul3A_223 = arith.constant 16 : i32
      %mul3A_224 = arith.muli %scan3A_88, %mul3A_223 : i32
      %swap3A = arith.index_cast %mul3A_224 : i32 to index
      %swap3A_225 = tpu.vector_load %arg8[%swap3A] {strides = array<i32>} : memref<512xf32, #tpu.memory_space<vmem>>, vector<16xf32>,
      tpu.vector_store %arg8[%swap3A], %add3A_221 {strides = array<i32>} : memref<512xf32, #tpu.memory_space<vmem>>, vector<16xf32>,
    }
    %scan3A_87 = arith.constant 8 : i32
    "tpu.region"() ({
      %run_scoped3A = tpu.sem_alloc : memref<!tpu.dma_semaphore, #tpu.memory_space<semaphore_mem>>
      %dma_start3A_88 = tpu.memref_slice %arg5[%mul3A_2] : memref<16384xf32, #tpu.memory_space<hbm>> -> memref<512xf32, #tpu.memory_space<hbm>>
      %dma_start3A_89 = tpu.memref_slice %arg5[%mul3A_2] : memref<16384xf32, #tpu.memory_space<hbm>> -> memref<512xf32, #tpu.memory_space<hbm>>
      tpu.enqueue_dma source(%arg8 : memref<512xf32, #tpu.memory_space<vmem>>) target(%dma_start3A_89 : memref<512xf32, #tpu.memory_space<hbm>>) target_semaphore(%run_scoped3A : memref<!tpu.dma_semaphore, #tpu.memory_space<semaphore_mem>>)
      %dma_wait3A_90 = tpu.memref_slice %arg5[%mul3A_2] : memref<16384xf32, #tpu.memory_space<hbm>> -> memref<512xf32, #tpu.memory_space<hbm>>
      %dma_wait3A_91 = tpu.memref_slice %arg5[%mul3A_2] : memref<16384xf32, #tpu.memory_space<hbm>> -> memref<512xf32, #tpu.memory_space<hbm>>
      tpu.wait_dma2 semaphore(%run_scoped3A : memref<!tpu.dma_semaphore, #tpu.memory_space<semaphore_mem>>) src(%arg8 : memref<512xf32, #tpu.memory_space<vmem>>) dst(%dma_wait3A_91 : memref<512xf32, #tpu.memory_space<hbm>>)
      tpu.yield
    }) : () -> ()
    return
  }
}

</mosaic_0001>

<sc_bundles>
// kernel: kernel.3.cloned.1.call-start
scs
__scs_entry_jumppad:
0x0: {  	(pc) =	sbr.rel $0x88, $3  }
0x1: {  	(tag) =	ssettag $0x0;
	lr =	simm.s32 $0x1  }
0x2: {  	[smem:$0x3F9E] =	sst lr;
	_ =	strace $0xD0000000  }
0x3: {  	_ = 	snop  }
0x4: {  	_ = 	snop  }
0x5: {  	_ = 	snop  }
0x6: {  	_ = 	snop  }
0x7: {  	_ = 	snop  }
__scs_overlays_trampoline_lowered:
0x8: {  	[smem:$0x3FAD] =	sst s0  }
0x9: {  	[smem:$0x3FAE] =	sst s1  }
0xa: {  	[smem:$0x3FAF] =	sst s2  }
0xb: {  	[smem:$0x3FB0] =	sst s3  }
0xc: {  	[smem:$0x3FB1] =	sst s4  }
0xd: {  	[smem:$0x3FB2] =	sst s5  }
0xe: {  	[smem:$0x3FB3] =	sst s6  }
0xf: {  	[smem:$0x3FB4] =	sst s7  }
0x10: {  	[smem:$0x3FB5] =	sst s8  }
0x11: {  	[smem:$0x3FB6] =	sst s9;
	s0 =	simm.s32 @!p0 $0x0  }
0x12: {  	s1 =	sld [smem:$0x3F9C];
	s0 =	simm.s32 @p0 $0x1  }
0x13: {  	[smem:$0x3FB7] =	sst s0;
	s0 =	simm.s32 @!p1 $0x0  }
0x14: {  	s2 =	sld [smem:$0x3F9B];
	s0 =	simm.s32 @p1 $0x1  }
0x15: {  	[smem:$0x3FB8] =	sst s0;
	s0 =	simm.s32 @!p2 $0x0  }
0x16: {  	s3 =	sld [smem:$0x3FDB];
	s0 =	simm.s32 @p2 $0x1  }
0x17: {  	s4 =	simm.s32 $0x1BF5;
	[smem:$0x3FBA] =	sst s0  }
0x18: {  	s0 =	sld [smem:$0x3F9D];
	_ =	swait.ge [sflag:s4], $0x0  }
0x19: {  	s7 =	sld [smem:$0x3F9E]  }
0x1a: {  	s8 =	sadd.s32 $0xFFFFE003, lr  }
0x1b: {  	s9 =	sadd.s32 $0xFFFFFEF7, lr;
	s5 =	simm.s32 $0xFFFFFFFF;
	p2 =	slt.u32 s8, $0xFFFFF086  }
0x1c: {  	p1 =	slt.u32 s9, $0xF7A;
	s5 =	simm.s32 @!p2 $0x0  }
0x1d: {  	s5 =	simm.s32 @p1 $0x1;
	p0 =	seq.s32 s7, s2  }
0x1e: {  	s7 =	smul.u32 @!p0 $0xF7A, s2;
	p2 =	seq.s32 @!p0 s5, $0x0  }
0x1f: {  	s9 =	smul.u32 $0xF7A, s1;
	s8 =	simm.s32 @!p0 $0x1BF5;
	p2 =	por !p2, p0  }
0x20: {  	[sflag:s8] =	ssyncset.s32 @!p0 $0xFFFFF086;
	s6 =	sadd.s32 @!p0 s3, s7;
	s7 =	simm.s32 @!p0 $0x108  }
0x21: {  	s3 =	sadd.s32 s3, s9;
	s6 =	sadd.s32 @!p0 $0x88, s6;
	s7 =	simm.s32 @p2 $0x1082  }
0x22: {  	[simem:s7], [sflag:s8] =	dma.local @!p0 [hbm:s6], $0xF7A  }
0x23: {  	s9 =	sor.u32 $0xD0000000, s2;
	s6 =	simm.s32 $0x108;
	_ =	swait.ge @!p0 [sflag:s8], $0x0  }
0x24: {  	s3 =	sadd.s32 $0x88, s3;
	s6 =	simm.s32 @!p1 $0x1082;
	[sflag:s4] =	ssyncset.s32 $0xFFFFF086  }
0x25: {  	[simem:s6], [sflag:s4] =	dma.local [hbm:s3], $0xF7A  }
0x26: {  	[smem:$0x3F9E] =	sst s1;
	(tag) =	ssettag s2;
	_ =	strace s9  }
0x27: {  	s1 =	sld [smem:$0x3FAE]  }
0x28: {  	s2 =	sld [smem:$0x3FAF]  }
0x29: {  	s4 =	sld [smem:$0x3FB1]  }
0x2a: {  	p0 =	seq.s32 s5, $0x0;
	s5 =	sld [smem:$0x3FB2]  }
0x2b: {  	s6 =	sld [smem:$0x3FB3]  }
0x2c: {  	s7 =	sld [smem:$0x3FB4]  }
0x2d: {  	s3 =	simm.s32 $0x108;
	s8 =	sld [smem:$0x3FB5]  }
0x2e: {  	s3 =	simm.s32 @!p0 $0x1082;
	s9 =	sld [smem:$0x3FB6]  }
0x2f: {  	lr =	sadd.s32 s0, s3;
	s0 =	sld [smem:$0x3FAD]  }
0x30: {  	s3 =	sld [smem:$0x3FB0]  }
0x31: {  	[smem:$0x3FB9] =	sst s10  }
0x32: {  	s10 =	sld [smem:$0x3FB7];
	_ =	sdelay $0x3  }
0x33: {  	p0 =	seq.s32 s10, $0x1;
	s10 =	sld [smem:$0x3FB9];
	_ =	sdelay $0x3  }
0x34: {  	[smem:$0x3FB9] =	sst s10  }
0x35: {  	s10 =	sld [smem:$0x3FB8];
	_ =	sdelay $0x3  }
0x36: {  	p1 =	seq.s32 s10, $0x1;
	s10 =	sld [smem:$0x3FB9];
	_ =	sdelay $0x3  }
0x37: {  	[smem:$0x3FB9] =	sst s10  }
0x38: {  	s10 =	sld [smem:$0x3FBA]  }
0x39: {  	_ = 	snop;
	(pc) =	sbr.ind lr, $3  }
0x3a: {  	_ = 	snop  }
0x3b: {  	_ = 	snop  }
0x3c: {  	p2 =	seq.s32 s10, $0x1;
	s10 =	sld [smem:$0x3FB9]  }
0x3d: {  	_ =	shalt  }
0x3e: {  	_ =	shalt  }
0x3f: {  	_ =	shalt  }
0x40: {  	_ =	shalt  }
0x41: {  	_ =	shalt  }
0x42: {  	_ =	shalt  }
0x43: {  	_ =	shalt  }
0x44: {  	_ =	shalt  }
0x45: {  	_ =	shalt  }
0x46: {  	_ =	shalt  }
0x47: {  	_ =	shalt  }
0x48: {  	_ =	shalt  }
0x49: {  	_ =	shalt  }
0x4a: {  	_ =	shalt  }
0x4b: {  	_ =	shalt  }
0x4c: {  	_ =	shalt  }
0x4d: {  	_ =	shalt  }
0x4e: {  	_ =	shalt  }
0x4f: {  	_ =	shalt  }
0x50: {  	_ =	shalt  }
0x51: {  	_ =	shalt  }
0x52: {  	_ =	shalt  }
0x53: {  	_ =	shalt  }
0x54: {  	_ =	shalt  }
0x55: {  	_ =	shalt  }
0x56: {  	_ =	shalt  }
0x57: {  	_ =	shalt  }
0x58: {  	_ =	shalt  }
0x59: {  	_ =	shalt  }
0x5a: {  	_ =	shalt  }
0x5b: {  	_ =	shalt  }
0x5c: {  	_ =	shalt  }
0x5d: {  	_ =	shalt  }
0x5e: {  	_ =	shalt  }
0x5f: {  	_ =	shalt  }
0x60: {  	_ =	shalt  }
0x61: {  	_ =	shalt  }
0x62: {  	_ =	shalt  }
0x63: {  	_ =	shalt  }
0x64: {  	_ =	shalt  }
0x65: {  	_ =	shalt  }
0x66: {  	_ =	shalt  }
0x67: {  	_ =	shalt  }
0x68: {  	_ =	shalt  }
0x69: {  	_ =	shalt  }
0x6a: {  	_ =	shalt  }
0x6b: {  	_ =	shalt  }
0x6c: {  	_ =	shalt  }
0x6d: {  	_ =	shalt  }
0x6e: {  	_ =	shalt  }
0x6f: {  	_ =	shalt  }
0x70: {  	_ =	shalt  }
0x71: {  	_ =	shalt  }
0x72: {  	_ =	shalt  }
0x73: {  	_ =	shalt  }
0x74: {  	_ =	shalt  }
0x75: {  	_ =	shalt  }
0x76: {  	_ =	shalt  }
0x77: {  	_ =	shalt  }
0x78: {  	_ =	shalt  }
0x79: {  	_ =	shalt  }
0x7a: {  	_ =	shalt  }
0x7b: {  	_ =	shalt  }
0x7c: {  	_ =	shalt  }
0x7d: {  	_ =	shalt  }
0x7e: {  	_ =	shalt  }
0x7f: {  	_ =	shalt  }
0x80: {  	_ =	shalt  }
0x81: {  	_ =	shalt  }
0x82: {  	_ =	shalt  }
0x83: {  	_ =	shalt  }
0x84: {  	_ =	shalt  }
0x85: {  	_ =	shalt  }
0x86: {  	_ =	shalt  }
0x87: {  	_ =	shalt  }
.Lfunc_end0:
.L_simem_size_0:
called_computation_lowered:
.L_overlay_start_0:
0x88: {  	s2 =	sld [smem:$0x3FD9]  }
0x89: {  	s3 =	sld [smem:$0x3FFE];
	_ =	sdelay $0x1  }
0x8a: {  	s1 =	srdreg.scid  }
0x8b: {  	s0 =	sand.u32 $0x1, s1  }
0x8c: {  	s17 =	sshll.u32 s0, $0xA;
	s2 =	sadd.s32 s3, s2  }
0x8d: {  	s2 =	sadd.s32 s2, s17  }
0x8e: {  	[smem:$0x3FC5] =	sst s2  }
0x8f: {  	_ = 	snop  }
0x90: {  	s2 =	sld [smem:$0x3FD0];
	(tm) =	ssettm $0x1  }
0x91: {  	s18 =	sld [smem:$0x3FFB];
	_ =	sdelay $0x3  }
0x92: {  	_ =	strace s18  }
0x93: {  	s3 =	sld [smem:$0x3FFC];
	_ =	sdelay $0x3  }
0x94: {  	_ =	strace s3  }
0x95: {  	s3 =	sld [smem:$0x3FFD];
	_ =	sdelay $0x3  }
0x96: {  	_ =	strace s3  }
0x97: {  	_ =	strace $0x8FFFFFFF  }
0x98: {  	s19 =	sld [smem:$0x3FDB];
	_ =	sdelay $0x1  }
0x99: {  	s4 =	simm.s32 $_scs_section_size  }
0x9a: {  	s5 =	simm.s32 $_size__tile_overlayer_lowered;
	s6 =	simm.s32 $_tile_overlayer_lowered  }
0x9b: {  	s22 =	simm.s32 $0x1BFF;
	s21 =	sshll.u32 s6, $0x1;
	s3 =	sadd.s32 s4, s19  }
0x9c: {  	s7 =	simm.s32 $0x0;
	s20 =	sshll.u32 s5, $0x1;
	s5 =	sadd.s32 s21, s3  }
0x9d: {  	[timem:s7], [sflag:s22] =	dma.local [hbm:s5], s20  }
0x9e: {  	_ =	swait.ge [sflag:s22], s20  }
0x9f: {  	s4 =	ssub.s32 $0x0, s20;
	[sflag:s22] =	ssyncset.done $0x0  }
0xa0: {  	[sflag:s22] =	ssyncadd.s32 s4;
	_ =	sdelay $0x1  }
0xa1: {  	s23 =	simm.s32 $0x1B8B  }
0xa2: {  	_ =	swait.ge [sflag:s23], $0x1  }
0xa3: {  	[sflag:s23] =	ssyncset.done $0x0  }
0xa4: {  	s25 =	simm.s32 $0x1B8E;
	s24 =	sld [smem:$0x3FFE];
	[sflag:s23] =	ssyncadd.s32 $0xFFFFFFFF  }
0xa5: {  	s26 =	simm.s32 $execute0_lowered;
	[smem:$0x3FD2] =	sst s25  }
0xa6: {  	s5 =	sshll.u32 s26, $0x1;
	_ =	strace $0x80000046;
	[dreg:$0x1] =	wrdreg $0xFFFFFFFF  }
0xa7: {  	s28 =	simm.s32 $_size_execute0_lowered;
	s3 =	sadd.s32 s3, s5;
	[dreg:$0x0] =	wrdreg $0x0  }
0xa8: {  	s5 =	sshll.u32 s28, $0x1;
	[dreg:$0x2] =	wrdreg s3  }
0xa9: {  	[dreg:$0x3] =	wrdreg s5  }
0xaa: {  	[dreg:$0x4] =	wrdreg $0xC0  }
0xab: {  	_ =	task [dreg:s7], $0x5FFFF  }
0xac: {  	[dreg:$0x1] =	wrdreg $0xFFFFFFFF  }
0xad: {  	[dreg:$0x0] =	wrdreg $0x60  }
0xae: {  	[dreg:$0x2] =	wrdreg s24  }
0xaf: {  	[dreg:$0x3] =	wrdreg s2  }
0xb0: {  	[dreg:$0x4] =	wrdreg $0x89800  }
0xb1: {  	[dreg:$0x5] =	wrdreg $0x9  }
0xb2: {  	_ =	task.clear_ibuf [dreg:s7], $0x6FFFF;
	_ =	strace $0x90000046  }
0xb3: {  	s29 =	simm.s32 $0x9;
	_ =	strace $0x80000048  }
0xb4: {  	_ =	swait.ge [sflag:s29], $0x1  }
0xb5: {  	[sflag:s29] =	ssyncadd.s32 $0xFFFFFFFF  }
0xb6: {  	_ =	strace $0x90000048  }
0xb7: {  	_ =	sfence  }
0xb8: {  	s30 =	sld [smem:$0x0];
	_ =	sdelay $0x2  }
0xb9: {  	s31 =	sshll.u32 s1, $0xD;
	s1 =	sshrl.u32 s1, $0x2  }
0xba: {  	s3 =	sand.u32 $0x4000, s31;
	s1 =	sadd.s32 s1, s30  }
0xbb: {  	s0 =	sor.u32 s3, s0;
	s1 =	sshll.u32 s1, $0x11  }
0xbc: {  	s0 =	sor.u32 s1, s0  }
0xbd: {  	s0 =	sadd.s32 $0x8F2B, s0  }
0xbe: {  	[sflag:s0] =	ssyncadd.remote.s32 $0x1  }
0xbf: {  	_ =	sfence.sel $0xFFFF  }
0xc0: {  	[dreg:$0x0] =	wrdreg $0xFFFFFFFF;
	(pc) =	sbr.abs _section_cstart, $3  }
0xc1: {  	[dreg:$0x1] =	wrdreg $0xFFFFFFFF  }
0xc2: {  	_ =	task.clear_ibuf [dreg:s7], $0x2FFFF;
	_ =	strace $0x9FFFFFFF  }
0xc3: {  	(tm) =	ssettm $0x7FFFFFFF  }
tec
execute0_lowered:
.L_overlay_start_1:
0x0: {  	(tag) =	ssettag $0x1  }
0x1: {  	s0 =	rddreg [dreg:$0x0]  }
0x2: {  	s2 =	srdreg.scid;
	s25 =	stileid.u32  }
0x3: {  	s1 =	simm.s32 $0x0;
	s2 =	sand.u32 $0x1, s2;
	s3 =	smul.u32 $0xF480, s25  }
0x4: {  	s4 =	sshll.u32 s25, $0x1;
	[smem:$0x7FF] =	sst s1;
	s5 =	sadd.s32 $0xD200, s0  }
0x5: {  	s4 =	sor.u32 s2, s4;
	s2 =	ssub.s32 $0x2, s2;
	s6 =	sadd.s32 $0xF48, s3  }
0x6: {  	s7 =	sshrl.u32 s2, $0x1;
	s8 =	sshrl.u32 s3, $0x3;
	s9 =	sshrl.u32 s6, $0x3  }
0x7: {  	s2 =	ssub.s32 s2, s7;
	s15 =	sadd.s32 s5, s8;
	s7 =	sadd.s32 $0x1E90, s3  }
0x8: {  	s8 =	sadd.s32 $0x2DD8, s3;
	[dreg:$0x4] =	wrdreg s15;
	s16 =	sadd.s32 s5, s9  }
0x9: {  	s9 =	sadd.s32 $0x3D20, s3;
	s10 =	sshrl.u32 s7, $0x3;
	s11 =	sshrl.u32 s8, $0x3  }
0xa: {  	[dreg:$0x5] =	wrdreg s16;
	s12 =	sshrl.u32 s9, $0x3;
	s10 =	sadd.s32 s5, s10  }
0xb: {  	s17 =	sadd.s32 s5, s11;
	s11 =	sadd.s32 $0x5BB0, s3;
	[dreg:$0x6] =	wrdreg s10  }
0xc: {  	[dreg:$0x7] =	wrdreg s17;
	s18 =	sadd.s32 s5, s12;
	s10 =	sadd.s32 $0x4C68, s3  }
0xd: {  	s12 =	sadd.s32 $0x6AF8, s3;
	s14 =	sshrl.u32 s11, $0x3;
	[dreg:$0x8] =	wrdreg s18  }
0xe: {  	s13 =	sshrl.u32 s10, $0x3;
	s15 =	sshrl.u32 s12, $0x3;
	s19 =	sadd.s32 s5, s14  }
0xf: {  	s14 =	sadd.s32 $0x8988, s3;
	s13 =	sadd.s32 s5, s13;
	[dreg:$0xa] =	wrdreg s19  }
0x10: {  	s20 =	sadd.s32 s5, s15;
	s15 =	sadd.s32 $0x98D0, s3;
	[dreg:$0x9] =	wrdreg s13  }
0x11: {  	s17 =	sshrl.u32 s14, $0x3;
	[dreg:$0xb] =	wrdreg s20;
	s13 =	sadd.s32 $0x7A40, s3  }
0x12: {  	s18 =	sshrl.u32 s15, $0x3;
	s21 =	sadd.s32 s5, s17;
	s17 =	sadd.s32 $0xB760, s3  }
0x13: {  	s16 =	sshrl.u32 s13, $0x3;
	[dreg:$0xd] =	wrdreg s21;
	s22 =	sadd.s32 s5, s18  }
0x14: {  	s18 =	sadd.s32 $0xC6A8, s3;
	s20 =	sshrl.u32 s17, $0x3;
	[dreg:$0xe] =	wrdreg s22  }
0x15: {  	s16 =	sadd.s32 s5, s16;
	s23 =	sadd.s32 s5, s20;
	s20 =	rddreg [dreg:$0x1]  }
0x16: {  	s21 =	sshrl.u32 s18, $0x3;
	s22 =	sadd.s32 $0xD5F0, s3;
	[dreg:$0xc] =	wrdreg s16  }
0x17: {  	s16 =	sadd.s32 $0xA818, s3;
	[dreg:$0x10] =	wrdreg s23;
	s24 =	sadd.s32 s5, s21  }
0x18: {  	s23 =	sadd.s32 $0xE538, s3;
	s21 =	smul.u32 $0x680, s4;
	s19 =	sshrl.u32 s16, $0x3  }
0x19: {  	s26 =	sshrl.u32 s22, $0x3;
	[dreg:$0x11] =	wrdreg s24;
	s19 =	sadd.s32 s5, s19  }
0x1a: {  	s24 =	sshrl.u32 s23, $0x3;
	[dreg:$0xf] =	wrdreg s19;
	s19 =	sadd.s32 s5, s26  }
0x1b: {  	s5 =	sadd.s32 s5, s24;
	[dreg:$0x12] =	wrdreg s19  }
0x1c: {  	s26 =	sadd.s32 s21, s0;
	[dreg:$0x13] =	wrdreg s5  }
0x1d: {  	s24 =	sadd.s32 $0x2A042, s0;
	s19 =	rddreg [dreg:$0x2];
	s21 =	sadd.s32 $0x200, s26  }
0x1e: {  	s26 =	sadd.s32 $0x2A22B, s0;
	_ =	strace $0x80000047;
	[smem:$0x7E8] =	sst s24  }
0x1f: {  	s4 =	sshll.u32 s4, $0x6;
	s3 =	sadd.s32 s3, s19;
	[smem:$0x7E9] =	sst s26  }
0x20: {  	s20 =	sadd.s32 s20, s4;
	s4 =	sadd.s32 s6, s19;
	[dreg:$0x14] =	wrdreg s3  }
0x21: {  	s5 =	sadd.s32 s7, s19;
	[dreg:$0x15] =	wrdreg s4  }
0x22: {  	s6 =	sadd.s32 s8, s19;
	[dreg:$0x16] =	wrdreg s5  }
0x23: {  	s7 =	sadd.s32 s9, s19;
	[dreg:$0x17] =	wrdreg s6  }
0x24: {  	s8 =	sadd.s32 s10, s19;
	[dreg:$0x18] =	wrdreg s7  }
0x25: {  	s9 =	sadd.s32 s11, s19;
	[dreg:$0x19] =	wrdreg s8  }
0x26: {  	s10 =	sadd.s32 s12, s19;
	[dreg:$0x1a] =	wrdreg s9  }
0x27: {  	s11 =	sadd.s32 s13, s19;
	[dreg:$0x1b] =	wrdreg s10  }
0x28: {  	s12 =	sadd.s32 s14, s19;
	[dreg:$0x1c] =	wrdreg s11  }
0x29: {  	s13 =	sadd.s32 s15, s19;
	[dreg:$0x1d] =	wrdreg s12  }
0x2a: {  	s14 =	sadd.s32 s16, s19;
	[dreg:$0x1e] =	wrdreg s13  }
0x2b: {  	s15 =	sadd.s32 s17, s19;
	[dreg:$0x1f] =	wrdreg s14  }
0x2c: {  	s16 =	sadd.s32 s18, s19;
	[smem:$0x7E2] =	sst s15  }
0x2d: {  	s17 =	sadd.s32 s22, s19;
	[smem:$0x7E3] =	sst s16  }
0x2e: {  	s18 =	sadd.s32 s23, s19;
	[smem:$0x7E4] =	sst s17  }
0x2f: {  	s22 =	sadd.s32 $0x29C70, s0;
	[smem:$0x7E5] =	sst s18  }
0x30: {  	s23 =	sadd.s32 $0x29E59, s0;
	[smem:$0x7E6] =	sst s22  }
0x31: {  	s24 =	sadd.s32 $0xE9FE8, s19;
	[smem:$0x7E7] =	sst s23  }
0x32: {  	p0 =	seq.s32 s25, $0xF;
	s25 =	sadd.s32 $0xEAF30, s19;
	[smem:$0x7FB] =	sst s24  }
0x33: {  	s26 =	sadd.s32 $0xEBE78, s19;
	[smem:$0x7FC] =	sst s25  }
0x34: {  	s4 =	sadd.s32 $0x2A414, s0;
	[smem:$0x7FD] =	sst s26  }
0x35: {  	s5 =	sadd.s32 $0x2A5FD, s0;
	[smem:$0x7EA] =	sst s4  }
0x36: {  	s6 =	sadd.s32 $0x2A7E6, s0;
	[smem:$0x7EB] =	sst s5  }
0x37: {  	s8 =	sadd.s32 $0x2A9CF, s0;
	[smem:$0x7EC] =	sst s6  }
0x38: {  	s9 =	sadd.s32 $0x2ABB8, s0;
	[smem:$0x7ED] =	sst s8  }
0x39: {  	s10 =	sadd.s32 $0x2ADA1, s0;
	[smem:$0x7EE] =	sst s9  }
0x3a: {  	s11 =	sadd.s32 $0x2AF8A, s0;
	[smem:$0x7EF] =	sst s10  }
0x3b: {  	s12 =	sadd.s32 $0x2B173, s0;
	[smem:$0x7F0] =	sst s11  }
0x3c: {  	s13 =	sadd.s32 $0x2B35C, s0;
	[smem:$0x7F1] =	sst s12  }
0x3d: {  	s14 =	sadd.s32 $0x2B545, s0;
	[smem:$0x7F2] =	sst s13  }
0x3e: {  	s28 =	simm.s32 $0x3400;
	s15 =	sadd.s32 $0x2B72E, s0;
	[smem:$0x7F3] =	sst s14  }
0x3f: {  	v0 =	vlaneseq.u32;
	s7 =	sadd.s32 $0x2BC00, s0;
	s0 =	sadd.s32 $0x2B917, s0;
	[smem:$0x7F4] =	sst s15  }
0x40: {  	s30 =	simm.s32 $0x1;
	v0 =	vmul.u32 $0x1A, v0;
	s16 =	sadd.s32 $0xE5380, s19;
	[smem:$0x7F5] =	sst s0  }
0x41: {  	s31 =	simm.s32 $0x2;
	s17 =	sadd.s32 $0xE62C8, s19;
	[smem:$0x7F6] =	sst s16  }
0x42: {  	v1 =	vor.u32 $0x1, v0;
	s29 =	smax.u32 s2, $0x1;
	s18 =	sadd.s32 $0xE7210, s19;
	[smem:$0x7F7] =	sst s17  }
0x43: {  	v2 =	vadd.s32 $0x2, v0;
	v3 =	vadd.s32 $0x3, v0;
	v4 =	vadd.s32 $0x4, v0;
	s2 =	simm.s32 $0x0;
	s22 =	sadd.s32 $0xE8158, s19;
	[smem:$0x7F8] =	sst s18  }
0x44: {  	v5 =	vadd.s32 $0x5, v0;
	v6 =	vadd.s32 $0x6, v0;
	v7 =	vadd.s32 $0x7, v0;
	s23 =	sadd.s32 $0xE90A0, s19;
	s24 =	simm.s32 $0x8;
	[smem:$0x7F9] =	sst s22  }
0x45: {  	v8 =	vadd.s32 $0x8, v0;
	v9 =	vadd.s32 $0x9, v0;
	v10 =	vadd.s32 $0xA, v0;
	s25 =	simm.s32 $0x7;
	s26 =	simm.s32 $0xD00;
	[smem:$0x7FA] =	sst s23  }
0x46: {  	v11 =	vadd.s32 $0xB, v0;
	v12 =	vadd.s32 $0xC, v0;
	v13 =	vadd.s32 $0xD, v0;
	s6 =	sadd.s32 $0xECDC0, s19;
	s8 =	sadd.s32 $0xEDD08, s19;
	s9 =	sadd.s32 $0xEEC50, s19  }
0x47: {  	v14 =	vadd.s32 $0xE, v0;
	v15 =	vadd.s32 $0xF, v0;
	v16 =	vadd.s32 $0x10, v0;
	s10 =	sadd.s32 $0xEFB98, s19;
	s11 =	sadd.s32 $0xF0AE0, s19;
	s12 =	sadd.s32 $0xF1A28, s19  }
0x48: {  	v17 =	vadd.s32 $0x11, v0;
	v18 =	vadd.s32 $0x12, v0;
	v19 =	vadd.s32 $0x13, v0;
	s13 =	sadd.s32 $0xF2970, s19;
	s14 =	sadd.s32 $0xF38B8, s19;
	s15 =	simm.s32 $0x9  }
0x49: {  	v20 =	vadd.s32 $0x14, v0;
	v21 =	vadd.s32 $0x15, v0;
	v22 =	vadd.s32 $0x16, v0;
	s17 =	simm.s32 $0x5;
	s18 =	simm.s32 $0x6A80;
	s22 =	simm.s32 $0x7A00  }
0x4a: {  	v23 =	vadd.s32 $0x17, v0;
	v24 =	vadd.s32 $0x18, v0;
	v25 =	vadd.s32 $0x19, v0;
	s23 =	simm.s32 $0x6;
	s16 =	simm.s32 $0x3;
	s0 =	simm.s32 $0x4  }
.LBB2_1:
0x4b: {  	[tilespmem:s1], [sflag:$0x5] =	stream.linear.gather [hbm4b:s21+s1], $0x3400, $0x38;
	[tilespmem:$0x17DA8] =	vst v63  }
0x4c: {  	s3 =	simm.s32 $0x6A00  }
0x4d: {  	[tilespmem:s3], [sflag:$0x9] =	stream.linear.gather [hbm4b:s7+s1], $0x80, $0x38;
	[tilespmem:$0x17DA8] =	vst v63  }
0x4e: {  	_ =	swait.ge [sflag:s15], $0x80  }
.Ltmp0:
0x4f: {  	[sflag:s15] =	ssyncset.done $0x0;
	(pc) =	sbr.rel @!p0 .LBB2_2-.Ltmp0, $4  }
0x50: {  	[sflag:s15] =	ssyncadd.s32 $0xFFFFFF80  }
0x51: {  	_ =	swait.ge [sflag:s17], $0x3400  }
0x52: {  	[sflag:s17] =	ssyncset.done $0x0  }
0x53: {  	[sflag:s17] =	ssyncadd.s32 $0xFFFFCC00  }
0x54: {  	s3 =	sld [smem:$0x7E6];
	_ =	sdelay $0x1  }
0x55: {  	s5 =	sld [smem:$0x7E7]  }
0x56: {  	[tilespmem:s18], [sflag:$0x6] =	stream.linear.gather [hbm4b:s3+s1], $0xF48, $0x38;
	[tilespmem:$0x17DA8] =	vst v63  }
0x57: {  	_ = 	snop  }
0x58: {  	[tilespmem:s22], [sflag:$0x7] =	stream.linear.gather [hbm4b:s5+s1], $0xF48, $0x38;
	[tilespmem:$0x17DA8] =	vst v63  }
0x59: {  	_ =	swait.ge [sflag:s23], $0xF48  }
0x5a: {  	s4 =	sld [smem:$0x7F6]  }
0x5b: {  	[sflag:s23] =	ssyncset.done $0x0  }
0x5c: {  	[sflag:s23] =	ssyncadd.s32 $0xFFFFF0B8  }
0x5d: {  	[spmem:s4] =	stream.linear.scatter [tilespmem:s18], [sflag:$0x8], $0xF48, $0x38;
	[tilespmem:$0x17DA8] =	vst v63  }
0x5e: {  	_ =	swait.ge [sflag:s24], $0xF48  }
0x5f: {  	s5 =	sld [smem:$0x7E8]  }
0x60: {  	[sflag:s24] =	ssyncset.done $0x0  }
0x61: {  	[sflag:s24] =	ssyncadd.s32 $0xFFFFF0B8  }
0x62: {  	[tilespmem:s18], [sflag:$0x6] =	stream.linear.gather [hbm4b:s5+s1], $0xF48, $0x38;
	[tilespmem:$0x17DA8] =	vst v63  }
0x63: {  	_ =	swait.ge [sflag:s25], $0xF48  }
0x64: {  	s4 =	sld [smem:$0x7F7]  }
0x65: {  	[sflag:s25] =	ssyncset.done $0x0  }
0x66: {  	[sflag:s25] =	ssyncadd.s32 $0xFFFFF0B8  }
0x67: {  	[spmem:s4] =	stream.linear.scatter [tilespmem:s22], [sflag:$0x5], $0xF48, $0x38;
	[tilespmem:$0x17DA8] =	vst v63  }
0x68: {  	_ =	swait.ge [sflag:s17], $0xF48  }
0x69: {  	s5 =	sld [smem:$0x7E9]  }
0x6a: {  	[sflag:s17] =	ssyncset.done $0x0  }
0x6b: {  	[sflag:s17] =	ssyncadd.s32 $0xFFFFF0B8  }
0x6c: {  	[tilespmem:s22], [sflag:$0x7] =	stream.linear.gather [hbm4b:s5+s1], $0xF48, $0x38;
	[tilespmem:$0x17DA8] =	vst v63  }
0x6d: {  	_ =	swait.ge [sflag:s23], $0xF48  }
0x6e: {  	s4 =	sld [smem:$0x7F8]  }
0x6f: {  	[sflag:s23] =	ssyncset.done $0x0  }
0x70: {  	[sflag:s23] =	ssyncadd.s32 $0xFFFFF0B8  }
0x71: {  	[spmem:s4] =	stream.linear.scatter [tilespmem:s18], [sflag:$0x8], $0xF48, $0x38;
	[tilespmem:$0x17DA8] =	vst v63  }
0x72: {  	_ =	swait.ge [sflag:s24], $0xF48  }
0x73: {  	s5 =	sld [smem:$0x7EA]  }
0x74: {  	[sflag:s24] =	ssyncset.done $0x0  }
0x75: {  	[sflag:s24] =	ssyncadd.s32 $0xFFFFF0B8  }
0x76: {  	[tilespmem:s18], [sflag:$0x6] =	stream.linear.gather [hbm4b:s5+s1], $0xF48, $0x38;
	[tilespmem:$0x17DA8] =	vst v63  }
0x77: {  	_ =	swait.ge [sflag:s25], $0xF48  }
0x78: {  	s4 =	sld [smem:$0x7F9]  }
0x79: {  	[sflag:s25] =	ssyncset.done $0x0  }
0x7a: {  	[sflag:s25] =	ssyncadd.s32 $0xFFFFF0B8  }
0x7b: {  	[spmem:s4] =	stream.linear.scatter [tilespmem:s22], [sflag:$0x5], $0xF48, $0x38;
	[tilespmem:$0x17DA8] =	vst v63  }
0x7c: {  	_ =	swait.ge [sflag:s17], $0xF48  }
0x7d: {  	s5 =	sld [smem:$0x7EB]  }
0x7e: {  	[sflag:s17] =	ssyncset.done $0x0  }
0x7f: {  	[sflag:s17] =	ssyncadd.s32 $0xFFFFF0B8  }
0x80: {  	[tilespmem:s22], [sflag:$0x7] =	stream.linear.gather [hbm4b:s5+s1], $0xF48, $0x38;
	[tilespmem:$0x17DA8] =	vst v63  }
0x81: {  	_ =	swait.ge [sflag:s23], $0xF48  }
0x82: {  	s4 =	sld [smem:$0x7FA]  }
0x83: {  	[sflag:s23] =	ssyncset.done $0x0  }
0x84: {  	[sflag:s23] =	ssyncadd.s32 $0xFFFFF0B8  }
0x85: {  	[spmem:s4] =	stream.linear.scatter [tilespmem:s18], [sflag:$0x8], $0xF48, $0x38;
	[tilespmem:$0x17DA8] =	vst v63  }
0x86: {  	_ =	swait.ge [sflag:s24], $0xF48  }
0x87: {  	s5 =	sld [smem:$0x7EC]  }
0x88: {  	[sflag:s24] =	ssyncset.done $0x0  }
0x89: {  	[sflag:s24] =	ssyncadd.s32 $0xFFFFF0B8  }
0x8a: {  	[tilespmem:s18], [sflag:$0x6] =	stream.linear.gather [hbm4b:s5+s1], $0xF48, $0x38;
	[tilespmem:$0x17DA8] =	vst v63  }
0x8b: {  	_ =	swait.ge [sflag:s25], $0xF48  }
0x8c: {  	s4 =	sld [smem:$0x7FB]  }
0x8d: {  	[sflag:s25] =	ssyncset.done $0x0  }
0x8e: {  	[sflag:s25] =	ssyncadd.s32 $0xFFFFF0B8  }
0x8f: {  	[spmem:s4] =	stream.linear.scatter [tilespmem:s22], [sflag:$0x5], $0xF48, $0x38;
	[tilespmem:$0x17DA8] =	vst v63  }
0x90: {  	_ =	swait.ge [sflag:s17], $0xF48  }
0x91: {  	s5 =	sld [smem:$0x7ED]  }
0x92: {  	[sflag:s17] =	ssyncset.done $0x0  }
0x93: {  	[sflag:s17] =	ssyncadd.s32 $0xFFFFF0B8  }
0x94: {  	[tilespmem:s22], [sflag:$0x7] =	stream.linear.gather [hbm4b:s5+s1], $0xF48, $0x38;
	[tilespmem:$0x17DA8] =	vst v63  }
0x95: {  	_ =	swait.ge [sflag:s23], $0xF48  }
0x96: {  	s4 =	sld [smem:$0x7FC]  }
0x97: {  	[sflag:s23] =	ssyncset.done $0x0  }
0x98: {  	[sflag:s23] =	ssyncadd.s32 $0xFFFFF0B8  }
0x99: {  	[spmem:s4] =	stream.linear.scatter [tilespmem:s18], [sflag:$0x8], $0xF48, $0x38;
	[tilespmem:$0x17DA8] =	vst v63  }
0x9a: {  	_ =	swait.ge [sflag:s24], $0xF48  }
0x9b: {  	s5 =	sld [smem:$0x7EE]  }
0x9c: {  	[sflag:s24] =	ssyncset.done $0x0  }
0x9d: {  	[sflag:s24] =	ssyncadd.s32 $0xFFFFF0B8  }
0x9e: {  	[tilespmem:s18], [sflag:$0x6] =	stream.linear.gather [hbm4b:s5+s1], $0xF48, $0x38;
	[tilespmem:$0x17DA8] =	vst v63  }
0x9f: {  	_ =	swait.ge [sflag:s25], $0xF48  }
0xa0: {  	s4 =	sld [smem:$0x7FD]  }
0xa1: {  	[sflag:s25] =	ssyncset.done $0x0  }
0xa2: {  	[sflag:s25] =	ssyncadd.s32 $0xFFFFF0B8  }
0xa3: {  	[spmem:s4] =	stream.linear.scatter [tilespmem:s22], [sflag:$0x5], $0xF48, $0x38;
	[tilespmem:$0x17DA8] =	vst v63  }
0xa4: {  	_ =	swait.ge [sflag:s17], $0xF48  }
0xa5: {  	s5 =	sld [smem:$0x7EF]  }
0xa6: {  	[sflag:s17] =	ssyncset.done $0x0  }
0xa7: {  	[sflag:s17] =	ssyncadd.s32 $0xFFFFF0B8  }
0xa8: {  	[tilespmem:s22], [sflag:$0x7] =	stream.linear.gather [hbm4b:s5+s1], $0xF48, $0x38;
	[tilespmem:$0x17DA8] =	vst v63  }
0xa9: {  	_ =	swait.ge [sflag:s23], $0xF48  }
0xaa: {  	[sflag:s23] =	ssyncset.done $0x0  }
0xab: {  	[sflag:s23] =	ssyncadd.s32 $0xFFFFF0B8  }
0xac: {  	[spmem:s6] =	stream.linear.scatter [tilespmem:s18], [sflag:$0x8], $0xF48, $0x38;
	[tilespmem:$0x17DA8] =	vst v63  }
0xad: {  	_ =	swait.ge [sflag:s24], $0xF48  }
0xae: {  	s4 =	sld [smem:$0x7F0]  }
0xaf: {  	[sflag:s24] =	ssyncset.done $0x0  }
0xb0: {  	[sflag:s24] =	ssyncadd.s32 $0xFFFFF0B8  }
0xb1: {  	[tilespmem:s18], [sflag:$0x6] =	stream.linear.gather [hbm4b:s4+s1], $0xF48, $0x38;
	[tilespmem:$0x17DA8] =	vst v63  }
0xb2: {  	_ =	swait.ge [sflag:s25], $0xF48  }
0xb3: {  	[sflag:s25] =	ssyncset.done $0x0  }
0xb4: {  	[sflag:s25] =	ssyncadd.s32 $0xFFFFF0B8  }
0xb5: {  	[spmem:s8] =	stream.linear.scatter [tilespmem:s22], [sflag:$0x5], $0xF48, $0x38;
	[tilespmem:$0x17DA8] =	vst v63  }
0xb6: {  	_ =	swait.ge [sflag:s17], $0xF48  }
0xb7: {  	s5 =	sld [smem:$0x7F1]  }
0xb8: {  	[sflag:s17] =	ssyncset.done $0x0  }
0xb9: {  	[sflag:s17] =	ssyncadd.s32 $0xFFFFF0B8  }
0xba: {  	[tilespmem:s22], [sflag:$0x7] =	stream.linear.gather [hbm4b:s5+s1], $0xF48, $0x38;
	[tilespmem:$0x17DA8] =	vst v63  }
0xbb: {  	_ =	swait.ge [sflag:s23], $0xF48  }
0xbc: {  	[sflag:s23] =	ssyncset.done $0x0  }
0xbd: {  	[sflag:s23] =	ssyncadd.s32 $0xFFFFF0B8  }
0xbe: {  	[spmem:s9] =	stream.linear.scatter [tilespmem:s18], [sflag:$0x8], $0xF48, $0x38;
	[tilespmem:$0x17DA8] =	vst v63  }
0xbf: {  	_ =	swait.ge [sflag:s24], $0xF48  }
0xc0: {  	s4 =	sld [smem:$0x7F2]  }
0xc1: {  	[sflag:s24] =	ssyncset.done $0x0  }
0xc2: {  	[sflag:s24] =	ssyncadd.s32 $0xFFFFF0B8  }
0xc3: {  	[tilespmem:s18], [sflag:$0x6] =	stream.linear.gather [hbm4b:s4+s1], $0xF48, $0x38;
	[tilespmem:$0x17DA8] =	vst v63  }
0xc4: {  	_ =	swait.ge [sflag:s25], $0xF48  }
0xc5: {  	[sflag:s25] =	ssyncset.done $0x0  }
0xc6: {  	[sflag:s25] =	ssyncadd.s32 $0xFFFFF0B8  }
0xc7: {  	[spmem:s10] =	stream.linear.scatter [tilespmem:s22], [sflag:$0x5], $0xF48, $0x38;
	[tilespmem:$0x17DA8] =	vst v63  }
0xc8: {  	_ =	swait.ge [sflag:s17], $0xF48  }
0xc9: {  	s5 =	sld [smem:$0x7F3]  }
0xca: {  	[sflag:s17] =	ssyncset.done $0x0  }
0xcb: {  	[sflag:s17] =	ssyncadd.s32 $0xFFFFF0B8  }
0xcc: {  	[tilespmem:s22], [sflag:$0x7] =	stream.linear.gather [hbm4b:s5+s1], $0xF48, $0x38;
	[tilespmem:$0x17DA8] =	vst v63  }
0xcd: {  	_ =	swait.ge [sflag:s23], $0xF48  }
0xce: {  	[sflag:s23] =	ssyncset.done $0x0  }
0xcf: {  	[sflag:s23] =	ssyncadd.s32 $0xFFFFF0B8  }
0xd0: {  	[spmem:s11] =	stream.linear.scatter [tilespmem:s18], [sflag:$0x8], $0xF48, $0x38;
	[tilespmem:$0x17DA8] =	vst v63  }
0xd1: {  	_ =	swait.ge [sflag:s24], $0xF48  }
0xd2: {  	s4 =	sld [smem:$0x7F4]  }
0xd3: {  	[sflag:s24] =	ssyncset.done $0x0  }
0xd4: {  	[sflag:s24] =	ssyncadd.s32 $0xFFFFF0B8  }
0xd5: {  	[tilespmem:s18], [sflag:$0x6] =	stream.linear.gather [hbm4b:s4+s1], $0xF48, $0x38;
	[tilespmem:$0x17DA8] =	vst v63  }
0xd6: {  	_ =	swait.ge [sflag:s25], $0xF48  }
0xd7: {  	[sflag:s25] =	ssyncset.done $0x0  }
0xd8: {  	[sflag:s25] =	ssyncadd.s32 $0xFFFFF0B8  }
0xd9: {  	[spmem:s12] =	stream.linear.scatter [tilespmem:s22], [sflag:$0x5], $0xF48, $0x38;
	[tilespmem:$0x17DA8] =	vst v63  }
0xda: {  	_ =	swait.ge [sflag:s23], $0xF48  }
0xdb: {  	[sflag:s23] =	ssyncset.done $0x0  }
0xdc: {  	[sflag:s23] =	ssyncadd.s32 $0xFFFFF0B8  }
0xdd: {  	[spmem:s13] =	stream.linear.scatter [tilespmem:s18], [sflag:$0x8], $0xF48, $0x38;
	[tilespmem:$0x17DA8] =	vst v63  }
0xde: {  	_ =	swait.ge [sflag:s24], $0xF48  }
0xdf: {  	[sflag:s24] =	ssyncset.done $0x0  }
0xe0: {  	[sflag:s24] =	ssyncadd.s32 $0xFFFFF0B8  }
0xe1: {  	_ =	swait.ge [sflag:s17], $0xF48  }
0xe2: {  	s5 =	sld [smem:$0x7F5]  }
0xe3: {  	[sflag:s17] =	ssyncset.done $0x0  }
0xe4: {  	[sflag:s17] =	ssyncadd.s32 $0xFFFFF0B8  }
0xe5: {  	[tilespmem:s18], [sflag:$0x9] =	stream.linear.gather [hbm4b:s5+s1], $0x988, $0x38;
	[tilespmem:$0x17DA8] =	vst v63  }
0xe6: {  	_ =	swait.ge [sflag:s15], $0x988  }
0xe7: {  	[sflag:s15] =	ssyncset.done $0x0  }
.Ltmp1:
0xe8: {  	[sflag:s15] =	ssyncadd.s32 $0xFFFFF678;
	(pc) =	sbr.rel .LBB2_4-.Ltmp1, $4  }
0xe9: {  	[spmem:s14] =	stream.linear.scatter [tilespmem:s18], [sflag:$0x9], $0x988, $0x38;
	[tilespmem:$0x17DA8] =	vst v63  }
0xea: {  	_ =	swait.ge [sflag:s15], $0x988  }
0xeb: {  	[sflag:s15] =	ssyncset.done $0x0  }
0xec: {  	[sflag:s15] =	ssyncadd.s32 $0xFFFFF678  }
.LBB2_2:
0xed: {  	s3 =	rddreg [dreg:$0x4]  }
0xee: {  	[tilespmem:s18], [sflag:$0x6] =	stream.linear.gather [hbm4b:s3+s1], $0xF48, $0x38;
	[tilespmem:$0x17DA8] =	vst v63  }
0xef: {  	s5 =	rddreg [dreg:$0x5]  }
0xf0: {  	[tilespmem:s22], [sflag:$0x7] =	stream.linear.gather [hbm4b:s5+s1], $0xF48, $0x38;
	[tilespmem:$0x17DA8] =	vst v63  }
0xf1: {  	_ =	swait.ge [sflag:s23], $0xF48  }
0xf2: {  	[sflag:s23] =	ssyncset.done $0x0  }
0xf3: {  	s4 =	rddreg [dreg:$0x14];
	[sflag:s23] =	ssyncadd.s32 $0xFFFFF0B8  }
0xf4: {  	[spmem:s4] =	stream.linear.scatter [tilespmem:s18], [sflag:$0x8], $0xF48, $0x38;
	[tilespmem:$0x17DA8] =	vst v63  }
0xf5: {  	_ =	swait.ge [sflag:s24], $0xF48  }
0xf6: {  	[sflag:s24] =	ssyncset.done $0x0  }
0xf7: {  	s5 =	rddreg [dreg:$0x6];
	[sflag:s24] =	ssyncadd.s32 $0xFFFFF0B8  }
0xf8: {  	[tilespmem:s18], [sflag:$0x6] =	stream.linear.gather [hbm4b:s5+s1], $0xF48, $0x38;
	[tilespmem:$0x17DA8] =	vst v63  }
0xf9: {  	_ =	swait.ge [sflag:s25], $0xF48  }
0xfa: {  	[sflag:s25] =	ssyncset.done $0x0  }
0xfb: {  	s4 =	rddreg [dreg:$0x15];
	[sflag:s25] =	ssyncadd.s32 $0xFFFFF0B8  }
0xfc: {  	[spmem:s4] =	stream.linear.scatter [tilespmem:s22], [sflag:$0x5], $0xF48, $0x38;
	[tilespmem:$0x17DA8] =	vst v63  }
0xfd: {  	_ =	swait.ge [sflag:s17], $0xF48  }
0xfe: {  	[sflag:s17] =	ssyncset.done $0x0  }
0xff: {  	s5 =	rddreg [dreg:$0x7];
	[sflag:s17] =	ssyncadd.s32 $0xFFFFF0B8  }
0x100: {  	[tilespmem:s22], [sflag:$0x7] =	stream.linear.gather [hbm4b:s5+s1], $0xF48, $0x38;
	[tilespmem:$0x17DA8] =	vst v63  }
0x101: {  	_ =	swait.ge [sflag:s23], $0xF48  }
0x102: {  	[sflag:s23] =	ssyncset.done $0x0  }
0x103: {  	s4 =	rddreg [dreg:$0x16];
	[sflag:s23] =	ssyncadd.s32 $0xFFFFF0B8  }
0x104: {  	[spmem:s4] =	stream.linear.scatter [tilespmem:s18], [sflag:$0x8], $0xF48, $0x38;
	[tilespmem:$0x17DA8] =	vst v63  }
0x105: {  	_ =	swait.ge [sflag:s24], $0xF48  }
0x106: {  	[sflag:s24] =	ssyncset.done $0x0  }
0x107: {  	s5 =	rddreg [dreg:$0x8];
	[sflag:s24] =	ssyncadd.s32 $0xFFFFF0B8  }
0x108: {  	[tilespmem:s18], [sflag:$0x6] =	stream.linear.gather [hbm4b:s5+s1], $0xF48, $0x38;
	[tilespmem:$0x17DA8] =	vst v63  }
0x109: {  	_ =	swait.ge [sflag:s25], $0xF48  }
0x10a: {  	[sflag:s25] =	ssyncset.done $0x0  }
0x10b: {  	s4 =	rddreg [dreg:$0x17];
	[sflag:s25] =	ssyncadd.s32 $0xFFFFF0B8  }
0x10c: {  	[spmem:s4] =	stream.linear.scatter [tilespmem:s22], [sflag:$0x5], $0xF48, $0x38;
	[tilespmem:$0x17DA8] =	vst v63  }
0x10d: {  	_ =	swait.ge [sflag:s17], $0xF48  }
0x10e: {  	[sflag:s17] =	ssyncset.done $0x0  }
0x10f: {  	s5 =	rddreg [dreg:$0x9];
	[sflag:s17] =	ssyncadd.s32 $0xFFFFF0B8  }
0x110: {  	[tilespmem:s22], [sflag:$0x7] =	stream.linear.gather [hbm4b:s5+s1], $0xF48, $0x38;
	[tilespmem:$0x17DA8] =	vst v63  }
0x111: {  	_ =	swait.ge [sflag:s23], $0xF48  }
0x112: {  	[sflag:s23] =	ssyncset.done $0x0  }
0x113: {  	s4 =	rddreg [dreg:$0x18];
	[sflag:s23] =	ssyncadd.s32 $0xFFFFF0B8  }
0x114: {  	[spmem:s4] =	stream.linear.scatter [tilespmem:s18], [sflag:$0x8], $0xF48, $0x38;
	[tilespmem:$0x17DA8] =	vst v63  }
0x115: {  	_ =	swait.ge [sflag:s24], $0xF48  }
0x116: {  	[sflag:s24] =	ssyncset.done $0x0  }
0x117: {  	s5 =	rddreg [dreg:$0xa];
	[sflag:s24] =	ssyncadd.s32 $0xFFFFF0B8  }
0x118: {  	[tilespmem:s18], [sflag:$0x6] =	stream.linear.gather [hbm4b:s5+s1], $0xF48, $0x38;
	[tilespmem:$0x17DA8] =	vst v63  }
0x119: {  	_ =	swait.ge [sflag:s25], $0xF48  }
0x11a: {  	[sflag:s25] =	ssyncset.done $0x0  }
0x11b: {  	s4 =	rddreg [dreg:$0x19];
	[sflag:s25] =	ssyncadd.s32 $0xFFFFF0B8  }
0x11c: {  	[spmem:s4] =	stream.linear.scatter [tilespmem:s22], [sflag:$0x5], $0xF48, $0x38;
	[tilespmem:$0x17DA8] =	vst v63  }
0x11d: {  	_ =	swait.ge [sflag:s17], $0xF48  }
0x11e: {  	[sflag:s17] =	ssyncset.done $0x0  }
0x11f: {  	s5 =	rddreg [dreg:$0xb];
	[sflag:s17] =	ssyncadd.s32 $0xFFFFF0B8  }
0x120: {  	[tilespmem:s22], [sflag:$0x7] =	stream.linear.gather [hbm4b:s5+s1], $0xF48, $0x38;
	[tilespmem:$0x17DA8] =	vst v63  }
0x121: {  	_ =	swait.ge [sflag:s23], $0xF48  }
0x122: {  	[sflag:s23] =	ssyncset.done $0x0  }
0x123: {  	s4 =	rddreg [dreg:$0x1a];
	[sflag:s23] =	ssyncadd.s32 $0xFFFFF0B8  }
0x124: {  	[spmem:s4] =	stream.linear.scatter [tilespmem:s18], [sflag:$0x8], $0xF48, $0x38;
	[tilespmem:$0x17DA8] =	vst v63  }
0x125: {  	_ =	swait.ge [sflag:s24], $0xF48  }
0x126: {  	[sflag:s24] =	ssyncset.done $0x0  }
0x127: {  	s5 =	rddreg [dreg:$0xc];
	[sflag:s24] =	ssyncadd.s32 $0xFFFFF0B8  }
0x128: {  	[tilespmem:s18], [sflag:$0x6] =	stream.linear.gather [hbm4b:s5+s1], $0xF48, $0x38;
	[tilespmem:$0x17DA8] =	vst v63  }
0x129: {  	_ =	swait.ge [sflag:s25], $0xF48  }
0x12a: {  	[sflag:s25] =	ssyncset.done $0x0  }
0x12b: {  	s4 =	rddreg [dreg:$0x1b];
	[sflag:s25] =	ssyncadd.s32 $0xFFFFF0B8  }
0x12c: {  	[spmem:s4] =	stream.linear.scatter [tilespmem:s22], [sflag:$0x5], $0xF48, $0x38;
	[tilespmem:$0x17DA8] =	vst v63  }
0x12d: {  	_ =	swait.ge [sflag:s17], $0xF48  }
0x12e: {  	[sflag:s17] =	ssyncset.done $0x0  }
0x12f: {  	s5 =	rddreg [dreg:$0xd];
	[sflag:s17] =	ssyncadd.s32 $0xFFFFF0B8  }
0x130: {  	[tilespmem:s22], [sflag:$0x7] =	stream.linear.gather [hbm4b:s5+s1], $0xF48, $0x38;
	[tilespmem:$0x17DA8] =	vst v63  }
0x131: {  	_ =	swait.ge [sflag:s23], $0xF48  }
0x132: {  	[sflag:s23] =	ssyncset.done $0x0  }
0x133: {  	s4 =	rddreg [dreg:$0x1c];
	[sflag:s23] =	ssyncadd.s32 $0xFFFFF0B8  }
0x134: {  	[spmem:s4] =	stream.linear.scatter [tilespmem:s18], [sflag:$0x8], $0xF48, $0x38;
	[tilespmem:$0x17DA8] =	vst v63  }
0x135: {  	_ =	swait.ge [sflag:s24], $0xF48  }
0x136: {  	[sflag:s24] =	ssyncset.done $0x0  }
0x137: {  	s5 =	rddreg [dreg:$0xe];
	[sflag:s24] =	ssyncadd.s32 $0xFFFFF0B8  }
0x138: {  	[tilespmem:s18], [sflag:$0x6] =	stream.linear.gather [hbm4b:s5+s1], $0xF48, $0x38;
	[tilespmem:$0x17DA8] =	vst v63  }
0x139: {  	_ =	swait.ge [sflag:s25], $0xF48  }
0x13a: {  	[sflag:s25] =	ssyncset.done $0x0  }
0x13b: {  	s4 =	rddreg [dreg:$0x1d];
	[sflag:s25] =	ssyncadd.s32 $0xFFFFF0B8  }
0x13c: {  	[spmem:s4] =	stream.linear.scatter [tilespmem:s22], [sflag:$0x5], $0xF48, $0x38;
	[tilespmem:$0x17DA8] =	vst v63  }
0x13d: {  	_ =	swait.ge [sflag:s17], $0xF48  }
0x13e: {  	[sflag:s17] =	ssyncset.done $0x0  }
0x13f: {  	s5 =	rddreg [dreg:$0xf];
	[sflag:s17] =	ssyncadd.s32 $0xFFFFF0B8  }
0x140: {  	[tilespmem:s22], [sflag:$0x7] =	stream.linear.gather [hbm4b:s5+s1], $0xF48, $0x38;
	[tilespmem:$0x17DA8] =	vst v63  }
0x141: {  	_ =	swait.ge [sflag:s23], $0xF48  }
0x142: {  	[sflag:s23] =	ssyncset.done $0x0  }
0x143: {  	s4 =	rddreg [dreg:$0x1e];
	[sflag:s23] =	ssyncadd.s32 $0xFFFFF0B8  }
0x144: {  	[spmem:s4] =	stream.linear.scatter [tilespmem:s18], [sflag:$0x8], $0xF48, $0x38;
	[tilespmem:$0x17DA8] =	vst v63  }
0x145: {  	_ =	swait.ge [sflag:s24], $0xF48  }
0x146: {  	[sflag:s24] =	ssyncset.done $0x0  }
0x147: {  	s5 =	rddreg [dreg:$0x10];
	[sflag:s24] =	ssyncadd.s32 $0xFFFFF0B8  }
0x148: {  	[tilespmem:s18], [sflag:$0x6] =	stream.linear.gather [hbm4b:s5+s1], $0xF48, $0x38;
	[tilespmem:$0x17DA8] =	vst v63  }
0x149: {  	_ =	swait.ge [sflag:s25], $0xF48  }
0x14a: {  	[sflag:s25] =	ssyncset.done $0x0  }
0x14b: {  	s4 =	rddreg [dreg:$0x1f];
	[sflag:s25] =	ssyncadd.s32 $0xFFFFF0B8  }
0x14c: {  	[spmem:s4] =	stream.linear.scatter [tilespmem:s22], [sflag:$0x5], $0xF48, $0x38;
	[tilespmem:$0x17DA8] =	vst v63  }
0x14d: {  	_ =	swait.ge [sflag:s17], $0xF48  }
0x14e: {  	[sflag:s17] =	ssyncset.done $0x0  }
0x14f: {  	s5 =	rddreg [dreg:$0x11];
	[sflag:s17] =	ssyncadd.s32 $0xFFFFF0B8  }
0x150: {  	[tilespmem:s22], [sflag:$0x7] =	stream.linear.gather [hbm4b:s5+s1], $0xF48, $0x38;
	[tilespmem:$0x17DA8] =	vst v63  }
0x151: {  	_ =	swait.ge [sflag:s23], $0xF48  }
0x152: {  	s4 =	sld [smem:$0x7E2]  }
0x153: {  	[sflag:s23] =	ssyncset.done $0x0  }
0x154: {  	[sflag:s23] =	ssyncadd.s32 $0xFFFFF0B8  }
0x155: {  	[spmem:s4] =	stream.linear.scatter [tilespmem:s18], [sflag:$0x8], $0xF48, $0x38;
	[tilespmem:$0x17DA8] =	vst v63  }
0x156: {  	_ =	swait.ge [sflag:s24], $0xF48  }
0x157: {  	[sflag:s24] =	ssyncset.done $0x0  }
0x158: {  	s5 =	rddreg [dreg:$0x12];
	[sflag:s24] =	ssyncadd.s32 $0xFFFFF0B8  }
0x159: {  	[tilespmem:s18], [sflag:$0x6] =	stream.linear.gather [hbm4b:s5+s1], $0xF48, $0x38;
	[tilespmem:$0x17DA8] =	vst v63  }
0x15a: {  	_ =	swait.ge [sflag:s25], $0xF48  }
0x15b: {  	s4 =	sld [smem:$0x7E3]  }
0x15c: {  	[sflag:s25] =	ssyncset.done $0x0  }
0x15d: {  	[sflag:s25] =	ssyncadd.s32 $0xFFFFF0B8  }
0x15e: {  	[spmem:s4] =	stream.linear.scatter [tilespmem:s22], [sflag:$0x5], $0xF48, $0x38;
	[tilespmem:$0x17DA8] =	vst v63  }
0x15f: {  	_ =	swait.ge [sflag:s17], $0xF48  }
0x160: {  	[sflag:s17] =	ssyncset.done $0x0  }
0x161: {  	s5 =	rddreg [dreg:$0x13];
	[sflag:s17] =	ssyncadd.s32 $0xFFFFF0B8  }
0x162: {  	[tilespmem:s22], [sflag:$0x7] =	stream.linear.gather [hbm4b:s5+s1], $0xF48, $0x38;
	[tilespmem:$0x17DA8] =	vst v63  }
0x163: {  	_ =	swait.ge [sflag:s23], $0xF48  }
0x164: {  	s4 =	sld [smem:$0x7E4]  }
0x165: {  	[sflag:s23] =	ssyncset.done $0x0  }
0x166: {  	[sflag:s23] =	ssyncadd.s32 $0xFFFFF0B8  }
0x167: {  	[spmem:s4] =	stream.linear.scatter [tilespmem:s18], [sflag:$0x8], $0xF48, $0x38;
	[tilespmem:$0x17DA8] =	vst v63  }
0x168: {  	_ =	swait.ge [sflag:s25], $0xF48  }
0x169: {  	s5 =	sld [smem:$0x7E5]  }
0x16a: {  	[sflag:s25] =	ssyncset.done $0x0  }
0x16b: {  	[sflag:s25] =	ssyncadd.s32 $0xFFFFF0B8  }
0x16c: {  	[spmem:s5] =	stream.linear.scatter [tilespmem:s22], [sflag:$0x5], $0xF48, $0x38;
	[tilespmem:$0x17DA8] =	vst v63  }
0x16d: {  	_ =	swait.ge [sflag:s24], $0xF48  }
0x16e: {  	[sflag:s24] =	ssyncset.done $0x0  }
0x16f: {  	[sflag:s24] =	ssyncadd.s32 $0xFFFFF0B8  }
0x170: {  	_ =	swait.ge [sflag:s17], $0xF48  }
0x171: {  	[sflag:s17] =	ssyncset.done $0x0  }
0x172: {  	[sflag:s17] =	ssyncadd.s32 $0xFFFFF0B8  }
.LBB2_4:
0x173: {  	[bflag:$0x0] =	sbarrier.arrive $0xFFFF;
	s3 =	simm.s32 $0x0  }
0x174: {  	[tilespmem:s28], [sflag:$0x1] =	stream.indirect.gather [spmem:s19], $0x1, s3, s26, $0xb8;
	[tilespmem:$0x17DA8] =	vst v63  }
0x175: {  	s4 =	simm.s32 $0x4100  }
0x176: {  	[tilespmem:s4], [sflag:$0x2] =	stream.indirect.gather [spmem:s19], $0x1, s26, s26, $0xb8;
	[tilespmem:$0x17DA8] =	vst v63  }
0x177: {  	s5 =	simm.s32 $0x4E00;
	s4 =	simm.s32 $0x1A00  }
0x178: {  	[tilespmem:s5], [sflag:$0x3] =	stream.indirect.gather [spmem:s19], $0x1, s4, s26, $0xb8;
	[tilespmem:$0x17DA8] =	vst v63  }
0x179: {  	v27 =	vadd.s32 s3, v0;
	s4 =	simm.s32 $0x2700;
	s5 =	simm.s32 $0x5B00  }
0x17a: {  	[tilespmem:s5], [sflag:$0x4] =	stream.indirect.gather [spmem:s19], $0x1, s4, s26, $0xb8;
	[tilespmem:$0x17DA8] =	vst v63  }
0x17b: {  	v28 =	vadd.s32 s3, v1;
	v26 =	vld [tilespmem:$0x6A00];
	_ =	swait.ge [sflag:s30], $0xD00  }
0x17c: {  	[sflag:s30] =	ssyncset.done $0x0  }
0x17d: {  	v29 =	vadd.s32 s3, v2;
	[sflag:s30] =	ssyncadd.s32 $0xFFFFF300  }
0x17e: {  	v27 =	vld.idx.msk [tilespmem:v27+s28+$0x0], $0xffff  }
0x17f: {  	v30 =	vadd.s32 s3, v3  }
0x180: {  	v28 =	vld.idx.msk [tilespmem:v28+s28+$0x0], $0xffff  }
0x181: {  	v31 =	vadd.s32 s3, v4  }
0x182: {  	v29 =	vld.idx.msk [tilespmem:v29+s28+$0x0], $0xffff  }
0x183: {  	v32 =	vadd.s32 s3, v5;
	v27 =	vadd.f32 v27, v26  }
0x184: {  	v30 =	vld.idx.msk [tilespmem:v30+s28+$0x0], $0xffff  }
0x185: {  	v33 =	vadd.s32 s3, v6;
	v27 =	vadd.f32 v28, v27  }
0x186: {  	v28 =	vld.idx.msk [tilespmem:v31+s28+$0x0], $0xffff  }
0x187: {  	v31 =	vadd.s32 s3, v7;
	v27 =	vadd.f32 v29, v27  }
0x188: {  	v29 =	vld.idx.msk [tilespmem:v32+s28+$0x0], $0xffff  }
0x189: {  	v38 =	vadd.s32 s3, v8;
	v27 =	vadd.f32 v30, v27  }
0x18a: {  	v30 =	vld.idx.msk [tilespmem:v33+s28+$0x0], $0xffff  }
0x18b: {  	v39 =	vadd.s32 s3, v9;
	v27 =	vadd.f32 v28, v27  }
0x18c: {  	v28 =	vld.idx.msk [tilespmem:v31+s28+$0x0], $0xffff  }
0x18d: {  	v31 =	vadd.s32 s3, v10;
	v27 =	vadd.f32 v29, v27  }
0x18e: {  	v29 =	vld.idx.msk [tilespmem:v38+s28+$0x0], $0xffff  }
0x18f: {  	v40 =	vadd.s32 s3, v11;
	v27 =	vadd.f32 v30, v27  }
0x190: {  	v30 =	vld.idx.msk [tilespmem:v39+s28+$0x0], $0xffff  }
0x191: {  	v41 =	vadd.s32 s3, v12;
	v27 =	vadd.f32 v28, v27  }
0x192: {  	v28 =	vld.idx.msk [tilespmem:v31+s28+$0x0], $0xffff  }
0x193: {  	v31 =	vadd.s32 s3, v13;
	v27 =	vadd.f32 v29, v27  }
0x194: {  	v29 =	vld.idx.msk [tilespmem:v40+s28+$0x0], $0xffff  }
0x195: {  	v42 =	vadd.s32 s3, v14;
	v27 =	vadd.f32 v30, v27  }
0x196: {  	v30 =	vld.idx.msk [tilespmem:v41+s28+$0x0], $0xffff  }
0x197: {  	v43 =	vadd.s32 s3, v15;
	v27 =	vadd.f32 v28, v27  }
0x198: {  	v28 =	vld.idx.msk [tilespmem:v31+s28+$0x0], $0xffff  }
0x199: {  	v31 =	vadd.s32 s3, v16;
	v27 =	vadd.f32 v29, v27  }
0x19a: {  	v29 =	vld.idx.msk [tilespmem:v42+s28+$0x0], $0xffff  }
0x19b: {  	v44 =	vadd.s32 s3, v17;
	v27 =	vadd.f32 v30, v27  }
0x19c: {  	v30 =	vld.idx.msk [tilespmem:v43+s28+$0x0], $0xffff  }
0x19d: {  	v45 =	vadd.s32 s3, v18;
	v27 =	vadd.f32 v28, v27  }
0x19e: {  	v28 =	vld.idx.msk [tilespmem:v31+s28+$0x0], $0xffff  }
0x19f: {  	v31 =	vadd.s32 s3, v19;
	v27 =	vadd.f32 v29, v27  }
0x1a0: {  	v29 =	vld.idx.msk [tilespmem:v44+s28+$0x0], $0xffff  }
0x1a1: {  	v46 =	vadd.s32 s3, v20;
	v27 =	vadd.f32 v30, v27  }
0x1a2: {  	v30 =	vld.idx.msk [tilespmem:v45+s28+$0x0], $0xffff  }
0x1a3: {  	v47 =	vadd.s32 s3, v21;
	v27 =	vadd.f32 v28, v27  }
0x1a4: {  	v28 =	vld.idx.msk [tilespmem:v31+s28+$0x0], $0xffff  }
0x1a5: {  	v31 =	vadd.s32 s3, v22;
	v27 =	vadd.f32 v29, v27  }
0x1a6: {  	v29 =	vld.idx.msk [tilespmem:v46+s28+$0x0], $0xffff  }
0x1a7: {  	v48 =	vadd.s32 s3, v23;
	v27 =	vadd.f32 v30, v27  }
0x1a8: {  	v30 =	vld.idx.msk [tilespmem:v47+s28+$0x0], $0xffff  }
0x1a9: {  	v49 =	vadd.s32 s3, v24;
	v27 =	vadd.f32 v28, v27  }
0x1aa: {  	v28 =	vld.idx.msk [tilespmem:v31+s28+$0x0], $0xffff  }
0x1ab: {  	v31 =	vadd.s32 s3, v25;
	v27 =	vadd.f32 v29, v27  }
0x1ac: {  	v29 =	vld.idx.msk [tilespmem:v48+s28+$0x0], $0xffff  }
0x1ad: {  	v27 =	vadd.f32 v30, v27  }
0x1ae: {  	v30 =	vld.idx.msk [tilespmem:v49+s28+$0x0], $0xffff  }
0x1af: {  	v27 =	vadd.f32 v28, v27  }
0x1b0: {  	v28 =	vld.idx.msk [tilespmem:v31+s28+$0x0], $0xffff  }
0x1b1: {  	v27 =	vadd.f32 v29, v27  }
0x1b2: {  	s5 =	simm.s32 $0x1A0  }
0x1b3: {  	v29 =	vadd.s32 s5, v0;
	v27 =	vadd.f32 v30, v27;
	_ =	sdelay $0x1  }
0x1b4: {  	v30 =	vadd.s32 s5, v1;
	v27 =	vadd.f32 v28, v27  }
0x1b5: {  	s3 =	simm.s32 $0x6800  }
0x1b6: {  	v28 =	vadd.s32 s5, v2;
	[tilespmem:s3+$0x0] =	vst v27  }
0x1b7: {  	v27 =	vld.idx.msk [tilespmem:v29+s28+$0x0], $0xffff  }
0x1b8: {  	v29 =	vadd.s32 s5, v3  }
0x1b9: {  	v30 =	vld.idx.msk [tilespmem:v30+s28+$0x0], $0xffff  }
0x1ba: {  	v31 =	vadd.s32 s5, v4  }
0x1bb: {  	v28 =	vld.idx.msk [tilespmem:v28+s28+$0x0], $0xffff  }
0x1bc: {  	v50 =	vadd.s32 s5, v5;
	v27 =	vadd.f32 v27, v26  }
0x1bd: {  	v29 =	vld.idx.msk [tilespmem:v29+s28+$0x0], $0xffff  }
0x1be: {  	v51 =	vadd.s32 s5, v6;
	v27 =	vadd.f32 v30, v27  }
0x1bf: {  	v30 =	vld.idx.msk [tilespmem:v31+s28+$0x0], $0xffff  }
0x1c0: {  	v31 =	vadd.s32 s5, v7;
	v27 =	vadd.f32 v28, v27  }
0x1c1: {  	v28 =	vld.idx.msk [tilespmem:v50+s28+$0x0], $0xffff  }
0x1c2: {  	v52 =	vadd.s32 s5, v8;
	v27 =	vadd.f32 v29, v27  }
0x1c3: {  	v29 =	vld.idx.msk [tilespmem:v51+s28+$0x0], $0xffff  }
0x1c4: {  	v53 =	vadd.s32 s5, v9;
	v27 =	vadd.f32 v30, v27  }
0x1c5: {  	v30 =	vld.idx.msk [tilespmem:v31+s28+$0x0], $0xffff  }
0x1c6: {  	v31 =	vadd.s32 s5, v10;
	v27 =	vadd.f32 v28, v27  }
0x1c7: {  	v28 =	vld.idx.msk [tilespmem:v52+s28+$0x0], $0xffff  }
0x1c8: {  	v54 =	vadd.s32 s5, v11;
	v27 =	vadd.f32 v29, v27  }
0x1c9: {  	v29 =	vld.idx.msk [tilespmem:v53+s28+$0x0], $0xffff  }
0x1ca: {  	v55 =	vadd.s32 s5, v12;
	v27 =	vadd.f32 v30, v27  }
0x1cb: {  	v30 =	vld.idx.msk [tilespmem:v31+s28+$0x0], $0xffff  }
0x1cc: {  	v31 =	vadd.s32 s5, v13;
	v27 =	vadd.f32 v28, v27  }
0x1cd: {  	v28 =	vld.idx.msk [tilespmem:v54+s28+$0x0], $0xffff  }
0x1ce: {  	v56 =	vadd.s32 s5, v14;
	v27 =	vadd.f32 v29, v27  }
0x1cf: {  	v29 =	vld.idx.msk [tilespmem:v55+s28+$0x0], $0xffff  }
0x1d0: {  	v57 =	vadd.s32 s5, v15;
	v27 =	vadd.f32 v30, v27  }
0x1d1: {  	v30 =	vld.idx.msk [tilespmem:v31+s28+$0x0], $0xffff  }
0x1d2: {  	v31 =	vadd.s32 s5, v16;
	v27 =	vadd.f32 v28, v27  }
0x1d3: {  	v28 =	vld.idx.msk [tilespmem:v56+s28+$0x0], $0xffff  }
0x1d4: {  	v58 =	vadd.s32 s5, v17;
	v27 =	vadd.f32 v29, v27  }
0x1d5: {  	v29 =	vld.idx.msk [tilespmem:v57+s28+$0x0], $0xffff  }
0x1d6: {  	v59 =	vadd.s32 s5, v18;
	v27 =	vadd.f32 v30, v27  }
0x1d7: {  	v30 =	vld.idx.msk [tilespmem:v31+s28+$0x0], $0xffff  }
0x1d8: {  	v31 =	vadd.s32 s5, v19;
	v27 =	vadd.f32 v28, v27  }
0x1d9: {  	v28 =	vld.idx.msk [tilespmem:v58+s28+$0x0], $0xffff  }
0x1da: {  	v60 =	vadd.s32 s5, v20;
	v27 =	vadd.f32 v29, v27  }
0x1db: {  	v29 =	vld.idx.msk [tilespmem:v59+s28+$0x0], $0xffff  }
0x1dc: {  	v61 =	vadd.s32 s5, v21;
	v27 =	vadd.f32 v30, v27  }
0x1dd: {  	v30 =	vld.idx.msk [tilespmem:v31+s28+$0x0], $0xffff  }
0x1de: {  	v27 =	vadd.f32 v28, v27  }
0x1df: {  	v31 =	vadd.s32 s5, v22;
	v28 =	vld.idx.msk [tilespmem:v60+s28+$0x0], $0xffff  }
0x1e0: {  	v27 =	vadd.f32 v29, v27  }
0x1e1: {  	v62 =	vadd.s32 s5, v23;
	v29 =	vld.idx.msk [tilespmem:v61+s28+$0x0], $0xffff  }
0x1e2: {  	v27 =	vadd.f32 v30, v27;
	_ =	sdelay $0x1  }
0x1e3: {  	v63 =	vadd.s32 s5, v24;
	v30 =	vld.idx.msk [tilespmem:v31+s28+$0x0], $0xffff;
	v27 =	vadd.f32 v28, v27;
	_ =	sdelay $0x1  }
0x1e4: {  	v28 =	vld.idx.msk [tilespmem:v62+s28+$0x0], $0xffff;
	v27 =	vadd.f32 v29, v27;
	v29 =	vadd.s32 s5, v25;
	_ =	sdelay $0x2  }
0x1e5: {  	v31 =	vld.idx.msk [tilespmem:v63+s28+$0x0], $0xffff;
	v27 =	vadd.f32 v30, v27;
	_ =	sdelay $0x1  }
0x1e6: {  	v30 =	vadd.f32 v28, v27;
	v28 =	vld.idx.msk [tilespmem:v29+s28+$0x0], $0xffff;
	_ =	sdelay $0x1  }
0x1e7: {  	s4 =	simm.s32 $0x340  }
0x1e8: {  	s5 =	simm.s32 $0x4E0;
	v27 =	vadd.s32 s4, v0;
	v29 =	vadd.f32 v31, v30  }
.LBB2_5:
0x1e9: {  	p1 =	sne.s32 s5, $0xB60  }
0x1ea: {  	v30 =	vadd.s32 s4, v1;
	v28 =	vadd.f32 v28, v29  }
0x1eb: {  	s3 =	sadd.s32 $0x10, s3  }
0x1ec: {  	v29 =	vadd.s32 s4, v2;
	[tilespmem:s3+$0x0] =	vst v28  }
0x1ed: {  	v27 =	vld.idx.msk [tilespmem:v27+s28+$0x0], $0xffff  }
0x1ee: {  	v28 =	vadd.s32 s4, v3  }
0x1ef: {  	v30 =	vld.idx.msk [tilespmem:v30+s28+$0x0], $0xffff  }
0x1f0: {  	v31 =	vadd.s32 s4, v4  }
0x1f1: {  	v29 =	vld.idx.msk [tilespmem:v29+s28+$0x0], $0xffff  }
0x1f2: {  	v32 =	vadd.s32 s4, v5  }
0x1f3: {  	v27 =	vadd.f32 v27, v26;
	v28 =	vld.idx.msk [tilespmem:v28+s28+$0x0], $0xffff  }
0x1f4: {  	v33 =	vadd.s32 s4, v6  }
0x1f5: {  	v27 =	vadd.f32 v30, v27;
	v30 =	vld.idx.msk [tilespmem:v31+s28+$0x0], $0xffff  }
0x1f6: {  	v31 =	vadd.s32 s4, v7  }
0x1f7: {  	v27 =	vadd.f32 v29, v27;
	v29 =	vld.idx.msk [tilespmem:v32+s28+$0x0], $0xffff  }
0x1f8: {  	v32 =	vadd.s32 s4, v8  }
0x1f9: {  	v27 =	vadd.f32 v28, v27;
	v28 =	vld.idx.msk [tilespmem:v33+s28+$0x0], $0xffff  }
0x1fa: {  	v33 =	vadd.s32 s4, v9  }
0x1fb: {  	v27 =	vadd.f32 v30, v27;
	v30 =	vld.idx.msk [tilespmem:v31+s28+$0x0], $0xffff  }
0x1fc: {  	v31 =	vadd.s32 s4, v10  }
0x1fd: {  	v27 =	vadd.f32 v29, v27;
	v29 =	vld.idx.msk [tilespmem:v32+s28+$0x0], $0xffff  }
0x1fe: {  	v32 =	vadd.s32 s4, v11  }
0x1ff: {  	v27 =	vadd.f32 v28, v27;
	v28 =	vld.idx.msk [tilespmem:v33+s28+$0x0], $0xffff  }
0x200: {  	v33 =	vadd.s32 s4, v12  }
0x201: {  	v27 =	vadd.f32 v30, v27;
	v30 =	vld.idx.msk [tilespmem:v31+s28+$0x0], $0xffff  }
0x202: {  	v31 =	vadd.s32 s4, v13  }
0x203: {  	v27 =	vadd.f32 v29, v27;
	v29 =	vld.idx.msk [tilespmem:v32+s28+$0x0], $0xffff  }
0x204: {  	v32 =	vadd.s32 s4, v14  }
0x205: {  	v27 =	vadd.f32 v28, v27;
	v28 =	vld.idx.msk [tilespmem:v33+s28+$0x0], $0xffff  }
0x206: {  	v33 =	vadd.s32 s4, v15  }
0x207: {  	v27 =	vadd.f32 v30, v27;
	v30 =	vld.idx.msk [tilespmem:v31+s28+$0x0], $0xffff  }
0x208: {  	v31 =	vadd.s32 s4, v16  }
0x209: {  	v27 =	vadd.f32 v29, v27;
	v29 =	vld.idx.msk [tilespmem:v32+s28+$0x0], $0xffff  }
0x20a: {  	v32 =	vadd.s32 s4, v17  }
0x20b: {  	v27 =	vadd.f32 v28, v27;
	v28 =	vld.idx.msk [tilespmem:v33+s28+$0x0], $0xffff  }
0x20c: {  	v33 =	vadd.s32 s4, v18  }
0x20d: {  	v27 =	vadd.f32 v30, v27;
	v30 =	vld.idx.msk [tilespmem:v31+s28+$0x0], $0xffff  }
0x20e: {  	v31 =	vadd.s32 s4, v19  }
0x20f: {  	v27 =	vadd.f32 v29, v27;
	v29 =	vld.idx.msk [tilespmem:v32+s28+$0x0], $0xffff  }
0x210: {  	v32 =	vadd.s32 s4, v20  }
0x211: {  	v27 =	vadd.f32 v28, v27;
	v28 =	vld.idx.msk [tilespmem:v33+s28+$0x0], $0xffff  }
0x212: {  	v33 =	vadd.s32 s4, v21  }
0x213: {  	v27 =	vadd.f32 v30, v27;
	v30 =	vld.idx.msk [tilespmem:v31+s28+$0x0], $0xffff  }
0x214: {  	v31 =	vadd.s32 s4, v22  }
0x215: {  	v27 =	vadd.f32 v29, v27;
	v29 =	vld.idx.msk [tilespmem:v32+s28+$0x0], $0xffff  }
0x216: {  	v32 =	vadd.s32 s4, v23  }
0x217: {  	v27 =	vadd.f32 v28, v27;
	v28 =	vld.idx.msk [tilespmem:v33+s28+$0x0], $0xffff  }
0x218: {  	v33 =	vadd.s32 s4, v24  }
0x219: {  	v27 =	vadd.f32 v30, v27;
	v30 =	vld.idx.msk [tilespmem:v31+s28+$0x0], $0xffff  }
0x21a: {  	v31 =	vadd.s32 s4, v25;
	s4 =	smov.u32 s5  }
0x21b: {  	v27 =	vadd.f32 v29, v27;
	v29 =	vld.idx.msk [tilespmem:v32+s28+$0x0], $0xffff;
	_ =	sdelay $0x1  }
0x21c: {  	v27 =	vadd.f32 v28, v27;
	v32 =	vld.idx.msk [tilespmem:v33+s28+$0x0], $0xffff;
	_ =	sdelay $0x1  }
.Ltmp2:
0x21d: {  	v27 =	vadd.f32 v30, v27;
	v28 =	vld.idx.msk [tilespmem:v31+s28+$0x0], $0xffff;
	(pc) =	sbr.rel @p1 .LBB2_5-.Ltmp2, $3  }
0x21e: {  	_ = 	snop  }
0x21f: {  	v29 =	vadd.f32 v29, v27;
	_ =	sdelay $0x1  }
0x220: {  	s5 =	sadd.s32 $0x1A0, s5;
	v27 =	vadd.s32 s4, v0;
	v29 =	vadd.f32 v32, v29  }
0x221: {  	_ = 	snop  }
0x222: {  	v30 =	vadd.s32 s4, v1;
	v28 =	vadd.f32 v28, v29  }
0x223: {  	s3 =	sadd.s32 $0x10, s3  }
0x224: {  	v29 =	vadd.s32 s4, v2;
	[tilespmem:s3+$0x0] =	vst v28  }
0x225: {  	v27 =	vld.idx.msk [tilespmem:v27+s28+$0x0], $0xffff  }
0x226: {  	v28 =	vadd.s32 s4, v3  }
0x227: {  	v30 =	vld.idx.msk [tilespmem:v30+s28+$0x0], $0xffff  }
0x228: {  	v31 =	vadd.s32 s4, v4  }
0x229: {  	v29 =	vld.idx.msk [tilespmem:v29+s28+$0x0], $0xffff  }
0x22a: {  	v32 =	vadd.s32 s4, v5;
	v27 =	vadd.f32 v27, v26  }
0x22b: {  	v28 =	vld.idx.msk [tilespmem:v28+s28+$0x0], $0xffff  }
0x22c: {  	v33 =	vadd.s32 s4, v6;
	v27 =	vadd.f32 v30, v27  }
0x22d: {  	v30 =	vld.idx.msk [tilespmem:v31+s28+$0x0], $0xffff  }
0x22e: {  	v31 =	vadd.s32 s4, v7;
	v27 =	vadd.f32 v29, v27  }
0x22f: {  	v29 =	vld.idx.msk [tilespmem:v32+s28+$0x0], $0xffff  }
0x230: {  	v52 =	vadd.s32 s4, v8;
	v27 =	vadd.f32 v28, v27  }
0x231: {  	v28 =	vld.idx.msk [tilespmem:v33+s28+$0x0], $0xffff  }
0x232: {  	v53 =	vadd.s32 s4, v9;
	v27 =	vadd.f32 v30, v27  }
0x233: {  	v30 =	vld.idx.msk [tilespmem:v31+s28+$0x0], $0xffff  }
0x234: {  	v31 =	vadd.s32 s4, v10;
	v27 =	vadd.f32 v29, v27  }
0x235: {  	v29 =	vld.idx.msk [tilespmem:v52+s28+$0x0], $0xffff  }
0x236: {  	v54 =	vadd.s32 s4, v11;
	v27 =	vadd.f32 v28, v27  }
0x237: {  	v28 =	vld.idx.msk [tilespmem:v53+s28+$0x0], $0xffff  }
0x238: {  	v55 =	vadd.s32 s4, v12;
	v27 =	vadd.f32 v30, v27  }
0x239: {  	v30 =	vld.idx.msk [tilespmem:v31+s28+$0x0], $0xffff  }
0x23a: {  	v31 =	vadd.s32 s4, v13;
	v27 =	vadd.f32 v29, v27  }
0x23b: {  	v29 =	vld.idx.msk [tilespmem:v54+s28+$0x0], $0xffff  }
0x23c: {  	v56 =	vadd.s32 s4, v14;
	v27 =	vadd.f32 v28, v27  }
0x23d: {  	v28 =	vld.idx.msk [tilespmem:v55+s28+$0x0], $0xffff  }
0x23e: {  	v57 =	vadd.s32 s4, v15;
	v27 =	vadd.f32 v30, v27  }
0x23f: {  	v30 =	vld.idx.msk [tilespmem:v31+s28+$0x0], $0xffff  }
0x240: {  	v31 =	vadd.s32 s4, v16;
	v27 =	vadd.f32 v29, v27  }
0x241: {  	v29 =	vld.idx.msk [tilespmem:v56+s28+$0x0], $0xffff  }
0x242: {  	v58 =	vadd.s32 s4, v17;
	v27 =	vadd.f32 v28, v27  }
0x243: {  	v28 =	vld.idx.msk [tilespmem:v57+s28+$0x0], $0xffff  }
0x244: {  	v59 =	vadd.s32 s4, v18;
	v27 =	vadd.f32 v30, v27  }
0x245: {  	v30 =	vld.idx.msk [tilespmem:v31+s28+$0x0], $0xffff  }
0x246: {  	v31 =	vadd.s32 s4, v19;
	v27 =	vadd.f32 v29, v27  }
0x247: {  	v29 =	vld.idx.msk [tilespmem:v58+s28+$0x0], $0xffff  }
0x248: {  	v60 =	vadd.s32 s4, v20;
	v27 =	vadd.f32 v28, v27  }
0x249: {  	v28 =	vld.idx.msk [tilespmem:v59+s28+$0x0], $0xffff  }
0x24a: {  	v61 =	vadd.s32 s4, v21;
	v27 =	vadd.f32 v30, v27  }
0x24b: {  	v30 =	vld.idx.msk [tilespmem:v31+s28+$0x0], $0xffff  }
0x24c: {  	v31 =	vadd.s32 s4, v22;
	v27 =	vadd.f32 v29, v27  }
0x24d: {  	v29 =	vld.idx.msk [tilespmem:v60+s28+$0x0], $0xffff  }
0x24e: {  	v62 =	vadd.s32 s4, v23;
	v27 =	vadd.f32 v28, v27  }
0x24f: {  	v28 =	vld.idx.msk [tilespmem:v61+s28+$0x0], $0xffff  }
0x250: {  	v63 =	vadd.s32 s4, v24;
	v27 =	vadd.f32 v30, v27  }
0x251: {  	v30 =	vld.idx.msk [tilespmem:v31+s28+$0x0], $0xffff  }
0x252: {  	v31 =	vadd.s32 s4, v25;
	v27 =	vadd.f32 v29, v27  }
0x253: {  	v29 =	vld.idx.msk [tilespmem:v62+s28+$0x0], $0xffff  }
0x254: {  	v27 =	vadd.f32 v28, v27  }
0x255: {  	v28 =	vld.idx.msk [tilespmem:v63+s28+$0x0], $0xffff  }
0x256: {  	v27 =	vadd.f32 v30, v27  }
0x257: {  	v30 =	vld.idx.msk [tilespmem:v31+s28+$0x0], $0xffff  }
0x258: {  	v27 =	vadd.f32 v29, v27;
	_ =	sdelay $0x1  }
0x259: {  	v27 =	vadd.f32 v28, v27;
	_ =	sdelay $0x1  }
0x25a: {  	s5 =	simm.s32 $0xD00;
	v27 =	vadd.f32 v30, v27  }
0x25b: {  	s3 =	sadd.s32 $0x10, s3;
	v28 =	vadd.s32 s5, v0  }
0x25c: {  	[tilespmem:s3+$0x0] =	vst v27  }
0x25d: {  	v27 =	vadd.s32 s5, v1;
	_ =	swait.ge [sflag:s31], $0xD00  }
0x25e: {  	[sflag:s31] =	ssyncset.done $0x0  }
0x25f: {  	v29 =	vadd.s32 s5, v2;
	[sflag:s31] =	ssyncadd.s32 $0xFFFFF300  }
0x260: {  	v28 =	vld.idx.msk [tilespmem:v28+s28+$0x0], $0xffff  }
0x261: {  	v30 =	vadd.s32 s5, v3  }
0x262: {  	v27 =	vld.idx.msk [tilespmem:v27+s28+$0x0], $0xffff  }
0x263: {  	v31 =	vadd.s32 s5, v4  }
0x264: {  	v29 =	vld.idx.msk [tilespmem:v29+s28+$0x0], $0xffff  }
0x265: {  	v36 =	vadd.s32 s5, v5;
	v28 =	vadd.f32 v28, v26  }
0x266: {  	v30 =	vld.idx.msk [tilespmem:v30+s28+$0x0], $0xffff  }
0x267: {  	v37 =	vadd.s32 s5, v6;
	v27 =	vadd.f32 v27, v28  }
0x268: {  	v28 =	vld.idx.msk [tilespmem:v31+s28+$0x0], $0xffff  }
0x269: {  	v31 =	vadd.s32 s5, v7;
	v27 =	vadd.f32 v29, v27  }
0x26a: {  	v29 =	vld.idx.msk [tilespmem:v36+s28+$0x0], $0xffff  }
0x26b: {  	v38 =	vadd.s32 s5, v8;
	v27 =	vadd.f32 v30, v27  }
0x26c: {  	v30 =	vld.idx.msk [tilespmem:v37+s28+$0x0], $0xffff  }
0x26d: {  	v39 =	vadd.s32 s5, v9;
	v27 =	vadd.f32 v28, v27  }
0x26e: {  	v28 =	vld.idx.msk [tilespmem:v31+s28+$0x0], $0xffff  }
0x26f: {  	v31 =	vadd.s32 s5, v10;
	v27 =	vadd.f32 v29, v27  }
0x270: {  	v29 =	vld.idx.msk [tilespmem:v38+s28+$0x0], $0xffff  }
0x271: {  	v40 =	vadd.s32 s5, v11;
	v27 =	vadd.f32 v30, v27  }
0x272: {  	v30 =	vld.idx.msk [tilespmem:v39+s28+$0x0], $0xffff  }
0x273: {  	v41 =	vadd.s32 s5, v12;
	v27 =	vadd.f32 v28, v27  }
0x274: {  	v28 =	vld.idx.msk [tilespmem:v31+s28+$0x0], $0xffff  }
0x275: {  	v31 =	vadd.s32 s5, v13;
	v27 =	vadd.f32 v29, v27  }
0x276: {  	v29 =	vld.idx.msk [tilespmem:v40+s28+$0x0], $0xffff  }
0x277: {  	v42 =	vadd.s32 s5, v14;
	v27 =	vadd.f32 v30, v27  }
0x278: {  	v30 =	vld.idx.msk [tilespmem:v41+s28+$0x0], $0xffff  }
0x279: {  	v43 =	vadd.s32 s5, v15;
	v27 =	vadd.f32 v28, v27  }
0x27a: {  	v28 =	vld.idx.msk [tilespmem:v31+s28+$0x0], $0xffff  }
0x27b: {  	v31 =	vadd.s32 s5, v16;
	v27 =	vadd.f32 v29, v27  }
0x27c: {  	v29 =	vld.idx.msk [tilespmem:v42+s28+$0x0], $0xffff  }
0x27d: {  	v44 =	vadd.s32 s5, v17;
	v27 =	vadd.f32 v30, v27  }
0x27e: {  	v30 =	vld.idx.msk [tilespmem:v43+s28+$0x0], $0xffff  }
0x27f: {  	v45 =	vadd.s32 s5, v18;
	v27 =	vadd.f32 v28, v27  }
0x280: {  	v28 =	vld.idx.msk [tilespmem:v31+s28+$0x0], $0xffff  }
0x281: {  	v31 =	vadd.s32 s5, v19;
	v27 =	vadd.f32 v29, v27  }
0x282: {  	v29 =	vld.idx.msk [tilespmem:v44+s28+$0x0], $0xffff  }
0x283: {  	v46 =	vadd.s32 s5, v20;
	v27 =	vadd.f32 v30, v27  }
0x284: {  	v30 =	vld.idx.msk [tilespmem:v45+s28+$0x0], $0xffff  }
0x285: {  	v47 =	vadd.s32 s5, v21;
	v27 =	vadd.f32 v28, v27  }
0x286: {  	v28 =	vld.idx.msk [tilespmem:v31+s28+$0x0], $0xffff  }
0x287: {  	v31 =	vadd.s32 s5, v22;
	v27 =	vadd.f32 v29, v27  }
0x288: {  	v29 =	vld.idx.msk [tilespmem:v46+s28+$0x0], $0xffff  }
0x289: {  	v48 =	vadd.s32 s5, v23;
	v27 =	vadd.f32 v30, v27  }
0x28a: {  	v30 =	vld.idx.msk [tilespmem:v47+s28+$0x0], $0xffff  }
0x28b: {  	v49 =	vadd.s32 s5, v24;
	v27 =	vadd.f32 v28, v27  }
0x28c: {  	v28 =	vld.idx.msk [tilespmem:v31+s28+$0x0], $0xffff  }
0x28d: {  	v31 =	vadd.s32 s5, v25;
	v27 =	vadd.f32 v29, v27  }
0x28e: {  	v29 =	vld.idx.msk [tilespmem:v48+s28+$0x0], $0xffff  }
0x28f: {  	v27 =	vadd.f32 v30, v27  }
0x290: {  	v30 =	vld.idx.msk [tilespmem:v49+s28+$0x0], $0xffff  }
0x291: {  	v27 =	vadd.f32 v28, v27  }
0x292: {  	v28 =	vld.idx.msk [tilespmem:v31+s28+$0x0], $0xffff  }
0x293: {  	v27 =	vadd.f32 v29, v27  }
0x294: {  	s5 =	simm.s32 $0xEA0  }
0x295: {  	v29 =	vadd.s32 s5, v0;
	v27 =	vadd.f32 v30, v27;
	_ =	sdelay $0x1  }
0x296: {  	v30 =	vadd.s32 s5, v1;
	v27 =	vadd.f32 v28, v27  }
0x297: {  	s3 =	simm.s32 $0x6880  }
0x298: {  	v28 =	vadd.s32 s5, v2;
	[tilespmem:s3+$0x0] =	vst v27  }
0x299: {  	v27 =	vld.idx.msk [tilespmem:v29+s28+$0x0], $0xffff  }
0x29a: {  	v29 =	vadd.s32 s5, v3  }
0x29b: {  	v30 =	vld.idx.msk [tilespmem:v30+s28+$0x0], $0xffff  }
0x29c: {  	v31 =	vadd.s32 s5, v4  }
0x29d: {  	v28 =	vld.idx.msk [tilespmem:v28+s28+$0x0], $0xffff  }
0x29e: {  	v50 =	vadd.s32 s5, v5;
	v27 =	vadd.f32 v27, v26  }
0x29f: {  	v29 =	vld.idx.msk [tilespmem:v29+s28+$0x0], $0xffff  }
0x2a0: {  	v51 =	vadd.s32 s5, v6;
	v27 =	vadd.f32 v30, v27  }
0x2a1: {  	v30 =	vld.idx.msk [tilespmem:v31+s28+$0x0], $0xffff  }
0x2a2: {  	v31 =	vadd.s32 s5, v7;
	v27 =	vadd.f32 v28, v27  }
0x2a3: {  	v28 =	vld.idx.msk [tilespmem:v50+s28+$0x0], $0xffff  }
0x2a4: {  	v52 =	vadd.s32 s5, v8;
	v27 =	vadd.f32 v29, v27  }
0x2a5: {  	v29 =	vld.idx.msk [tilespmem:v51+s28+$0x0], $0xffff  }
0x2a6: {  	v53 =	vadd.s32 s5, v9;
	v27 =	vadd.f32 v30, v27  }
0x2a7: {  	v30 =	vld.idx.msk [tilespmem:v31+s28+$0x0], $0xffff  }
0x2a8: {  	v31 =	vadd.s32 s5, v10;
	v27 =	vadd.f32 v28, v27  }
0x2a9: {  	v28 =	vld.idx.msk [tilespmem:v52+s28+$0x0], $0xffff  }
0x2aa: {  	v54 =	vadd.s32 s5, v11;
	v27 =	vadd.f32 v29, v27  }
0x2ab: {  	v29 =	vld.idx.msk [tilespmem:v53+s28+$0x0], $0xffff  }
0x2ac: {  	v55 =	vadd.s32 s5, v12;
	v27 =	vadd.f32 v30, v27  }
0x2ad: {  	v30 =	vld.idx.msk [tilespmem:v31+s28+$0x0], $0xffff  }
0x2ae: {  	v31 =	vadd.s32 s5, v13;
	v27 =	vadd.f32 v28, v27  }
0x2af: {  	v28 =	vld.idx.msk [tilespmem:v54+s28+$0x0], $0xffff  }
0x2b0: {  	v56 =	vadd.s32 s5, v14;
	v27 =	vadd.f32 v29, v27  }
0x2b1: {  	v29 =	vld.idx.msk [tilespmem:v55+s28+$0x0], $0xffff  }
0x2b2: {  	v57 =	vadd.s32 s5, v15;
	v27 =	vadd.f32 v30, v27  }
0x2b3: {  	v30 =	vld.idx.msk [tilespmem:v31+s28+$0x0], $0xffff  }
0x2b4: {  	v31 =	vadd.s32 s5, v16;
	v27 =	vadd.f32 v28, v27  }
0x2b5: {  	v28 =	vld.idx.msk [tilespmem:v56+s28+$0x0], $0xffff  }
0x2b6: {  	v58 =	vadd.s32 s5, v17;
	v27 =	vadd.f32 v29, v27  }
0x2b7: {  	v29 =	vld.idx.msk [tilespmem:v57+s28+$0x0], $0xffff  }
0x2b8: {  	v59 =	vadd.s32 s5, v18;
	v27 =	vadd.f32 v30, v27  }
0x2b9: {  	v30 =	vld.idx.msk [tilespmem:v31+s28+$0x0], $0xffff  }
0x2ba: {  	v31 =	vadd.s32 s5, v19;
	v27 =	vadd.f32 v28, v27  }
0x2bb: {  	v28 =	vld.idx.msk [tilespmem:v58+s28+$0x0], $0xffff  }
0x2bc: {  	v60 =	vadd.s32 s5, v20;
	v27 =	vadd.f32 v29, v27  }
0x2bd: {  	v29 =	vld.idx.msk [tilespmem:v59+s28+$0x0], $0xffff  }
0x2be: {  	v61 =	vadd.s32 s5, v21;
	v27 =	vadd.f32 v30, v27  }
0x2bf: {  	v30 =	vld.idx.msk [tilespmem:v31+s28+$0x0], $0xffff  }
0x2c0: {  	v27 =	vadd.f32 v28, v27  }
0x2c1: {  	v31 =	vadd.s32 s5, v22;
	v28 =	vld.idx.msk [tilespmem:v60+s28+$0x0], $0xffff  }
0x2c2: {  	v27 =	vadd.f32 v29, v27  }
0x2c3: {  	v62 =	vadd.s32 s5, v23;
	v29 =	vld.idx.msk [tilespmem:v61+s28+$0x0], $0xffff  }
0x2c4: {  	v27 =	vadd.f32 v30, v27;
	_ =	sdelay $0x1  }
0x2c5: {  	v63 =	vadd.s32 s5, v24;
	v30 =	vld.idx.msk [tilespmem:v31+s28+$0x0], $0xffff;
	v27 =	vadd.f32 v28, v27;
	_ =	sdelay $0x1  }
0x2c6: {  	v28 =	vld.idx.msk [tilespmem:v62+s28+$0x0], $0xffff;
	v27 =	vadd.f32 v29, v27;
	v29 =	vadd.s32 s5, v25;
	_ =	sdelay $0x2  }
0x2c7: {  	v31 =	vld.idx.msk [tilespmem:v63+s28+$0x0], $0xffff;
	v27 =	vadd.f32 v30, v27;
	_ =	sdelay $0x1  }
0x2c8: {  	v30 =	vadd.f32 v28, v27;
	v28 =	vld.idx.msk [tilespmem:v29+s28+$0x0], $0xffff;
	_ =	sdelay $0x1  }
0x2c9: {  	s4 =	simm.s32 $0x1040  }
0x2ca: {  	s5 =	simm.s32 $0x11E0;
	v27 =	vadd.s32 s4, v0;
	v29 =	vadd.f32 v31, v30  }
.LBB2_7:
0x2cb: {  	p1 =	sne.s32 s5, $0x1860  }
0x2cc: {  	v30 =	vadd.s32 s4, v1;
	v28 =	vadd.f32 v28, v29  }
0x2cd: {  	s3 =	sadd.s32 $0x10, s3  }
0x2ce: {  	v29 =	vadd.s32 s4, v2;
	[tilespmem:s3+$0x0] =	vst v28  }
0x2cf: {  	v27 =	vld.idx.msk [tilespmem:v27+s28+$0x0], $0xffff  }
0x2d0: {  	v28 =	vadd.s32 s4, v3  }
0x2d1: {  	v30 =	vld.idx.msk [tilespmem:v30+s28+$0x0], $0xffff  }
0x2d2: {  	v31 =	vadd.s32 s4, v4  }
0x2d3: {  	v29 =	vld.idx.msk [tilespmem:v29+s28+$0x0], $0xffff  }
0x2d4: {  	v32 =	vadd.s32 s4, v5  }
0x2d5: {  	v27 =	vadd.f32 v27, v26;
	v28 =	vld.idx.msk [tilespmem:v28+s28+$0x0], $0xffff  }
0x2d6: {  	v33 =	vadd.s32 s4, v6  }
0x2d7: {  	v27 =	vadd.f32 v30, v27;
	v30 =	vld.idx.msk [tilespmem:v31+s28+$0x0], $0xffff  }
0x2d8: {  	v31 =	vadd.s32 s4, v7  }
0x2d9: {  	v27 =	vadd.f32 v29, v27;
	v29 =	vld.idx.msk [tilespmem:v32+s28+$0x0], $0xffff  }
0x2da: {  	v32 =	vadd.s32 s4, v8  }
0x2db: {  	v27 =	vadd.f32 v28, v27;
	v28 =	vld.idx.msk [tilespmem:v33+s28+$0x0], $0xffff  }
0x2dc: {  	v33 =	vadd.s32 s4, v9  }
0x2dd: {  	v27 =	vadd.f32 v30, v27;
	v30 =	vld.idx.msk [tilespmem:v31+s28+$0x0], $0xffff  }
0x2de: {  	v31 =	vadd.s32 s4, v10  }
0x2df: {  	v27 =	vadd.f32 v29, v27;
	v29 =	vld.idx.msk [tilespmem:v32+s28+$0x0], $0xffff  }
0x2e0: {  	v32 =	vadd.s32 s4, v11  }
0x2e1: {  	v27 =	vadd.f32 v28, v27;
	v28 =	vld.idx.msk [tilespmem:v33+s28+$0x0], $0xffff  }
0x2e2: {  	v33 =	vadd.s32 s4, v12  }
0x2e3: {  	v27 =	vadd.f32 v30, v27;
	v30 =	vld.idx.msk [tilespmem:v31+s28+$0x0], $0xffff  }
0x2e4: {  	v31 =	vadd.s32 s4, v13  }
0x2e5: {  	v27 =	vadd.f32 v29, v27;
	v29 =	vld.idx.msk [tilespmem:v32+s28+$0x0], $0xffff  }
0x2e6: {  	v32 =	vadd.s32 s4, v14  }
0x2e7: {  	v27 =	vadd.f32 v28, v27;
	v28 =	vld.idx.msk [tilespmem:v33+s28+$0x0], $0xffff  }
0x2e8: {  	v33 =	vadd.s32 s4, v15  }
0x2e9: {  	v27 =	vadd.f32 v30, v27;
	v30 =	vld.idx.msk [tilespmem:v31+s28+$0x0], $0xffff  }
0x2ea: {  	v31 =	vadd.s32 s4, v16  }
0x2eb: {  	v27 =	vadd.f32 v29, v27;
	v29 =	vld.idx.msk [tilespmem:v32+s28+$0x0], $0xffff  }
0x2ec: {  	v32 =	vadd.s32 s4, v17  }
0x2ed: {  	v27 =	vadd.f32 v28, v27;
	v28 =	vld.idx.msk [tilespmem:v33+s28+$0x0], $0xffff  }
0x2ee: {  	v33 =	vadd.s32 s4, v18  }
0x2ef: {  	v27 =	vadd.f32 v30, v27;
	v30 =	vld.idx.msk [tilespmem:v31+s28+$0x0], $0xffff  }
0x2f0: {  	v31 =	vadd.s32 s4, v19  }
0x2f1: {  	v27 =	vadd.f32 v29, v27;
	v29 =	vld.idx.msk [tilespmem:v32+s28+$0x0], $0xffff  }
0x2f2: {  	v32 =	vadd.s32 s4, v20  }
0x2f3: {  	v27 =	vadd.f32 v28, v27;
	v28 =	vld.idx.msk [tilespmem:v33+s28+$0x0], $0xffff  }
0x2f4: {  	v33 =	vadd.s32 s4, v21  }
0x2f5: {  	v27 =	vadd.f32 v30, v27;
	v30 =	vld.idx.msk [tilespmem:v31+s28+$0x0], $0xffff  }
0x2f6: {  	v31 =	vadd.s32 s4, v22  }
0x2f7: {  	v27 =	vadd.f32 v29, v27;
	v29 =	vld.idx.msk [tilespmem:v32+s28+$0x0], $0xffff  }
0x2f8: {  	v32 =	vadd.s32 s4, v23  }
0x2f9: {  	v27 =	vadd.f32 v28, v27;
	v28 =	vld.idx.msk [tilespmem:v33+s28+$0x0], $0xffff  }
0x2fa: {  	v33 =	vadd.s32 s4, v24  }
0x2fb: {  	v27 =	vadd.f32 v30, v27;
	v30 =	vld.idx.msk [tilespmem:v31+s28+$0x0], $0xffff  }
0x2fc: {  	v31 =	vadd.s32 s4, v25;
	s4 =	smov.u32 s5  }
0x2fd: {  	v27 =	vadd.f32 v29, v27;
	v29 =	vld.idx.msk [tilespmem:v32+s28+$0x0], $0xffff;
	_ =	sdelay $0x1  }
0x2fe: {  	v27 =	vadd.f32 v28, v27;
	v32 =	vld.idx.msk [tilespmem:v33+s28+$0x0], $0xffff;
	_ =	sdelay $0x1  }
.Ltmp3:
0x2ff: {  	v27 =	vadd.f32 v30, v27;
	v28 =	vld.idx.msk [tilespmem:v31+s28+$0x0], $0xffff;
	(pc) =	sbr.rel @p1 .LBB2_7-.Ltmp3, $3  }
0x300: {  	_ = 	snop  }
0x301: {  	v29 =	vadd.f32 v29, v27;
	_ =	sdelay $0x1  }
0x302: {  	s5 =	sadd.s32 $0x1A0, s5;
	v27 =	vadd.s32 s4, v0;
	v29 =	vadd.f32 v32, v29  }
0x303: {  	_ = 	snop  }
0x304: {  	v30 =	vadd.s32 s4, v1;
	v28 =	vadd.f32 v28, v29  }
0x305: {  	s3 =	sadd.s32 $0x10, s3  }
0x306: {  	v29 =	vadd.s32 s4, v2;
	[tilespmem:s3+$0x0] =	vst v28  }
0x307: {  	v27 =	vld.idx.msk [tilespmem:v27+s28+$0x0], $0xffff  }
0x308: {  	v28 =	vadd.s32 s4, v3  }
0x309: {  	v30 =	vld.idx.msk [tilespmem:v30+s28+$0x0], $0xffff  }
0x30a: {  	v31 =	vadd.s32 s4, v4  }
0x30b: {  	v29 =	vld.idx.msk [tilespmem:v29+s28+$0x0], $0xffff  }
0x30c: {  	v32 =	vadd.s32 s4, v5;
	v27 =	vadd.f32 v27, v26  }
0x30d: {  	v28 =	vld.idx.msk [tilespmem:v28+s28+$0x0], $0xffff  }
0x30e: {  	v33 =	vadd.s32 s4, v6;
	v27 =	vadd.f32 v30, v27  }
0x30f: {  	v30 =	vld.idx.msk [tilespmem:v31+s28+$0x0], $0xffff  }
0x310: {  	v31 =	vadd.s32 s4, v7;
	v27 =	vadd.f32 v29, v27  }
0x311: {  	v29 =	vld.idx.msk [tilespmem:v32+s28+$0x0], $0xffff  }
0x312: {  	v52 =	vadd.s32 s4, v8;
	v27 =	vadd.f32 v28, v27  }
0x313: {  	v28 =	vld.idx.msk [tilespmem:v33+s28+$0x0], $0xffff  }
0x314: {  	v53 =	vadd.s32 s4, v9;
	v27 =	vadd.f32 v30, v27  }
0x315: {  	v30 =	vld.idx.msk [tilespmem:v31+s28+$0x0], $0xffff  }
0x316: {  	v31 =	vadd.s32 s4, v10;
	v27 =	vadd.f32 v29, v27  }
0x317: {  	v29 =	vld.idx.msk [tilespmem:v52+s28+$0x0], $0xffff  }
0x318: {  	v54 =	vadd.s32 s4, v11;
	v27 =	vadd.f32 v28, v27  }
0x319: {  	v28 =	vld.idx.msk [tilespmem:v53+s28+$0x0], $0xffff  }
0x31a: {  	v55 =	vadd.s32 s4, v12;
	v27 =	vadd.f32 v30, v27  }
0x31b: {  	v30 =	vld.idx.msk [tilespmem:v31+s28+$0x0], $0xffff  }
0x31c: {  	v31 =	vadd.s32 s4, v13;
	v27 =	vadd.f32 v29, v27  }
0x31d: {  	v29 =	vld.idx.msk [tilespmem:v54+s28+$0x0], $0xffff  }
0x31e: {  	v56 =	vadd.s32 s4, v14;
	v27 =	vadd.f32 v28, v27  }
0x31f: {  	v28 =	vld.idx.msk [tilespmem:v55+s28+$0x0], $0xffff  }
0x320: {  	v57 =	vadd.s32 s4, v15;
	v27 =	vadd.f32 v30, v27  }
0x321: {  	v30 =	vld.idx.msk [tilespmem:v31+s28+$0x0], $0xffff  }
0x322: {  	v31 =	vadd.s32 s4, v16;
	v27 =	vadd.f32 v29, v27  }
0x323: {  	v29 =	vld.idx.msk [tilespmem:v56+s28+$0x0], $0xffff  }
0x324: {  	v58 =	vadd.s32 s4, v17;
	v27 =	vadd.f32 v28, v27  }
0x325: {  	v28 =	vld.idx.msk [tilespmem:v57+s28+$0x0], $0xffff  }
0x326: {  	v59 =	vadd.s32 s4, v18;
	v27 =	vadd.f32 v30, v27  }
0x327: {  	v30 =	vld.idx.msk [tilespmem:v31+s28+$0x0], $0xffff  }
0x328: {  	v31 =	vadd.s32 s4, v19;
	v27 =	vadd.f32 v29, v27  }
0x329: {  	v29 =	vld.idx.msk [tilespmem:v58+s28+$0x0], $0xffff  }
0x32a: {  	v60 =	vadd.s32 s4, v20;
	v27 =	vadd.f32 v28, v27  }
0x32b: {  	v28 =	vld.idx.msk [tilespmem:v59+s28+$0x0], $0xffff  }
0x32c: {  	v61 =	vadd.s32 s4, v21;
	v27 =	vadd.f32 v30, v27  }
0x32d: {  	v30 =	vld.idx.msk [tilespmem:v31+s28+$0x0], $0xffff  }
0x32e: {  	v31 =	vadd.s32 s4, v22;
	v27 =	vadd.f32 v29, v27  }
0x32f: {  	v29 =	vld.idx.msk [tilespmem:v60+s28+$0x0], $0xffff  }
0x330: {  	v62 =	vadd.s32 s4, v23;
	v27 =	vadd.f32 v28, v27  }
0x331: {  	v28 =	vld.idx.msk [tilespmem:v61+s28+$0x0], $0xffff  }
0x332: {  	v63 =	vadd.s32 s4, v24;
	v27 =	vadd.f32 v30, v27  }
0x333: {  	v30 =	vld.idx.msk [tilespmem:v31+s28+$0x0], $0xffff  }
0x334: {  	v31 =	vadd.s32 s4, v25;
	v27 =	vadd.f32 v29, v27  }
0x335: {  	v29 =	vld.idx.msk [tilespmem:v62+s28+$0x0], $0xffff  }
0x336: {  	v27 =	vadd.f32 v28, v27  }
0x337: {  	v28 =	vld.idx.msk [tilespmem:v63+s28+$0x0], $0xffff  }
0x338: {  	v27 =	vadd.f32 v30, v27  }
0x339: {  	v30 =	vld.idx.msk [tilespmem:v31+s28+$0x0], $0xffff  }
0x33a: {  	v27 =	vadd.f32 v29, v27;
	_ =	sdelay $0x1  }
0x33b: {  	v27 =	vadd.f32 v28, v27;
	_ =	sdelay $0x1  }
0x33c: {  	s5 =	simm.s32 $0x1A00;
	v27 =	vadd.f32 v30, v27  }
0x33d: {  	s3 =	sadd.s32 $0x10, s3;
	v28 =	vadd.s32 s5, v0  }
0x33e: {  	[tilespmem:s3+$0x0] =	vst v27  }
0x33f: {  	v27 =	vadd.s32 s5, v1;
	_ =	swait.ge [sflag:s16], $0xD00  }
0x340: {  	[sflag:s16] =	ssyncset.done $0x0  }
0x341: {  	v29 =	vadd.s32 s5, v2;
	[sflag:s16] =	ssyncadd.s32 $0xFFFFF300  }
0x342: {  	v28 =	vld.idx.msk [tilespmem:v28+s28+$0x0], $0xffff  }
0x343: {  	v30 =	vadd.s32 s5, v3  }
0x344: {  	v27 =	vld.idx.msk [tilespmem:v27+s28+$0x0], $0xffff  }
0x345: {  	v31 =	vadd.s32 s5, v4  }
0x346: {  	v29 =	vld.idx.msk [tilespmem:v29+s28+$0x0], $0xffff  }
0x347: {  	v36 =	vadd.s32 s5, v5;
	v28 =	vadd.f32 v28, v26  }
0x348: {  	v30 =	vld.idx.msk [tilespmem:v30+s28+$0x0], $0xffff  }
0x349: {  	v37 =	vadd.s32 s5, v6;
	v27 =	vadd.f32 v27, v28  }
0x34a: {  	v28 =	vld.idx.msk [tilespmem:v31+s28+$0x0], $0xffff  }
0x34b: {  	v31 =	vadd.s32 s5, v7;
	v27 =	vadd.f32 v29, v27  }
0x34c: {  	v29 =	vld.idx.msk [tilespmem:v36+s28+$0x0], $0xffff  }
0x34d: {  	v38 =	vadd.s32 s5, v8;
	v27 =	vadd.f32 v30, v27  }
0x34e: {  	v30 =	vld.idx.msk [tilespmem:v37+s28+$0x0], $0xffff  }
0x34f: {  	v39 =	vadd.s32 s5, v9;
	v27 =	vadd.f32 v28, v27  }
0x350: {  	v28 =	vld.idx.msk [tilespmem:v31+s28+$0x0], $0xffff  }
0x351: {  	v31 =	vadd.s32 s5, v10;
	v27 =	vadd.f32 v29, v27  }
0x352: {  	v29 =	vld.idx.msk [tilespmem:v38+s28+$0x0], $0xffff  }
0x353: {  	v40 =	vadd.s32 s5, v11;
	v27 =	vadd.f32 v30, v27  }
0x354: {  	v30 =	vld.idx.msk [tilespmem:v39+s28+$0x0], $0xffff  }
0x355: {  	v41 =	vadd.s32 s5, v12;
	v27 =	vadd.f32 v28, v27  }
0x356: {  	v28 =	vld.idx.msk [tilespmem:v31+s28+$0x0], $0xffff  }
0x357: {  	v31 =	vadd.s32 s5, v13;
	v27 =	vadd.f32 v29, v27  }
0x358: {  	v29 =	vld.idx.msk [tilespmem:v40+s28+$0x0], $0xffff  }
0x359: {  	v42 =	vadd.s32 s5, v14;
	v27 =	vadd.f32 v30, v27  }
0x35a: {  	v30 =	vld.idx.msk [tilespmem:v41+s28+$0x0], $0xffff  }
0x35b: {  	v43 =	vadd.s32 s5, v15;
	v27 =	vadd.f32 v28, v27  }
0x35c: {  	v28 =	vld.idx.msk [tilespmem:v31+s28+$0x0], $0xffff  }
0x35d: {  	v31 =	vadd.s32 s5, v16;
	v27 =	vadd.f32 v29, v27  }
0x35e: {  	v29 =	vld.idx.msk [tilespmem:v42+s28+$0x0], $0xffff  }
0x35f: {  	v44 =	vadd.s32 s5, v17;
	v27 =	vadd.f32 v30, v27  }
0x360: {  	v30 =	vld.idx.msk [tilespmem:v43+s28+$0x0], $0xffff  }
0x361: {  	v45 =	vadd.s32 s5, v18;
	v27 =	vadd.f32 v28, v27  }
0x362: {  	v28 =	vld.idx.msk [tilespmem:v31+s28+$0x0], $0xffff  }
0x363: {  	v31 =	vadd.s32 s5, v19;
	v27 =	vadd.f32 v29, v27  }
0x364: {  	v29 =	vld.idx.msk [tilespmem:v44+s28+$0x0], $0xffff  }
0x365: {  	v46 =	vadd.s32 s5, v20;
	v27 =	vadd.f32 v30, v27  }
0x366: {  	v30 =	vld.idx.msk [tilespmem:v45+s28+$0x0], $0xffff  }
0x367: {  	v47 =	vadd.s32 s5, v21;
	v27 =	vadd.f32 v28, v27  }
0x368: {  	v28 =	vld.idx.msk [tilespmem:v31+s28+$0x0], $0xffff  }
0x369: {  	v31 =	vadd.s32 s5, v22;
	v27 =	vadd.f32 v29, v27  }
0x36a: {  	v29 =	vld.idx.msk [tilespmem:v46+s28+$0x0], $0xffff  }
0x36b: {  	v48 =	vadd.s32 s5, v23;
	v27 =	vadd.f32 v30, v27  }
0x36c: {  	v30 =	vld.idx.msk [tilespmem:v47+s28+$0x0], $0xffff  }
0x36d: {  	v49 =	vadd.s32 s5, v24;
	v27 =	vadd.f32 v28, v27  }
0x36e: {  	v28 =	vld.idx.msk [tilespmem:v31+s28+$0x0], $0xffff  }
0x36f: {  	v31 =	vadd.s32 s5, v25;
	v27 =	vadd.f32 v29, v27  }
0x370: {  	v29 =	vld.idx.msk [tilespmem:v48+s28+$0x0], $0xffff  }
0x371: {  	v27 =	vadd.f32 v30, v27  }
0x372: {  	v30 =	vld.idx.msk [tilespmem:v49+s28+$0x0], $0xffff  }
0x373: {  	v27 =	vadd.f32 v28, v27  }
0x374: {  	v28 =	vld.idx.msk [tilespmem:v31+s28+$0x0], $0xffff  }
0x375: {  	v27 =	vadd.f32 v29, v27  }
0x376: {  	s5 =	simm.s32 $0x1BA0  }
0x377: {  	v29 =	vadd.s32 s5, v0;
	v27 =	vadd.f32 v30, v27;
	_ =	sdelay $0x1  }
0x378: {  	v30 =	vadd.s32 s5, v1;
	v27 =	vadd.f32 v28, v27  }
0x379: {  	s3 =	simm.s32 $0x6900  }
0x37a: {  	v28 =	vadd.s32 s5, v2;
	[tilespmem:s3+$0x0] =	vst v27  }
0x37b: {  	v27 =	vld.idx.msk [tilespmem:v29+s28+$0x0], $0xffff  }
0x37c: {  	v29 =	vadd.s32 s5, v3  }
0x37d: {  	v30 =	vld.idx.msk [tilespmem:v30+s28+$0x0], $0xffff  }
0x37e: {  	v31 =	vadd.s32 s5, v4  }
0x37f: {  	v28 =	vld.idx.msk [tilespmem:v28+s28+$0x0], $0xffff  }
0x380: {  	v50 =	vadd.s32 s5, v5;
	v27 =	vadd.f32 v27, v26  }
0x381: {  	v29 =	vld.idx.msk [tilespmem:v29+s28+$0x0], $0xffff  }
0x382: {  	v51 =	vadd.s32 s5, v6;
	v27 =	vadd.f32 v30, v27  }
0x383: {  	v30 =	vld.idx.msk [tilespmem:v31+s28+$0x0], $0xffff  }
0x384: {  	v31 =	vadd.s32 s5, v7;
	v27 =	vadd.f32 v28, v27  }
0x385: {  	v28 =	vld.idx.msk [tilespmem:v50+s28+$0x0], $0xffff  }
0x386: {  	v52 =	vadd.s32 s5, v8;
	v27 =	vadd.f32 v29, v27  }
0x387: {  	v29 =	vld.idx.msk [tilespmem:v51+s28+$0x0], $0xffff  }
0x388: {  	v53 =	vadd.s32 s5, v9;
	v27 =	vadd.f32 v30, v27  }
0x389: {  	v30 =	vld.idx.msk [tilespmem:v31+s28+$0x0], $0xffff  }
0x38a: {  	v31 =	vadd.s32 s5, v10;
	v27 =	vadd.f32 v28, v27  }
0x38b: {  	v28 =	vld.idx.msk [tilespmem:v52+s28+$0x0], $0xffff  }
0x38c: {  	v54 =	vadd.s32 s5, v11;
	v27 =	vadd.f32 v29, v27  }
0x38d: {  	v29 =	vld.idx.msk [tilespmem:v53+s28+$0x0], $0xffff  }
0x38e: {  	v55 =	vadd.s32 s5, v12;
	v27 =	vadd.f32 v30, v27  }
0x38f: {  	v30 =	vld.idx.msk [tilespmem:v31+s28+$0x0], $0xffff  }
0x390: {  	v31 =	vadd.s32 s5, v13;
	v27 =	vadd.f32 v28, v27  }
0x391: {  	v28 =	vld.idx.msk [tilespmem:v54+s28+$0x0], $0xffff  }
0x392: {  	v56 =	vadd.s32 s5, v14;
	v27 =	vadd.f32 v29, v27  }
0x393: {  	v29 =	vld.idx.msk [tilespmem:v55+s28+$0x0], $0xffff  }
0x394: {  	v57 =	vadd.s32 s5, v15;
	v27 =	vadd.f32 v30, v27  }
0x395: {  	v30 =	vld.idx.msk [tilespmem:v31+s28+$0x0], $0xffff  }
0x396: {  	v31 =	vadd.s32 s5, v16;
	v27 =	vadd.f32 v28, v27  }
0x397: {  	v28 =	vld.idx.msk [tilespmem:v56+s28+$0x0], $0xffff  }
0x398: {  	v58 =	vadd.s32 s5, v17;
	v27 =	vadd.f32 v29, v27  }
0x399: {  	v29 =	vld.idx.msk [tilespmem:v57+s28+$0x0], $0xffff  }
0x39a: {  	v59 =	vadd.s32 s5, v18;
	v27 =	vadd.f32 v30, v27  }
0x39b: {  	v30 =	vld.idx.msk [tilespmem:v31+s28+$0x0], $0xffff  }
0x39c: {  	v31 =	vadd.s32 s5, v19;
	v27 =	vadd.f32 v28, v27  }
0x39d: {  	v28 =	vld.idx.msk [tilespmem:v58+s28+$0x0], $0xffff  }
0x39e: {  	v60 =	vadd.s32 s5, v20;
	v27 =	vadd.f32 v29, v27  }
0x39f: {  	v29 =	vld.idx.msk [tilespmem:v59+s28+$0x0], $0xffff  }
0x3a0: {  	v61 =	vadd.s32 s5, v21;
	v27 =	vadd.f32 v30, v27  }
0x3a1: {  	v30 =	vld.idx.msk [tilespmem:v31+s28+$0x0], $0xffff  }
0x3a2: {  	v27 =	vadd.f32 v28, v27  }
0x3a3: {  	v31 =	vadd.s32 s5, v22;
	v28 =	vld.idx.msk [tilespmem:v60+s28+$0x0], $0xffff  }
0x3a4: {  	v27 =	vadd.f32 v29, v27  }
0x3a5: {  	v62 =	vadd.s32 s5, v23;
	v29 =	vld.idx.msk [tilespmem:v61+s28+$0x0], $0xffff  }
0x3a6: {  	v27 =	vadd.f32 v30, v27;
	_ =	sdelay $0x1  }
0x3a7: {  	v63 =	vadd.s32 s5, v24;
	v30 =	vld.idx.msk [tilespmem:v31+s28+$0x0], $0xffff;
	v27 =	vadd.f32 v28, v27;
	_ =	sdelay $0x1  }
0x3a8: {  	v28 =	vld.idx.msk [tilespmem:v62+s28+$0x0], $0xffff;
	v27 =	vadd.f32 v29, v27;
	v29 =	vadd.s32 s5, v25;
	_ =	sdelay $0x2  }
0x3a9: {  	v31 =	vld.idx.msk [tilespmem:v63+s28+$0x0], $0xffff;
	v27 =	vadd.f32 v30, v27;
	_ =	sdelay $0x1  }
0x3aa: {  	v30 =	vadd.f32 v28, v27;
	v28 =	vld.idx.msk [tilespmem:v29+s28+$0x0], $0xffff;
	_ =	sdelay $0x1  }
0x3ab: {  	s4 =	simm.s32 $0x1D40  }
0x3ac: {  	s5 =	simm.s32 $0x1EE0;
	v27 =	vadd.s32 s4, v0;
	v29 =	vadd.f32 v31, v30  }
.LBB2_9:
0x3ad: {  	p1 =	sne.s32 s5, $0x2560  }
0x3ae: {  	v30 =	vadd.s32 s4, v1;
	v28 =	vadd.f32 v28, v29  }
0x3af: {  	s3 =	sadd.s32 $0x10, s3  }
0x3b0: {  	v29 =	vadd.s32 s4, v2;
	[tilespmem:s3+$0x0] =	vst v28  }
0x3b1: {  	v27 =	vld.idx.msk [tilespmem:v27+s28+$0x0], $0xffff  }
0x3b2: {  	v28 =	vadd.s32 s4, v3  }
0x3b3: {  	v30 =	vld.idx.msk [tilespmem:v30+s28+$0x0], $0xffff  }
0x3b4: {  	v31 =	vadd.s32 s4, v4  }
0x3b5: {  	v29 =	vld.idx.msk [tilespmem:v29+s28+$0x0], $0xffff  }
0x3b6: {  	v32 =	vadd.s32 s4, v5  }
0x3b7: {  	v27 =	vadd.f32 v27, v26;
	v28 =	vld.idx.msk [tilespmem:v28+s28+$0x0], $0xffff  }
0x3b8: {  	v33 =	vadd.s32 s4, v6  }
0x3b9: {  	v27 =	vadd.f32 v30, v27;
	v30 =	vld.idx.msk [tilespmem:v31+s28+$0x0], $0xffff  }
0x3ba: {  	v31 =	vadd.s32 s4, v7  }
0x3bb: {  	v27 =	vadd.f32 v29, v27;
	v29 =	vld.idx.msk [tilespmem:v32+s28+$0x0], $0xffff  }
0x3bc: {  	v32 =	vadd.s32 s4, v8  }
0x3bd: {  	v27 =	vadd.f32 v28, v27;
	v28 =	vld.idx.msk [tilespmem:v33+s28+$0x0], $0xffff  }
0x3be: {  	v33 =	vadd.s32 s4, v9  }
0x3bf: {  	v27 =	vadd.f32 v30, v27;
	v30 =	vld.idx.msk [tilespmem:v31+s28+$0x0], $0xffff  }
0x3c0: {  	v31 =	vadd.s32 s4, v10  }
0x3c1: {  	v27 =	vadd.f32 v29, v27;
	v29 =	vld.idx.msk [tilespmem:v32+s28+$0x0], $0xffff  }
0x3c2: {  	v32 =	vadd.s32 s4, v11  }
0x3c3: {  	v27 =	vadd.f32 v28, v27;
	v28 =	vld.idx.msk [tilespmem:v33+s28+$0x0], $0xffff  }
0x3c4: {  	v33 =	vadd.s32 s4, v12  }
0x3c5: {  	v27 =	vadd.f32 v30, v27;
	v30 =	vld.idx.msk [tilespmem:v31+s28+$0x0], $0xffff  }
0x3c6: {  	v31 =	vadd.s32 s4, v13  }
0x3c7: {  	v27 =	vadd.f32 v29, v27;
	v29 =	vld.idx.msk [tilespmem:v32+s28+$0x0], $0xffff  }
0x3c8: {  	v32 =	vadd.s32 s4, v14  }
0x3c9: {  	v27 =	vadd.f32 v28, v27;
	v28 =	vld.idx.msk [tilespmem:v33+s28+$0x0], $0xffff  }
0x3ca: {  	v33 =	vadd.s32 s4, v15  }
0x3cb: {  	v27 =	vadd.f32 v30, v27;
	v30 =	vld.idx.msk [tilespmem:v31+s28+$0x0], $0xffff  }
0x3cc: {  	v31 =	vadd.s32 s4, v16  }
0x3cd: {  	v27 =	vadd.f32 v29, v27;
	v29 =	vld.idx.msk [tilespmem:v32+s28+$0x0], $0xffff  }
0x3ce: {  	v32 =	vadd.s32 s4, v17  }
0x3cf: {  	v27 =	vadd.f32 v28, v27;
	v28 =	vld.idx.msk [tilespmem:v33+s28+$0x0], $0xffff  }
0x3d0: {  	v33 =	vadd.s32 s4, v18  }
0x3d1: {  	v27 =	vadd.f32 v30, v27;
	v30 =	vld.idx.msk [tilespmem:v31+s28+$0x0], $0xffff  }
0x3d2: {  	v31 =	vadd.s32 s4, v19  }
0x3d3: {  	v27 =	vadd.f32 v29, v27;
	v29 =	vld.idx.msk [tilespmem:v32+s28+$0x0], $0xffff  }
0x3d4: {  	v32 =	vadd.s32 s4, v20  }
0x3d5: {  	v27 =	vadd.f32 v28, v27;
	v28 =	vld.idx.msk [tilespmem:v33+s28+$0x0], $0xffff  }
0x3d6: {  	v33 =	vadd.s32 s4, v21  }
0x3d7: {  	v27 =	vadd.f32 v30, v27;
	v30 =	vld.idx.msk [tilespmem:v31+s28+$0x0], $0xffff  }
0x3d8: {  	v31 =	vadd.s32 s4, v22  }
0x3d9: {  	v27 =	vadd.f32 v29, v27;
	v29 =	vld.idx.msk [tilespmem:v32+s28+$0x0], $0xffff  }
0x3da: {  	v32 =	vadd.s32 s4, v23  }
0x3db: {  	v27 =	vadd.f32 v28, v27;
	v28 =	vld.idx.msk [tilespmem:v33+s28+$0x0], $0xffff  }
0x3dc: {  	v33 =	vadd.s32 s4, v24  }
0x3dd: {  	v27 =	vadd.f32 v30, v27;
	v30 =	vld.idx.msk [tilespmem:v31+s28+$0x0], $0xffff  }
0x3de: {  	v31 =	vadd.s32 s4, v25;
	s4 =	smov.u32 s5  }
0x3df: {  	v27 =	vadd.f32 v29, v27;
	v29 =	vld.idx.msk [tilespmem:v32+s28+$0x0], $0xffff;
	_ =	sdelay $0x1  }
0x3e0: {  	v27 =	vadd.f32 v28, v27;
	v32 =	vld.idx.msk [tilespmem:v33+s28+$0x0], $0xffff;
	_ =	sdelay $0x1  }
.Ltmp4:
0x3e1: {  	v27 =	vadd.f32 v30, v27;
	v28 =	vld.idx.msk [tilespmem:v31+s28+$0x0], $0xffff;
	(pc) =	sbr.rel @p1 .LBB2_9-.Ltmp4, $3  }
0x3e2: {  	_ = 	snop  }
0x3e3: {  	v29 =	vadd.f32 v29, v27;
	_ =	sdelay $0x1  }
0x3e4: {  	s5 =	sadd.s32 $0x1A0, s5;
	v27 =	vadd.s32 s4, v0;
	v29 =	vadd.f32 v32, v29  }
0x3e5: {  	_ = 	snop  }
0x3e6: {  	v30 =	vadd.s32 s4, v1;
	v28 =	vadd.f32 v28, v29  }
0x3e7: {  	s3 =	sadd.s32 $0x10, s3  }
0x3e8: {  	v29 =	vadd.s32 s4, v2;
	[tilespmem:s3+$0x0] =	vst v28  }
0x3e9: {  	v27 =	vld.idx.msk [tilespmem:v27+s28+$0x0], $0xffff  }
0x3ea: {  	v28 =	vadd.s32 s4, v3  }
0x3eb: {  	v30 =	vld.idx.msk [tilespmem:v30+s28+$0x0], $0xffff  }
0x3ec: {  	v31 =	vadd.s32 s4, v4  }
0x3ed: {  	v29 =	vld.idx.msk [tilespmem:v29+s28+$0x0], $0xffff  }
0x3ee: {  	v32 =	vadd.s32 s4, v5;
	v27 =	vadd.f32 v27, v26  }
0x3ef: {  	v28 =	vld.idx.msk [tilespmem:v28+s28+$0x0], $0xffff  }
0x3f0: {  	v33 =	vadd.s32 s4, v6;
	v27 =	vadd.f32 v30, v27  }
0x3f1: {  	v30 =	vld.idx.msk [tilespmem:v31+s28+$0x0], $0xffff  }
0x3f2: {  	v31 =	vadd.s32 s4, v7;
	v27 =	vadd.f32 v29, v27  }
0x3f3: {  	v29 =	vld.idx.msk [tilespmem:v32+s28+$0x0], $0xffff  }
0x3f4: {  	v52 =	vadd.s32 s4, v8;
	v27 =	vadd.f32 v28, v27  }
0x3f5: {  	v28 =	vld.idx.msk [tilespmem:v33+s28+$0x0], $0xffff  }
0x3f6: {  	v53 =	vadd.s32 s4, v9;
	v27 =	vadd.f32 v30, v27  }
0x3f7: {  	v30 =	vld.idx.msk [tilespmem:v31+s28+$0x0], $0xffff  }
0x3f8: {  	v31 =	vadd.s32 s4, v10;
	v27 =	vadd.f32 v29, v27  }
0x3f9: {  	v29 =	vld.idx.msk [tilespmem:v52+s28+$0x0], $0xffff  }
0x3fa: {  	v54 =	vadd.s32 s4, v11;
	v27 =	vadd.f32 v28, v27  }
0x3fb: {  	v28 =	vld.idx.msk [tilespmem:v53+s28+$0x0], $0xffff  }
0x3fc: {  	v55 =	vadd.s32 s4, v12;
	v27 =	vadd.f32 v30, v27  }
0x3fd: {  	v30 =	vld.idx.msk [tilespmem:v31+s28+$0x0], $0xffff  }
0x3fe: {  	v31 =	vadd.s32 s4, v13;
	v27 =	vadd.f32 v29, v27  }
0x3ff: {  	v29 =	vld.idx.msk [tilespmem:v54+s28+$0x0], $0xffff  }
0x400: {  	v56 =	vadd.s32 s4, v14;
	v27 =	vadd.f32 v28, v27  }
0x401: {  	v28 =	vld.idx.msk [tilespmem:v55+s28+$0x0], $0xffff  }
0x402: {  	v57 =	vadd.s32 s4, v15;
	v27 =	vadd.f32 v30, v27  }
0x403: {  	v30 =	vld.idx.msk [tilespmem:v31+s28+$0x0], $0xffff  }
0x404: {  	v31 =	vadd.s32 s4, v16;
	v27 =	vadd.f32 v29, v27  }
0x405: {  	v29 =	vld.idx.msk [tilespmem:v56+s28+$0x0], $0xffff  }
0x406: {  	v58 =	vadd.s32 s4, v17;
	v27 =	vadd.f32 v28, v27  }
0x407: {  	v28 =	vld.idx.msk [tilespmem:v57+s28+$0x0], $0xffff  }
0x408: {  	v59 =	vadd.s32 s4, v18;
	v27 =	vadd.f32 v30, v27  }
0x409: {  	v30 =	vld.idx.msk [tilespmem:v31+s28+$0x0], $0xffff  }
0x40a: {  	v31 =	vadd.s32 s4, v19;
	v27 =	vadd.f32 v29, v27  }
0x40b: {  	v29 =	vld.idx.msk [tilespmem:v58+s28+$0x0], $0xffff  }
0x40c: {  	v60 =	vadd.s32 s4, v20;
	v27 =	vadd.f32 v28, v27  }
0x40d: {  	v28 =	vld.idx.msk [tilespmem:v59+s28+$0x0], $0xffff  }
0x40e: {  	v61 =	vadd.s32 s4, v21;
	v27 =	vadd.f32 v30, v27  }
0x40f: {  	v30 =	vld.idx.msk [tilespmem:v31+s28+$0x0], $0xffff  }
0x410: {  	v31 =	vadd.s32 s4, v22;
	v27 =	vadd.f32 v29, v27  }
0x411: {  	v29 =	vld.idx.msk [tilespmem:v60+s28+$0x0], $0xffff  }
0x412: {  	v62 =	vadd.s32 s4, v23;
	v27 =	vadd.f32 v28, v27  }
0x413: {  	v28 =	vld.idx.msk [tilespmem:v61+s28+$0x0], $0xffff  }
0x414: {  	v63 =	vadd.s32 s4, v24;
	v27 =	vadd.f32 v30, v27  }
0x415: {  	v30 =	vld.idx.msk [tilespmem:v31+s28+$0x0], $0xffff  }
0x416: {  	v31 =	vadd.s32 s4, v25;
	v27 =	vadd.f32 v29, v27  }
0x417: {  	v29 =	vld.idx.msk [tilespmem:v62+s28+$0x0], $0xffff  }
0x418: {  	v27 =	vadd.f32 v28, v27  }
0x419: {  	v28 =	vld.idx.msk [tilespmem:v63+s28+$0x0], $0xffff  }
0x41a: {  	v27 =	vadd.f32 v30, v27  }
0x41b: {  	v30 =	vld.idx.msk [tilespmem:v31+s28+$0x0], $0xffff  }
0x41c: {  	v27 =	vadd.f32 v29, v27;
	_ =	sdelay $0x1  }
0x41d: {  	v27 =	vadd.f32 v28, v27;
	_ =	sdelay $0x1  }
0x41e: {  	s5 =	simm.s32 $0x2700;
	v27 =	vadd.f32 v30, v27  }
0x41f: {  	s3 =	sadd.s32 $0x10, s3;
	v28 =	vadd.s32 s5, v0  }
0x420: {  	[tilespmem:s3+$0x0] =	vst v27  }
0x421: {  	v27 =	vadd.s32 s5, v1;
	_ =	swait.ge [sflag:s0], $0xD00  }
0x422: {  	[sflag:s0] =	ssyncset.done $0x0  }
0x423: {  	v29 =	vadd.s32 s5, v2;
	[sflag:s0] =	ssyncadd.s32 $0xFFFFF300  }
0x424: {  	v28 =	vld.idx.msk [tilespmem:v28+s28+$0x0], $0xffff  }
0x425: {  	v30 =	vadd.s32 s5, v3  }
0x426: {  	v27 =	vld.idx.msk [tilespmem:v27+s28+$0x0], $0xffff  }
0x427: {  	v31 =	vadd.s32 s5, v4  }
0x428: {  	v29 =	vld.idx.msk [tilespmem:v29+s28+$0x0], $0xffff  }
0x429: {  	v36 =	vadd.s32 s5, v5;
	v28 =	vadd.f32 v28, v26  }
0x42a: {  	v30 =	vld.idx.msk [tilespmem:v30+s28+$0x0], $0xffff  }
0x42b: {  	v37 =	vadd.s32 s5, v6;
	v27 =	vadd.f32 v27, v28  }
0x42c: {  	v28 =	vld.idx.msk [tilespmem:v31+s28+$0x0], $0xffff  }
0x42d: {  	v31 =	vadd.s32 s5, v7;
	v27 =	vadd.f32 v29, v27  }
0x42e: {  	v29 =	vld.idx.msk [tilespmem:v36+s28+$0x0], $0xffff  }
0x42f: {  	v38 =	vadd.s32 s5, v8;
	v27 =	vadd.f32 v30, v27  }
0x430: {  	v30 =	vld.idx.msk [tilespmem:v37+s28+$0x0], $0xffff  }
0x431: {  	v39 =	vadd.s32 s5, v9;
	v27 =	vadd.f32 v28, v27  }
0x432: {  	v28 =	vld.idx.msk [tilespmem:v31+s28+$0x0], $0xffff  }
0x433: {  	v31 =	vadd.s32 s5, v10;
	v27 =	vadd.f32 v29, v27  }
0x434: {  	v29 =	vld.idx.msk [tilespmem:v38+s28+$0x0], $0xffff  }
0x435: {  	v40 =	vadd.s32 s5, v11;
	v27 =	vadd.f32 v30, v27  }
0x436: {  	v30 =	vld.idx.msk [tilespmem:v39+s28+$0x0], $0xffff  }
0x437: {  	v41 =	vadd.s32 s5, v12;
	v27 =	vadd.f32 v28, v27  }
0x438: {  	v28 =	vld.idx.msk [tilespmem:v31+s28+$0x0], $0xffff  }
0x439: {  	v31 =	vadd.s32 s5, v13;
	v27 =	vadd.f32 v29, v27  }
0x43a: {  	v29 =	vld.idx.msk [tilespmem:v40+s28+$0x0], $0xffff  }
0x43b: {  	v42 =	vadd.s32 s5, v14;
	v27 =	vadd.f32 v30, v27  }
0x43c: {  	v30 =	vld.idx.msk [tilespmem:v41+s28+$0x0], $0xffff  }
0x43d: {  	v43 =	vadd.s32 s5, v15;
	v27 =	vadd.f32 v28, v27  }
0x43e: {  	v28 =	vld.idx.msk [tilespmem:v31+s28+$0x0], $0xffff  }
0x43f: {  	v31 =	vadd.s32 s5, v16;
	v27 =	vadd.f32 v29, v27  }
0x440: {  	v29 =	vld.idx.msk [tilespmem:v42+s28+$0x0], $0xffff  }
0x441: {  	v44 =	vadd.s32 s5, v17;
	v27 =	vadd.f32 v30, v27  }
0x442: {  	v30 =	vld.idx.msk [tilespmem:v43+s28+$0x0], $0xffff  }
0x443: {  	v45 =	vadd.s32 s5, v18;
	v27 =	vadd.f32 v28, v27  }
0x444: {  	v28 =	vld.idx.msk [tilespmem:v31+s28+$0x0], $0xffff  }
0x445: {  	v31 =	vadd.s32 s5, v19;
	v27 =	vadd.f32 v29, v27  }
0x446: {  	v29 =	vld.idx.msk [tilespmem:v44+s28+$0x0], $0xffff  }
0x447: {  	v46 =	vadd.s32 s5, v20;
	v27 =	vadd.f32 v30, v27  }
0x448: {  	v30 =	vld.idx.msk [tilespmem:v45+s28+$0x0], $0xffff  }
0x449: {  	v47 =	vadd.s32 s5, v21;
	v27 =	vadd.f32 v28, v27  }
0x44a: {  	v28 =	vld.idx.msk [tilespmem:v31+s28+$0x0], $0xffff  }
0x44b: {  	v31 =	vadd.s32 s5, v22;
	v27 =	vadd.f32 v29, v27  }
0x44c: {  	v29 =	vld.idx.msk [tilespmem:v46+s28+$0x0], $0xffff  }
0x44d: {  	v48 =	vadd.s32 s5, v23;
	v27 =	vadd.f32 v30, v27  }
0x44e: {  	v30 =	vld.idx.msk [tilespmem:v47+s28+$0x0], $0xffff  }
0x44f: {  	v49 =	vadd.s32 s5, v24;
	v27 =	vadd.f32 v28, v27  }
0x450: {  	v28 =	vld.idx.msk [tilespmem:v31+s28+$0x0], $0xffff  }
0x451: {  	v31 =	vadd.s32 s5, v25;
	v27 =	vadd.f32 v29, v27  }
0x452: {  	v29 =	vld.idx.msk [tilespmem:v48+s28+$0x0], $0xffff  }
0x453: {  	v27 =	vadd.f32 v30, v27  }
0x454: {  	v30 =	vld.idx.msk [tilespmem:v49+s28+$0x0], $0xffff  }
0x455: {  	v27 =	vadd.f32 v28, v27  }
0x456: {  	v28 =	vld.idx.msk [tilespmem:v31+s28+$0x0], $0xffff  }
0x457: {  	v27 =	vadd.f32 v29, v27  }
0x458: {  	s5 =	simm.s32 $0x28A0  }
0x459: {  	v29 =	vadd.s32 s5, v0;
	v27 =	vadd.f32 v30, v27;
	_ =	sdelay $0x1  }
0x45a: {  	v30 =	vadd.s32 s5, v1;
	v27 =	vadd.f32 v28, v27  }
0x45b: {  	s3 =	simm.s32 $0x6980  }
0x45c: {  	v28 =	vadd.s32 s5, v2;
	[tilespmem:s3+$0x0] =	vst v27  }
0x45d: {  	v27 =	vld.idx.msk [tilespmem:v29+s28+$0x0], $0xffff  }
0x45e: {  	v29 =	vadd.s32 s5, v3  }
0x45f: {  	v30 =	vld.idx.msk [tilespmem:v30+s28+$0x0], $0xffff  }
0x460: {  	v31 =	vadd.s32 s5, v4  }
0x461: {  	v28 =	vld.idx.msk [tilespmem:v28+s28+$0x0], $0xffff  }
0x462: {  	v50 =	vadd.s32 s5, v5;
	v27 =	vadd.f32 v27, v26  }
0x463: {  	v29 =	vld.idx.msk [tilespmem:v29+s28+$0x0], $0xffff  }
0x464: {  	v51 =	vadd.s32 s5, v6;
	v27 =	vadd.f32 v30, v27  }
0x465: {  	v30 =	vld.idx.msk [tilespmem:v31+s28+$0x0], $0xffff  }
0x466: {  	v31 =	vadd.s32 s5, v7;
	v27 =	vadd.f32 v28, v27  }
0x467: {  	v28 =	vld.idx.msk [tilespmem:v50+s28+$0x0], $0xffff  }
0x468: {  	v52 =	vadd.s32 s5, v8;
	v27 =	vadd.f32 v29, v27  }
0x469: {  	v29 =	vld.idx.msk [tilespmem:v51+s28+$0x0], $0xffff  }
0x46a: {  	v53 =	vadd.s32 s5, v9;
	v27 =	vadd.f32 v30, v27  }
0x46b: {  	v30 =	vld.idx.msk [tilespmem:v31+s28+$0x0], $0xffff  }
0x46c: {  	v31 =	vadd.s32 s5, v10;
	v27 =	vadd.f32 v28, v27  }
0x46d: {  	v28 =	vld.idx.msk [tilespmem:v52+s28+$0x0], $0xffff  }
0x46e: {  	v54 =	vadd.s32 s5, v11;
	v27 =	vadd.f32 v29, v27  }
0x46f: {  	v29 =	vld.idx.msk [tilespmem:v53+s28+$0x0], $0xffff  }
0x470: {  	v55 =	vadd.s32 s5, v12;
	v27 =	vadd.f32 v30, v27  }
0x471: {  	v30 =	vld.idx.msk [tilespmem:v31+s28+$0x0], $0xffff  }
0x472: {  	v31 =	vadd.s32 s5, v13;
	v27 =	vadd.f32 v28, v27  }
0x473: {  	v28 =	vld.idx.msk [tilespmem:v54+s28+$0x0], $0xffff  }
0x474: {  	v56 =	vadd.s32 s5, v14;
	v27 =	vadd.f32 v29, v27  }
0x475: {  	v29 =	vld.idx.msk [tilespmem:v55+s28+$0x0], $0xffff  }
0x476: {  	v57 =	vadd.s32 s5, v15;
	v27 =	vadd.f32 v30, v27  }
0x477: {  	v30 =	vld.idx.msk [tilespmem:v31+s28+$0x0], $0xffff  }
0x478: {  	v31 =	vadd.s32 s5, v16;
	v27 =	vadd.f32 v28, v27  }
0x479: {  	v28 =	vld.idx.msk [tilespmem:v56+s28+$0x0], $0xffff  }
0x47a: {  	v58 =	vadd.s32 s5, v17;
	v27 =	vadd.f32 v29, v27  }
0x47b: {  	v29 =	vld.idx.msk [tilespmem:v57+s28+$0x0], $0xffff  }
0x47c: {  	v59 =	vadd.s32 s5, v18;
	v27 =	vadd.f32 v30, v27  }
0x47d: {  	v30 =	vld.idx.msk [tilespmem:v31+s28+$0x0], $0xffff  }
0x47e: {  	v31 =	vadd.s32 s5, v19;
	v27 =	vadd.f32 v28, v27  }
0x47f: {  	v28 =	vld.idx.msk [tilespmem:v58+s28+$0x0], $0xffff  }
0x480: {  	v60 =	vadd.s32 s5, v20;
	v27 =	vadd.f32 v29, v27  }
0x481: {  	v29 =	vld.idx.msk [tilespmem:v59+s28+$0x0], $0xffff  }
0x482: {  	v61 =	vadd.s32 s5, v21;
	v27 =	vadd.f32 v30, v27  }
0x483: {  	v30 =	vld.idx.msk [tilespmem:v31+s28+$0x0], $0xffff  }
0x484: {  	v27 =	vadd.f32 v28, v27  }
0x485: {  	v31 =	vadd.s32 s5, v22;
	v28 =	vld.idx.msk [tilespmem:v60+s28+$0x0], $0xffff  }
0x486: {  	v27 =	vadd.f32 v29, v27  }
0x487: {  	v62 =	vadd.s32 s5, v23;
	v29 =	vld.idx.msk [tilespmem:v61+s28+$0x0], $0xffff  }
0x488: {  	v27 =	vadd.f32 v30, v27;
	_ =	sdelay $0x1  }
0x489: {  	v63 =	vadd.s32 s5, v24;
	v30 =	vld.idx.msk [tilespmem:v31+s28+$0x0], $0xffff;
	v27 =	vadd.f32 v28, v27;
	_ =	sdelay $0x1  }
0x48a: {  	v28 =	vld.idx.msk [tilespmem:v62+s28+$0x0], $0xffff;
	v27 =	vadd.f32 v29, v27;
	v29 =	vadd.s32 s5, v25;
	_ =	sdelay $0x2  }
0x48b: {  	v31 =	vld.idx.msk [tilespmem:v63+s28+$0x0], $0xffff;
	v27 =	vadd.f32 v30, v27;
	_ =	sdelay $0x1  }
0x48c: {  	v30 =	vadd.f32 v28, v27;
	v28 =	vld.idx.msk [tilespmem:v29+s28+$0x0], $0xffff;
	_ =	sdelay $0x1  }
0x48d: {  	s4 =	simm.s32 $0x2A40  }
0x48e: {  	s5 =	simm.s32 $0x2BE0;
	v27 =	vadd.s32 s4, v0;
	v29 =	vadd.f32 v31, v30  }
.LBB2_11:
0x48f: {  	p1 =	sne.s32 s5, $0x3260  }
0x490: {  	v30 =	vadd.s32 s4, v1;
	v28 =	vadd.f32 v28, v29  }
0x491: {  	s3 =	sadd.s32 $0x10, s3  }
0x492: {  	v29 =	vadd.s32 s4, v2;
	[tilespmem:s3+$0x0] =	vst v28  }
0x493: {  	v27 =	vld.idx.msk [tilespmem:v27+s28+$0x0], $0xffff  }
0x494: {  	v28 =	vadd.s32 s4, v3  }
0x495: {  	v30 =	vld.idx.msk [tilespmem:v30+s28+$0x0], $0xffff  }
0x496: {  	v31 =	vadd.s32 s4, v4  }
0x497: {  	v29 =	vld.idx.msk [tilespmem:v29+s28+$0x0], $0xffff  }
0x498: {  	v32 =	vadd.s32 s4, v5  }
0x499: {  	v27 =	vadd.f32 v27, v26;
	v28 =	vld.idx.msk [tilespmem:v28+s28+$0x0], $0xffff  }
0x49a: {  	v33 =	vadd.s32 s4, v6  }
0x49b: {  	v27 =	vadd.f32 v30, v27;
	v30 =	vld.idx.msk [tilespmem:v31+s28+$0x0], $0xffff  }
0x49c: {  	v31 =	vadd.s32 s4, v7  }
0x49d: {  	v27 =	vadd.f32 v29, v27;
	v29 =	vld.idx.msk [tilespmem:v32+s28+$0x0], $0xffff  }
0x49e: {  	v32 =	vadd.s32 s4, v8  }
0x49f: {  	v27 =	vadd.f32 v28, v27;
	v28 =	vld.idx.msk [tilespmem:v33+s28+$0x0], $0xffff  }
0x4a0: {  	v33 =	vadd.s32 s4, v9  }
0x4a1: {  	v27 =	vadd.f32 v30, v27;
	v30 =	vld.idx.msk [tilespmem:v31+s28+$0x0], $0xffff  }
0x4a2: {  	v31 =	vadd.s32 s4, v10  }
0x4a3: {  	v27 =	vadd.f32 v29, v27;
	v29 =	vld.idx.msk [tilespmem:v32+s28+$0x0], $0xffff  }
0x4a4: {  	v32 =	vadd.s32 s4, v11  }
0x4a5: {  	v27 =	vadd.f32 v28, v27;
	v28 =	vld.idx.msk [tilespmem:v33+s28+$0x0], $0xffff  }
0x4a6: {  	v33 =	vadd.s32 s4, v12  }
0x4a7: {  	v27 =	vadd.f32 v30, v27;
	v30 =	vld.idx.msk [tilespmem:v31+s28+$0x0], $0xffff  }
0x4a8: {  	v31 =	vadd.s32 s4, v13  }
0x4a9: {  	v27 =	vadd.f32 v29, v27;
	v29 =	vld.idx.msk [tilespmem:v32+s28+$0x0], $0xffff  }
0x4aa: {  	v32 =	vadd.s32 s4, v14  }
0x4ab: {  	v27 =	vadd.f32 v28, v27;
	v28 =	vld.idx.msk [tilespmem:v33+s28+$0x0], $0xffff  }
0x4ac: {  	v33 =	vadd.s32 s4, v15  }
0x4ad: {  	v27 =	vadd.f32 v30, v27;
	v30 =	vld.idx.msk [tilespmem:v31+s28+$0x0], $0xffff  }
0x4ae: {  	v31 =	vadd.s32 s4, v16  }
0x4af: {  	v27 =	vadd.f32 v29, v27;
	v29 =	vld.idx.msk [tilespmem:v32+s28+$0x0], $0xffff  }
0x4b0: {  	v32 =	vadd.s32 s4, v17  }
0x4b1: {  	v27 =	vadd.f32 v28, v27;
	v28 =	vld.idx.msk [tilespmem:v33+s28+$0x0], $0xffff  }
0x4b2: {  	v33 =	vadd.s32 s4, v18  }
0x4b3: {  	v27 =	vadd.f32 v30, v27;
	v30 =	vld.idx.msk [tilespmem:v31+s28+$0x0], $0xffff  }
0x4b4: {  	v31 =	vadd.s32 s4, v19  }
0x4b5: {  	v27 =	vadd.f32 v29, v27;
	v29 =	vld.idx.msk [tilespmem:v32+s28+$0x0], $0xffff  }
0x4b6: {  	v32 =	vadd.s32 s4, v20  }
0x4b7: {  	v27 =	vadd.f32 v28, v27;
	v28 =	vld.idx.msk [tilespmem:v33+s28+$0x0], $0xffff  }
0x4b8: {  	v33 =	vadd.s32 s4, v21  }
0x4b9: {  	v27 =	vadd.f32 v30, v27;
	v30 =	vld.idx.msk [tilespmem:v31+s28+$0x0], $0xffff  }
0x4ba: {  	v31 =	vadd.s32 s4, v22  }
0x4bb: {  	v27 =	vadd.f32 v29, v27;
	v29 =	vld.idx.msk [tilespmem:v32+s28+$0x0], $0xffff  }
0x4bc: {  	v32 =	vadd.s32 s4, v23  }
0x4bd: {  	v27 =	vadd.f32 v28, v27;
	v28 =	vld.idx.msk [tilespmem:v33+s28+$0x0], $0xffff  }
0x4be: {  	v33 =	vadd.s32 s4, v24  }
0x4bf: {  	v27 =	vadd.f32 v30, v27;
	v30 =	vld.idx.msk [tilespmem:v31+s28+$0x0], $0xffff  }
0x4c0: {  	v31 =	vadd.s32 s4, v25;
	s4 =	smov.u32 s5  }
0x4c1: {  	v27 =	vadd.f32 v29, v27;
	v29 =	vld.idx.msk [tilespmem:v32+s28+$0x0], $0xffff;
	_ =	sdelay $0x1  }
0x4c2: {  	v27 =	vadd.f32 v28, v27;
	v32 =	vld.idx.msk [tilespmem:v33+s28+$0x0], $0xffff;
	_ =	sdelay $0x1  }
.Ltmp5:
0x4c3: {  	v27 =	vadd.f32 v30, v27;
	v28 =	vld.idx.msk [tilespmem:v31+s28+$0x0], $0xffff;
	(pc) =	sbr.rel @p1 .LBB2_11-.Ltmp5, $3  }
0x4c4: {  	_ = 	snop  }
0x4c5: {  	v29 =	vadd.f32 v29, v27;
	_ =	sdelay $0x1  }
0x4c6: {  	s5 =	sadd.s32 $0x1A0, s5;
	v27 =	vadd.s32 s4, v0;
	v29 =	vadd.f32 v32, v29  }
0x4c7: {  	_ = 	snop  }
0x4c8: {  	v30 =	vadd.s32 s4, v1;
	v28 =	vadd.f32 v28, v29  }
0x4c9: {  	s3 =	sadd.s32 $0x10, s3  }
0x4ca: {  	v55 =	vadd.s32 s4, v2;
	[tilespmem:s3+$0x0] =	vst v28  }
0x4cb: {  	v27 =	vld.idx.msk [tilespmem:v27+s28+$0x0], $0xffff  }
0x4cc: {  	v56 =	vadd.s32 s4, v3  }
0x4cd: {  	v30 =	vld.idx.msk [tilespmem:v30+s28+$0x0], $0xffff  }
0x4ce: {  	v31 =	vadd.s32 s4, v4  }
0x4cf: {  	v29 =	vld.idx.msk [tilespmem:v55+s28+$0x0], $0xffff  }
0x4d0: {  	v32 =	vadd.s32 s4, v5;
	v26 =	vadd.f32 v27, v26  }
0x4d1: {  	v27 =	vld.idx.msk [tilespmem:v56+s28+$0x0], $0xffff  }
0x4d2: {  	v57 =	vadd.s32 s4, v6;
	v26 =	vadd.f32 v30, v26  }
0x4d3: {  	v58 =	vld.idx.msk [tilespmem:v31+s28+$0x0], $0xffff  }
0x4d4: {  	v59 =	vadd.s32 s4, v7;
	v26 =	vadd.f32 v29, v26  }
0x4d5: {  	v60 =	vld.idx.msk [tilespmem:v32+s28+$0x0], $0xffff  }
0x4d6: {  	v61 =	vadd.s32 s4, v8;
	v26 =	vadd.f32 v27, v26  }
0x4d7: {  	v27 =	vld.idx.msk [tilespmem:v57+s28+$0x0], $0xffff  }
0x4d8: {  	v62 =	vadd.s32 s4, v9;
	v26 =	vadd.f32 v58, v26  }
0x4d9: {  	v63 =	vld.idx.msk [tilespmem:v59+s28+$0x0], $0xffff  }
0x4da: {  	v36 =	vadd.s32 s4, v10;
	v26 =	vadd.f32 v60, v26  }
0x4db: {  	v37 =	vld.idx.msk [tilespmem:v61+s28+$0x0], $0xffff  }
0x4dc: {  	v38 =	vadd.s32 s4, v11;
	v26 =	vadd.f32 v27, v26  }
0x4dd: {  	v27 =	vld.idx.msk [tilespmem:v62+s28+$0x0], $0xffff  }
0x4de: {  	v39 =	vadd.s32 s4, v12;
	v26 =	vadd.f32 v63, v26  }
0x4df: {  	v40 =	vld.idx.msk [tilespmem:v36+s28+$0x0], $0xffff  }
0x4e0: {  	v41 =	vadd.s32 s4, v13;
	v26 =	vadd.f32 v37, v26  }
0x4e1: {  	v42 =	vld.idx.msk [tilespmem:v38+s28+$0x0], $0xffff  }
0x4e2: {  	v43 =	vadd.s32 s4, v14;
	v26 =	vadd.f32 v27, v26  }
0x4e3: {  	v27 =	vld.idx.msk [tilespmem:v39+s28+$0x0], $0xffff  }
0x4e4: {  	v44 =	vadd.s32 s4, v15;
	v26 =	vadd.f32 v40, v26  }
0x4e5: {  	v45 =	vld.idx.msk [tilespmem:v41+s28+$0x0], $0xffff  }
0x4e6: {  	v46 =	vadd.s32 s4, v16;
	v26 =	vadd.f32 v42, v26  }
0x4e7: {  	v47 =	vld.idx.msk [tilespmem:v43+s28+$0x0], $0xffff  }
0x4e8: {  	v48 =	vadd.s32 s4, v17;
	v26 =	vadd.f32 v27, v26  }
0x4e9: {  	v27 =	vld.idx.msk [tilespmem:v44+s28+$0x0], $0xffff  }
0x4ea: {  	v49 =	vadd.s32 s4, v18;
	v26 =	vadd.f32 v45, v26  }
0x4eb: {  	v50 =	vld.idx.msk [tilespmem:v46+s28+$0x0], $0xffff  }
0x4ec: {  	v51 =	vadd.s32 s4, v19;
	v26 =	vadd.f32 v47, v26  }
0x4ed: {  	v52 =	vld.idx.msk [tilespmem:v48+s28+$0x0], $0xffff  }
0x4ee: {  	v53 =	vadd.s32 s4, v20;
	v26 =	vadd.f32 v27, v26  }
0x4ef: {  	v27 =	vld.idx.msk [tilespmem:v49+s28+$0x0], $0xffff  }
0x4f0: {  	v54 =	vadd.s32 s4, v21;
	v26 =	vadd.f32 v50, v26  }
0x4f1: {  	v55 =	vld.idx.msk [tilespmem:v51+s28+$0x0], $0xffff  }
0x4f2: {  	v56 =	vadd.s32 s4, v22;
	v26 =	vadd.f32 v52, v26  }
0x4f3: {  	v57 =	vld.idx.msk [tilespmem:v53+s28+$0x0], $0xffff  }
0x4f4: {  	v58 =	vadd.s32 s4, v23;
	v26 =	vadd.f32 v27, v26  }
0x4f5: {  	v27 =	vld.idx.msk [tilespmem:v54+s28+$0x0], $0xffff  }
0x4f6: {  	v59 =	vadd.s32 s4, v24;
	v26 =	vadd.f32 v55, v26  }
0x4f7: {  	v60 =	vld.idx.msk [tilespmem:v56+s28+$0x0], $0xffff  }
0x4f8: {  	v61 =	vadd.s32 s4, v25;
	v26 =	vadd.f32 v57, v26  }
0x4f9: {  	v62 =	vld.idx.msk [tilespmem:v58+s28+$0x0], $0xffff  }
0x4fa: {  	v26 =	vadd.f32 v27, v26  }
0x4fb: {  	v27 =	vld.idx.msk [tilespmem:v59+s28+$0x0], $0xffff  }
0x4fc: {  	v26 =	vadd.f32 v60, v26  }
0x4fd: {  	v63 =	vld.idx.msk [tilespmem:v61+s28+$0x0], $0xffff  }
0x4fe: {  	v26 =	vadd.f32 v62, v26;
	_ =	sdelay $0x1  }
0x4ff: {  	v26 =	vadd.f32 v27, v26;
	_ =	sdelay $0x1  }
0x500: {  	s2 =	sadd.s32 $0x1, s2;
	v26 =	vadd.f32 v63, v26  }
0x501: {  	p1 =	sne.s32 s2, s29;
	s3 =	sadd.s32 $0x10, s3  }
.Ltmp6:
0x502: {  	s5 =	simm.s32 $0x6800;
	[tilespmem:s3+$0x0] =	vst v26;
	(pc) =	sbr.rel @p1 .LBB2_1-.Ltmp6, $4  }
0x503: {  	[hbm4b:s20+s1] =	stream.linear.scatter [tilespmem:s5], [sflag:$0x9], $0x200, $0x38;
	[tilespmem:$0x17DA8] =	vst v63  }
0x504: {  	_ =	swait.ge [sflag:s15], $0x200  }
0x505: {  	[sflag:s15] =	ssyncset.done $0x0  }
0x506: {  	[sflag:s15] =	ssyncadd.s32 $0xFFFFFE00  }
0x507: {  	_ =	sfence.sel $0x180000  }
0x508: {  	[bflag:$0x0] =	sbarrier.arrive $0xFFFF  }
0x509: {  	_ =	strace $0x90000047  }
0x50a: {  	s0 =	stileid.u32;
	[bflag:$0x2] =	sbarrier.arrive $0xFFFF  }
0x50b: {  	p0 =	sne.s32 s0, $0x0;
	s0 =	rddreg [dreg:$0x3]  }
0x50c: {  	s0 =	sadd.s32 @!p0 $0x100000, s0  }
0x50d: {  	[sflag:s0] =	ssyncadd.tile.s32 @!p0 $0x1;
	_ =	shalt  }
.Lfunc_end2:
_tile_overlayer_lowered:
.L_overlay_start_2:
0x50e: {  	(tag) =	ssettag $0x2  }
0x50f: {  	s0 =	rddreg [dreg:$0x0];
	s2 =	stileid.u32  }
0x510: {  	s1 =	rddreg [dreg:$0x1];
	p0 =	sne.s32 s2, $0x0  }
0x511: {  	s3 =	rddreg [dreg:$0x2];
	[bflag:$0x3] =	sbarrier.arrive $0xFFFF;
	s2 =	simm.s32 @!p0 $0x1C09  }
0x512: {  	[timem:s3], [sflag:s2] =	dma.local @!p0 [hbm:s0], s1  }
0x513: {  	s0 =	simm.s32 @!p0 $0x9  }
0x514: {  	_ =	swait.ge @!p0 [sflag:s0], s1  }
0x515: {  	s1 =	ssub.s32 @!p0 $0x0, s1;
	[sflag:s0] =	ssyncset.done @!p0 $0x0  }
0x516: {  	[sflag:s0] =	ssyncadd.s32 @!p0 s1  }
0x517: {  	[bflag:$0x3] =	sbarrier.arrive $0xFFFF  }
0x518: {  	_ =	shalt  }

</sc_bundles>
